<compile_context>
chip_gen: v7x
topology: tpu7x:2x2x1
jax: 0.10.2.dev20260603
libtpu: 0.0.44.dev20260713+nightly
codegen_flags: <defaults>
</compile_context>

<pallas_src>
import functools

import jax
import jax.numpy as jnp
from jax import lax
from jax.experimental import pallas as pl
from jax.experimental.pallas import tpu as pltpu
from jax.experimental.pallas import tpu_sc as plsc

N = 10000
E = 320000
C = 128
HID = 256
NT = 10
NTYPES = 32
NF = 16
NG = 64
EPS = 1e-5

NCORES = 2
NSUB = 16
NWORK = NCORES * NSUB
CHUNK = 128
EPW = -(-(E // NWORK) // CHUNK) * CHUNK
EPAD = EPW * NWORK
NCHUNK = EPW // CHUNK
ACC_N = 10240
RPT = ACC_N // NSUB
DUMMY = N


def _spmm_body(zs_hbm, srcp, dstp, zeros_hbm, out_hbm,
               src_v, dst_v, rows_v, acc_sh, sem):
    c = lax.axis_index("c")
    s = lax.axis_index("s")
    w = c * NSUB + s
    pltpu.sync_copy(zeros_hbm, acc_sh.at[pl.ds(s * RPT, RPT)])
    plsc.subcore_barrier()
    base = w * EPW

    def body(i, carry):
        off = base + i * CHUNK
        pltpu.sync_copy(srcp.at[pl.ds(off, CHUNK)], src_v)
        pltpu.sync_copy(dstp.at[pl.ds(off, CHUNK)], dst_v)
        pltpu.async_copy(zs_hbm.at[src_v], rows_v, sem).wait()
        pltpu.sync_copy(rows_v, acc_sh.at[dst_v], add=True)
        return carry

    lax.fori_loop(0, NCHUNK, body, 0)
    plsc.subcore_barrier()
    pltpu.sync_copy(acc_sh.at[pl.ds(s * RPT, RPT)],
                    out_hbm.at[c, pl.ds(s * RPT, RPT)])


@functools.lru_cache(maxsize=None)
def _spmm_kernel():
    mesh = plsc.VectorSubcoreMesh(core_axis_name="c", subcore_axis_name="s")
    return pl.kernel(
        _spmm_body,
        out_type=jax.ShapeDtypeStruct((NCORES, ACC_N, C), jnp.float32),
        mesh=mesh,
        scratch_types=[
            pltpu.VMEM((CHUNK,), jnp.int32),
            pltpu.VMEM((CHUNK,), jnp.int32),
            pltpu.VMEM((CHUNK, C), jnp.float32),
            pltpu.VMEM_SHARED((ACC_N, C), jnp.float32),
            pltpu.SemaphoreType.DMA,
        ],
    )


def _spmm_call(zs, srcp, dstp, zeros_c):
    return _spmm_kernel()(zs, srcp, dstp, zeros_c)



def _bn_matmul(u, dinv, gamma, beta, w):
    mean = jnp.mean(u, axis=0, keepdims=True)
    var = jnp.mean(u * u, axis=0, keepdims=True) - mean * mean
    hbn = (u - mean) * lax.rsqrt(var + EPS) * gamma + beta
    return dinv * jnp.dot(hbn, w, preferred_element_type=jnp.float32)


def _tc0_body(x_ref, emb_ref, cnt_ref, g_ref, be_ref, w_ref,
              zs_ref, h0_ref, dinv_ref):
    xv = x_ref[...]
    oh = (xv == lax.broadcasted_iota(jnp.int32, (N, NTYPES), 1))
    h0 = jnp.dot(oh.astype(jnp.float32), emb_ref[...],
                 preferred_element_type=jnp.float32)
    deg = cnt_ref[0, :N, 0:1] + cnt_ref[1, :N, 0:1] + 1.0
    dinv = lax.rsqrt(deg)
    zs_ref[...] = _bn_matmul(h0, dinv, g_ref[...], be_ref[...], w_ref[...])
    h0_ref[...] = h0
    dinv_ref[...] = dinv


def _tc0_call(x2, emb, cnt, g, be, w):
    return pl.pallas_call(
        _tc0_body,
        out_shape=[
            jax.ShapeDtypeStruct((N, C), jnp.float32),
            jax.ShapeDtypeStruct((N, C), jnp.float32),
            jax.ShapeDtypeStruct((N, 1), jnp.float32),
        ],
    )(x2, emb, cnt, g, be, w)


def _tc_mid_body(residual, emit_before, s2_ref, zs_ref, dinv_ref, b_ref,
                 g_ref, be_ref, w_ref, *rest):
    if residual:
        before_ref = rest[0]
        rest = rest[1:]
    if emit_before:
        zso_ref, bo_ref = rest
    else:
        (zso_ref,) = rest
    dinv = dinv_ref[...]
    u = (s2_ref[0, :N, :] + s2_ref[1, :N, :] + zs_ref[...]) * dinv + b_ref[...]
    u = jnp.maximum(u, 0.0)
    if residual:
        u = u + before_ref[...]
    if emit_before:
        bo_ref[...] = u
    zso_ref[...] = _bn_matmul(u, dinv, g_ref[...], be_ref[...], w_ref[...])


def _tc_mid_call(s2, zs, dinv, b, g, be, w, before, emit_before):
    residual = before is not None
    outs = [jax.ShapeDtypeStruct((N, C), jnp.float32)]
    if emit_before:
        outs.append(jax.ShapeDtypeStruct((N, C), jnp.float32))
    args = [s2, zs, dinv, b, g, be, w]
    if residual:
        args.append(before)
    return pl.pallas_call(
        functools.partial(_tc_mid_body, residual, emit_before),
        out_shape=outs,
    )(*args)


def _tc_final_body(s2_ref, zs_ref, dinv_ref, b_ref, before_ref, batch_ref,
                   feat_ref, hw_ref, hb_ref, fcw_ref, fcb_ref, out_ref):
    dinv = dinv_ref[...]
    u = (s2_ref[0, :N, :] + s2_ref[1, :N, :] + zs_ref[...]) * dinv + b_ref[...]
    u = jnp.maximum(u, 0.0) + before_ref[...]
    bv = batch_ref[...]
    oh = (bv == lax.broadcasted_iota(jnp.int32, (N, NG), 1)).astype(jnp.float32)
    pooled = lax.dot_general(oh, u, (((0,), (0,)), ((), ())),
                             preferred_element_type=jnp.float32)
    counts = lax.dot_general(oh, jnp.ones((N, 1), jnp.float32),
                             (((0,), (0,)), ((), ())),
                             preferred_element_type=jnp.float32)
    mean = pooled / jnp.maximum(counts, 1.0)
    g = jnp.concatenate([mean, feat_ref[...]], axis=1)
    hid = jnp.maximum(
        jnp.dot(g, hw_ref[...], preferred_element_type=jnp.float32)
        + hb_ref[...], 0.0)
    out_ref[...] = (jnp.dot(hid, fcw_ref[...],
                            preferred_element_type=jnp.float32) + fcb_ref[...])


def _tc_final_call(s2, zs, dinv, b, before, batch2, feats, hw, hb, fcw, fcb):
    return pl.pallas_call(
        _tc_final_body,
        out_shape=jax.ShapeDtypeStruct((NG, C), jnp.float32),
    )(s2, zs, dinv, b, before, batch2, feats, hw, hb, fcw, fcb)



def kernel(x, edge_index, features, batch, emb, bn_gamma, bn_beta,
           conv_w, conv_b, hidden_w, hidden_b, fc_w, fc_b):
    src = edge_index[0].astype(jnp.int32)
    dst = edge_index[1].astype(jnp.int32)
    pad = EPAD - E
    srcp = jnp.concatenate([src, jnp.zeros((pad,), jnp.int32)])
    dstp = jnp.concatenate([dst, jnp.full((pad,), DUMMY, jnp.int32)])
    zeros_c = jnp.zeros((RPT, C), jnp.float32)
    ones_nc = jnp.ones((N, C), jnp.float32)
    x2 = x.reshape(N, 1).astype(jnp.int32)
    batch2 = batch.reshape(N, 1).astype(jnp.int32)
    gam = bn_gamma.reshape(8, 1, C)
    bet = bn_beta.reshape(8, 1, C)
    ws = conv_w.reshape(8, C, C)
    bs = conv_b.reshape(8, 1, C)
    hb = hidden_b.reshape(1, HID)
    fcw = jnp.pad(fc_w, ((0, 0), (0, C - NT)))
    fcb = jnp.pad(fc_b, (0, C - NT)).reshape(1, C)

    cnt = _spmm_call(ones_nc, srcp, dstp, zeros_c)
    zs, before, dinv = _tc0_call(x2, emb, cnt, gam[0], bet[0], ws[0])
    for k in range(8):
        s2 = _spmm_call(zs, srcp, dstp, zeros_c)
        if k < 7:
            res = (k % 2 == 1)
            emit = ((k + 1) % 2 == 0)
            outs = _tc_mid_call(s2, zs, dinv, bs[k], gam[k + 1], bet[k + 1],
                                ws[k + 1], before if res else None, emit)
            if emit:
                zs, before = outs
            else:
                (zs,) = outs
        else:
            out = _tc_final_call(s2, zs, dinv, bs[k], before, batch2,
                                 features, hidden_w, hb, fcw, fcb)
    return out[:, :NT]

# --- scband reference (transcript-rebuilt; emitter-appended) ---
"""Pipeline reference for scband-model-28226525069324 (READ-ONLY COPY).

The authoritative reference and input builder live on the scoring server;
editing this copy changes nothing except your own understanding.
"""

import jax, jax.numpy as jnp
import numpy as np

N_NODES = 10000
N_EDGES = 320000
CHANNELS = 128
HIDDEN = 256
N_TARGETS = 10
N_NODE_TYPES = 32
N_FEATURES = 16
N_GRAPHS = 64
N_CONV = 4
EPS = 1e-5


def setup_inputs(seed: int = 0) -> dict:
    key = jax.random.key(seed)
    ks = jax.random.split(key, 10)
    x = jax.random.randint(ks[0], (N_NODES,), 0, N_NODE_TYPES)
    edge_index = jax.random.randint(ks[1], (2, N_EDGES), 0, N_NODES)
    features = jax.random.normal(ks[2], (N_GRAPHS, N_FEATURES), dtype=jnp.float32)
    batch = jnp.sort(jax.random.randint(ks[3], (N_NODES,), 0, N_GRAPHS))
    emb = jax.random.normal(ks[4], (N_NODE_TYPES, CHANNELS), dtype=jnp.float32)
    bn_gamma = jnp.ones((N_CONV, 2, CHANNELS), dtype=jnp.float32)
    bn_beta = jnp.zeros((N_CONV, 2, CHANNELS), dtype=jnp.float32)
    conv_w = jax.random.normal(ks[5], (N_CONV, 2, CHANNELS, CHANNELS), dtype=jnp.float32) * 0.05
    conv_b = jnp.zeros((N_CONV, 2, CHANNELS), dtype=jnp.float32)
    hidden_w = jax.random.normal(ks[6], (CHANNELS + N_FEATURES, HIDDEN), dtype=jnp.float32) * 0.05
    hidden_b = jnp.zeros((HIDDEN,), dtype=jnp.float32)
    fc_w = jax.random.normal(ks[7], (HIDDEN, N_TARGETS), dtype=jnp.float32) * 0.05
    fc_b = jnp.zeros((N_TARGETS,), dtype=jnp.float32)
    return {"x": x, "edge_index": edge_index, "features": features, "batch": batch,
            "emb": emb, "bn_gamma": bn_gamma, "bn_beta": bn_beta,
            "conv_w": conv_w, "conv_b": conv_b,
            "hidden_w": hidden_w, "hidden_b": hidden_b,
            "fc_w": fc_w, "fc_b": fc_b}


def _batch_norm(h, gamma, beta):
    mean = jnp.mean(h, axis=0)
    var = jnp.var(h, axis=0)
    return (h - mean) / jnp.sqrt(var + EPS) * gamma + beta


def _gcn_conv(h, src, dst, w, b):
    loop = jnp.arange(h.shape[0])
    s = jnp.concatenate([src, loop])
    d = jnp.concatenate([dst, loop])
    deg = jnp.zeros((h.shape[0],), h.dtype).at[d].add(1.0)
    dinv = 1.0 / jnp.sqrt(jnp.maximum(deg, 1.0))
    hw = h @ w
    norm = (dinv[s] * dinv[d])[:, None]
    msg = hw[s] * norm
    out = jnp.zeros_like(hw).at[d].add(msg)
    return out + b


def reference(x, edge_index, features, batch, emb, bn_gamma, bn_beta, conv_w, conv_b, hidden_w, hidden_b, fc_w, fc_b):
    src = edge_index[0]
    dst = edge_index[1]
    h = emb[x]
    for i in range(N_CONV):
        before = h
        h = _batch_norm(h, bn_gamma[i, 0], bn_beta[i, 0])
        h = _gcn_conv(h, src, dst, conv_w[i, 0], conv_b[i, 0])
        h = jax.nn.relu(h)
        h = _batch_norm(h, bn_gamma[i, 1], bn_beta[i, 1])
        h = _gcn_conv(h, src, dst, conv_w[i, 1], conv_b[i, 1])
        h = jax.nn.relu(h)
        h = h + before
    sums = jax.ops.segment_sum(h, batch, num_segments=N_GRAPHS)
    counts = jax.ops.segment_sum(jnp.ones((h.shape[0], 1), h.dtype), batch, num_segments=N_GRAPHS)
    pooled = sums / jnp.maximum(counts, 1.0)
    g = jnp.concatenate([pooled, features], axis=1)
    g = jax.nn.relu(g @ hidden_w + hidden_b)
    return g @ fc_w + fc_b

if __name__ == "__main__":
    import jax
    _d = setup_inputs()
    print(jax.jit(kernel)(*tuple(_d.values())))

</pallas_src>

<mosaic_0001>
#map = affine_map<(d0, d1) -> (0, 0)>
#map1 = affine_map<(d0, d1) -> (0)>
#map2 = affine_map<(d0, d1) -> (0, 0, 0)>
module attributes {stable_mosaic.version = 14 : i64} {
  func.func @_spmm_body(%arg0: i32, %arg1: i32, %arg2: memref<10000x128xf32, #tpu.memory_space<hbm>>, %arg3: memref<323584xi32, #tpu.memory_space<hbm>>, %arg4: memref<323584xi32, #tpu.memory_space<hbm>>, %arg5: memref<640x128xf32, #tpu.memory_space<hbm>>, %arg6: memref<2x10240x128xf32, #tpu.memory_space<hbm>>, %arg7: memref<128xi32, #tpu.memory_space<vmem>>, %arg8: memref<128xi32, #tpu.memory_space<vmem>>, %arg9: memref<128x128xf32, #tpu.memory_space<vmem>>, %arg10: memref<10240x128xf32, #tpu.memory_space<vmem_shared>>, %arg11: memref<!tpu.dma_semaphore, #tpu.memory_space<semaphore_mem>>) attributes {dimension_semantics = [#tpu.dimension_semantics<core_parallel>, #tpu.dimension_semantics<subcore_parallel>], iteration_bounds = array<i64: 2, 16>, scalar_prefetch = 0 : i64, scratch_operands = 5 : i64, tpu.core_type = #tpu.core_type<sc_vector_subcore>, window_params = [{transform_indices = #map}, {transform_indices = #map1}, {transform_indices = #map1}, {transform_indices = #map}, {transform_indices = #map2}]} {
    %mul3A = arith.constant 16 : i32
    %mul3A_0 = arith.muli %arg0, %mul3A : i32
    %add3A = arith.addi %mul3A_0, %arg1 : i32
    %mul3A_1 = arith.constant 640 : i32
    %mul3A_2 = arith.muli %arg1, %mul3A_1 : i32
    "tpu.region"() ({
      %run_scoped3A = tpu.sem_alloc : memref<!tpu.dma_semaphore, #tpu.memory_space<semaphore_mem>>
      %dma_start3A = arith.constant 0 : i32
      %dma_start3A_15 = tpu.memref_slice %arg10[%mul3A_2, %dma_start3A] : memref<10240x128xf32, #tpu.memory_space<vmem_shared>> -> memref<640x128xf32, #tpu.memory_space<vmem_shared>>
      tpu.enqueue_dma source(%arg5 : memref<640x128xf32, #tpu.memory_space<hbm>>) target(%dma_start3A_15 : memref<640x128xf32, #tpu.memory_space<vmem_shared>>) target_semaphore(%run_scoped3A : memref<!tpu.dma_semaphore, #tpu.memory_space<semaphore_mem>>)
      %dma_wait3A = arith.constant 0 : i32
      %dma_wait3A_16 = tpu.memref_slice %arg10[%mul3A_2, %dma_wait3A] : memref<10240x128xf32, #tpu.memory_space<vmem_shared>> -> memref<640x128xf32, #tpu.memory_space<vmem_shared>>
      tpu.wait_dma2 semaphore(%run_scoped3A : memref<!tpu.dma_semaphore, #tpu.memory_space<semaphore_mem>>) src(%arg5 : memref<640x128xf32, #tpu.memory_space<hbm>>) dst(%dma_wait3A_16 : memref<640x128xf32, #tpu.memory_space<vmem_shared>>)
      tpu.yield
    }) : () -> ()
    %barrier3A = arith.constant 0 : index
    tpu.barrier barrier_id(%barrier3A)
    %mul3A_3 = arith.constant 10112 : i32
    %mul3A_4 = arith.muli %add3A, %mul3A_3 : i32
    %scan3A = arith.constant 0 : i32
    %scan3A_5 = arith.constant 0 : i32
    %scan3A_6 = arith.constant 79 : i32
    %scan3A_7 = arith.addi %scan3A_5, %scan3A_6 : i32
    %scan3A_8 = arith.constant 1 : i32
    scf.for %scan3A_15 = %scan3A_5 to %scan3A_7 step %scan3A_8  : i32 {
      %mul3A_16 = arith.constant 128 : i32
      %mul3A_17 = arith.muli %scan3A_15, %mul3A_16 : i32
      %add3A_18 = arith.addi %mul3A_4, %mul3A_17 : i32
      "tpu.region"() ({
        %run_scoped3A = tpu.sem_alloc : memref<!tpu.dma_semaphore, #tpu.memory_space<semaphore_mem>>
        %dma_start3A_23 = tpu.memref_slice %arg3[%add3A_18] : memref<323584xi32, #tpu.memory_space<hbm>> -> memref<128xi32, #tpu.memory_space<hbm>>
        %dma_start3A_24 = tpu.memref_slice %arg3[%add3A_18] : memref<323584xi32, #tpu.memory_space<hbm>> -> memref<128xi32, #tpu.memory_space<hbm>>
        tpu.enqueue_dma source(%dma_start3A_24 : memref<128xi32, #tpu.memory_space<hbm>>) target(%arg7 : memref<128xi32, #tpu.memory_space<vmem>>) target_semaphore(%run_scoped3A : memref<!tpu.dma_semaphore, #tpu.memory_space<semaphore_mem>>)
        %dma_wait3A_25 = tpu.memref_slice %arg3[%add3A_18] : memref<323584xi32, #tpu.memory_space<hbm>> -> memref<128xi32, #tpu.memory_space<hbm>>
        %dma_wait3A_26 = tpu.memref_slice %arg3[%add3A_18] : memref<323584xi32, #tpu.memory_space<hbm>> -> memref<128xi32, #tpu.memory_space<hbm>>
        tpu.wait_dma2 semaphore(%run_scoped3A : memref<!tpu.dma_semaphore, #tpu.memory_space<semaphore_mem>>) src(%dma_wait3A_26 : memref<128xi32, #tpu.memory_space<hbm>>) dst(%arg7 : memref<128xi32, #tpu.memory_space<vmem>>)
        tpu.yield
      }) : () -> ()
      "tpu.region"() ({
        %run_scoped3A = tpu.sem_alloc : memref<!tpu.dma_semaphore, #tpu.memory_space<semaphore_mem>>
        %dma_start3A_23 = tpu.memref_slice %arg4[%add3A_18] : memref<323584xi32, #tpu.memory_space<hbm>> -> memref<128xi32, #tpu.memory_space<hbm>>
        %dma_start3A_24 = tpu.memref_slice %arg4[%add3A_18] : memref<323584xi32, #tpu.memory_space<hbm>> -> memref<128xi32, #tpu.memory_space<hbm>>
        tpu.enqueue_dma source(%dma_start3A_24 : memref<128xi32, #tpu.memory_space<hbm>>) target(%arg8 : memref<128xi32, #tpu.memory_space<vmem>>) target_semaphore(%run_scoped3A : memref<!tpu.dma_semaphore, #tpu.memory_space<semaphore_mem>>)
        %dma_wait3A_25 = tpu.memref_slice %arg4[%add3A_18] : memref<323584xi32, #tpu.memory_space<hbm>> -> memref<128xi32, #tpu.memory_space<hbm>>
        %dma_wait3A_26 = tpu.memref_slice %arg4[%add3A_18] : memref<323584xi32, #tpu.memory_space<hbm>> -> memref<128xi32, #tpu.memory_space<hbm>>
        tpu.wait_dma2 semaphore(%run_scoped3A : memref<!tpu.dma_semaphore, #tpu.memory_space<semaphore_mem>>) src(%dma_wait3A_26 : memref<128xi32, #tpu.memory_space<hbm>>) dst(%arg8 : memref<128xi32, #tpu.memory_space<vmem>>)
        tpu.yield
      }) : () -> ()
      %dma_start3A = arith.constant 0 : i32
      %dma_start3A_19 = arith.constant 0 : i32
      %dma_start3A_20 = tpu.memref_slice %arg2[%dma_start3A, %dma_start3A_19] : memref<10000x128xf32, #tpu.memory_space<hbm>> -> memref<10000x128xf32, #tpu.memory_space<hbm>>
      tpu.enqueue_indirect_dma source(%dma_start3A_20 : memref<10000x128xf32, #tpu.memory_space<hbm>>) target(%arg9 : memref<128x128xf32, #tpu.memory_space<vmem>>) offsets(%arg7 : memref<128xi32, #tpu.memory_space<vmem>>) semaphore(%arg11 : memref<!tpu.dma_semaphore, #tpu.memory_space<semaphore_mem>>)
      %dma_wait3A = arith.constant 0 : i32
      %dma_wait3A_21 = arith.constant 0 : i32
      %dma_wait3A_22 = tpu.memref_slice %arg2[%dma_wait3A, %dma_wait3A_21] : memref<10000x128xf32, #tpu.memory_space<hbm>> -> memref<10000x128xf32, #tpu.memory_space<hbm>>
      tpu.wait_indirect_dma semaphore(%arg11 : memref<!tpu.dma_semaphore, #tpu.memory_space<semaphore_mem>>) src(%dma_wait3A_22 : memref<10000x128xf32, #tpu.memory_space<hbm>>) dst(%arg9 : memref<128x128xf32, #tpu.memory_space<vmem>>)
      "tpu.region"() ({
        %run_scoped3A = tpu.sem_alloc : memref<!tpu.dma_semaphore, #tpu.memory_space<semaphore_mem>>
        %dma_start3A_23 = arith.constant 0 : i32
        %dma_start3A_24 = arith.constant 0 : i32
        %dma_start3A_25 = tpu.memref_slice %arg10[%dma_start3A_23, %dma_start3A_24] : memref<10240x128xf32, #tpu.memory_space<vmem_shared>> -> memref<10240x128xf32, #tpu.memory_space<vmem_shared>>
        tpu.enqueue_indirect_dma source(%arg9 : memref<128x128xf32, #tpu.memory_space<vmem>>) target(%dma_start3A_25 : memref<10240x128xf32, #tpu.memory_space<vmem_shared>>) offsets(%arg8 : memref<128xi32, #tpu.memory_space<vmem>>) semaphore(%run_scoped3A : memref<!tpu.dma_semaphore, #tpu.memory_space<semaphore_mem>>) {add = true}
        %dma_wait3A_26 = arith.constant 0 : i32
        %dma_wait3A_27 = arith.constant 0 : i32
        %dma_wait3A_28 = tpu.memref_slice %arg10[%dma_wait3A_26, %dma_wait3A_27] : memref<10240x128xf32, #tpu.memory_space<vmem_shared>> -> memref<10240x128xf32, #tpu.memory_space<vmem_shared>>
        tpu.wait_indirect_dma semaphore(%run_scoped3A : memref<!tpu.dma_semaphore, #tpu.memory_space<semaphore_mem>>) src(%arg9 : memref<128x128xf32, #tpu.memory_space<vmem>>) dst(%dma_wait3A_28 : memref<10240x128xf32, #tpu.memory_space<vmem_shared>>)
        tpu.yield
      }) : () -> ()
    }
    %scan3A_9 = arith.constant 79 : i32
    %barrier3A_10 = arith.constant 0 : index
    tpu.barrier barrier_id(%barrier3A_10)
    %mul3A_11 = arith.constant 640 : i32
    %mul3A_12 = arith.muli %arg1, %mul3A_11 : i32
    %mul3A_13 = arith.constant 640 : i32
    %mul3A_14 = arith.muli %arg1, %mul3A_13 : i32
    "tpu.region"() ({
      %run_scoped3A = tpu.sem_alloc : memref<!tpu.dma_semaphore, #tpu.memory_space<semaphore_mem>>
      %dma_start3A = arith.constant 0 : i32
      %dma_start3A_15 = tpu.memref_slice %arg6[%arg0, %mul3A_14, %dma_start3A] : memref<2x10240x128xf32, #tpu.memory_space<hbm>> -> memref<1x640x128xf32, #tpu.memory_space<hbm>>
      %dma_start3A_16 = tpu.memref_squeeze %dma_start3A_15 : memref<1x640x128xf32, #tpu.memory_space<hbm>> -> memref<640x128xf32, #tpu.memory_space<hbm>>
      %dma_start3A_17 = arith.constant 0 : i32
      %dma_start3A_18 = tpu.memref_slice %arg10[%mul3A_12, %dma_start3A_17] : memref<10240x128xf32, #tpu.memory_space<vmem_shared>> -> memref<640x128xf32, #tpu.memory_space<vmem_shared>>
      tpu.enqueue_dma source(%dma_start3A_18 : memref<640x128xf32, #tpu.memory_space<vmem_shared>>) target(%dma_start3A_16 : memref<640x128xf32, #tpu.memory_space<hbm>>) target_semaphore(%run_scoped3A : memref<!tpu.dma_semaphore, #tpu.memory_space<semaphore_mem>>)
      %dma_wait3A = arith.constant 0 : i32
      %dma_wait3A_19 = tpu.memref_slice %arg6[%arg0, %mul3A_14, %dma_wait3A] : memref<2x10240x128xf32, #tpu.memory_space<hbm>> -> memref<1x640x128xf32, #tpu.memory_space<hbm>>
      %dma_wait3A_20 = tpu.memref_squeeze %dma_wait3A_19 : memref<1x640x128xf32, #tpu.memory_space<hbm>> -> memref<640x128xf32, #tpu.memory_space<hbm>>
      %dma_wait3A_21 = arith.constant 0 : i32
      %dma_wait3A_22 = tpu.memref_slice %arg10[%mul3A_12, %dma_wait3A_21] : memref<10240x128xf32, #tpu.memory_space<vmem_shared>> -> memref<640x128xf32, #tpu.memory_space<vmem_shared>>
      tpu.wait_dma2 semaphore(%run_scoped3A : memref<!tpu.dma_semaphore, #tpu.memory_space<semaphore_mem>>) src(%dma_wait3A_22 : memref<640x128xf32, #tpu.memory_space<vmem_shared>>) dst(%dma_wait3A_20 : memref<640x128xf32, #tpu.memory_space<hbm>>)
      tpu.yield
    }) : () -> ()
    return
  }
}

#map = affine_map<(d0, d1) -> (0, 0)>
#map1 = affine_map<(d0, d1) -> (0)>
#map2 = affine_map<(d0, d1) -> (0, 0, 0)>
module attributes {stable_mosaic.version = 14 : i64} {
  func.func @_spmm_body(%arg0: i32, %arg1: i32, %arg2: memref<10000x128xf32, #tpu.memory_space<hbm>>, %arg3: memref<323584xi32, #tpu.memory_space<hbm>>, %arg4: memref<323584xi32, #tpu.memory_space<hbm>>, %arg5: memref<640x128xf32, #tpu.memory_space<hbm>>, %arg6: memref<2x10240x128xf32, #tpu.memory_space<hbm>>, %arg7: memref<128xi32, #tpu.memory_space<vmem>>, %arg8: memref<128xi32, #tpu.memory_space<vmem>>, %arg9: memref<128x128xf32, #tpu.memory_space<vmem>>, %arg10: memref<10240x128xf32, #tpu.memory_space<vmem_shared>>, %arg11: memref<!tpu.dma_semaphore, #tpu.memory_space<semaphore_mem>>) attributes {dimension_semantics = [#tpu.dimension_semantics<core_parallel>, #tpu.dimension_semantics<subcore_parallel>], iteration_bounds = array<i64: 2, 16>, scalar_prefetch = 0 : i64, scratch_operands = 5 : i64, tpu.core_type = #tpu.core_type<sc_vector_subcore>, window_params = [{transform_indices = #map}, {transform_indices = #map1}, {transform_indices = #map1}, {transform_indices = #map}, {transform_indices = #map2}]} {
    %mul3A = arith.constant 16 : i32
    %mul3A_0 = arith.muli %arg0, %mul3A : i32
    %add3A = arith.addi %mul3A_0, %arg1 : i32
    %mul3A_1 = arith.constant 640 : i32
    %mul3A_2 = arith.muli %arg1, %mul3A_1 : i32
    "tpu.region"() ({
      %run_scoped3A = tpu.sem_alloc : memref<!tpu.dma_semaphore, #tpu.memory_space<semaphore_mem>>
      %dma_start3A = arith.constant 0 : i32
      %dma_start3A_15 = tpu.memref_slice %arg10[%mul3A_2, %dma_start3A] : memref<10240x128xf32, #tpu.memory_space<vmem_shared>> -> memref<640x128xf32, #tpu.memory_space<vmem_shared>>
      tpu.enqueue_dma source(%arg5 : memref<640x128xf32, #tpu.memory_space<hbm>>) target(%dma_start3A_15 : memref<640x128xf32, #tpu.memory_space<vmem_shared>>) target_semaphore(%run_scoped3A : memref<!tpu.dma_semaphore, #tpu.memory_space<semaphore_mem>>)
      %dma_wait3A = arith.constant 0 : i32
      %dma_wait3A_16 = tpu.memref_slice %arg10[%mul3A_2, %dma_wait3A] : memref<10240x128xf32, #tpu.memory_space<vmem_shared>> -> memref<640x128xf32, #tpu.memory_space<vmem_shared>>
      tpu.wait_dma2 semaphore(%run_scoped3A : memref<!tpu.dma_semaphore, #tpu.memory_space<semaphore_mem>>) src(%arg5 : memref<640x128xf32, #tpu.memory_space<hbm>>) dst(%dma_wait3A_16 : memref<640x128xf32, #tpu.memory_space<vmem_shared>>)
      tpu.yield
    }) : () -> ()
    %barrier3A = arith.constant 0 : index
    tpu.barrier barrier_id(%barrier3A)
    %mul3A_3 = arith.constant 10112 : i32
    %mul3A_4 = arith.muli %add3A, %mul3A_3 : i32
    %scan3A = arith.constant 0 : i32
    %scan3A_5 = arith.constant 0 : i32
    %scan3A_6 = arith.constant 79 : i32
    %scan3A_7 = arith.addi %scan3A_5, %scan3A_6 : i32
    %scan3A_8 = arith.constant 1 : i32
    scf.for %scan3A_15 = %scan3A_5 to %scan3A_7 step %scan3A_8  : i32 {
      %mul3A_16 = arith.constant 128 : i32
      %mul3A_17 = arith.muli %scan3A_15, %mul3A_16 : i32
      %add3A_18 = arith.addi %mul3A_4, %mul3A_17 : i32
      "tpu.region"() ({
        %run_scoped3A = tpu.sem_alloc : memref<!tpu.dma_semaphore, #tpu.memory_space<semaphore_mem>>
        %dma_start3A_23 = tpu.memref_slice %arg3[%add3A_18] : memref<323584xi32, #tpu.memory_space<hbm>> -> memref<128xi32, #tpu.memory_space<hbm>>
        %dma_start3A_24 = tpu.memref_slice %arg3[%add3A_18] : memref<323584xi32, #tpu.memory_space<hbm>> -> memref<128xi32, #tpu.memory_space<hbm>>
        tpu.enqueue_dma source(%dma_start3A_24 : memref<128xi32, #tpu.memory_space<hbm>>) target(%arg7 : memref<128xi32, #tpu.memory_space<vmem>>) target_semaphore(%run_scoped3A : memref<!tpu.dma_semaphore, #tpu.memory_space<semaphore_mem>>)
        %dma_wait3A_25 = tpu.memref_slice %arg3[%add3A_18] : memref<323584xi32, #tpu.memory_space<hbm>> -> memref<128xi32, #tpu.memory_space<hbm>>
        %dma_wait3A_26 = tpu.memref_slice %arg3[%add3A_18] : memref<323584xi32, #tpu.memory_space<hbm>> -> memref<128xi32, #tpu.memory_space<hbm>>
        tpu.wait_dma2 semaphore(%run_scoped3A : memref<!tpu.dma_semaphore, #tpu.memory_space<semaphore_mem>>) src(%dma_wait3A_26 : memref<128xi32, #tpu.memory_space<hbm>>) dst(%arg7 : memref<128xi32, #tpu.memory_space<vmem>>)
        tpu.yield
      }) : () -> ()
      "tpu.region"() ({
        %run_scoped3A = tpu.sem_alloc : memref<!tpu.dma_semaphore, #tpu.memory_space<semaphore_mem>>
        %dma_start3A_23 = tpu.memref_slice %arg4[%add3A_18] : memref<323584xi32, #tpu.memory_space<hbm>> -> memref<128xi32, #tpu.memory_space<hbm>>
        %dma_start3A_24 = tpu.memref_slice %arg4[%add3A_18] : memref<323584xi32, #tpu.memory_space<hbm>> -> memref<128xi32, #tpu.memory_space<hbm>>
        tpu.enqueue_dma source(%dma_start3A_24 : memref<128xi32, #tpu.memory_space<hbm>>) target(%arg8 : memref<128xi32, #tpu.memory_space<vmem>>) target_semaphore(%run_scoped3A : memref<!tpu.dma_semaphore, #tpu.memory_space<semaphore_mem>>)
        %dma_wait3A_25 = tpu.memref_slice %arg4[%add3A_18] : memref<323584xi32, #tpu.memory_space<hbm>> -> memref<128xi32, #tpu.memory_space<hbm>>
        %dma_wait3A_26 = tpu.memref_slice %arg4[%add3A_18] : memref<323584xi32, #tpu.memory_space<hbm>> -> memref<128xi32, #tpu.memory_space<hbm>>
        tpu.wait_dma2 semaphore(%run_scoped3A : memref<!tpu.dma_semaphore, #tpu.memory_space<semaphore_mem>>) src(%dma_wait3A_26 : memref<128xi32, #tpu.memory_space<hbm>>) dst(%arg8 : memref<128xi32, #tpu.memory_space<vmem>>)
        tpu.yield
      }) : () -> ()
      %dma_start3A = arith.constant 0 : i32
      %dma_start3A_19 = arith.constant 0 : i32
      %dma_start3A_20 = tpu.memref_slice %arg2[%dma_start3A, %dma_start3A_19] : memref<10000x128xf32, #tpu.memory_space<hbm>> -> memref<10000x128xf32, #tpu.memory_space<hbm>>
      tpu.enqueue_indirect_dma source(%dma_start3A_20 : memref<10000x128xf32, #tpu.memory_space<hbm>>) target(%arg9 : memref<128x128xf32, #tpu.memory_space<vmem>>) offsets(%arg7 : memref<128xi32, #tpu.memory_space<vmem>>) semaphore(%arg11 : memref<!tpu.dma_semaphore, #tpu.memory_space<semaphore_mem>>)
      %dma_wait3A = arith.constant 0 : i32
      %dma_wait3A_21 = arith.constant 0 : i32
      %dma_wait3A_22 = tpu.memref_slice %arg2[%dma_wait3A, %dma_wait3A_21] : memref<10000x128xf32, #tpu.memory_space<hbm>> -> memref<10000x128xf32, #tpu.memory_space<hbm>>
      tpu.wait_indirect_dma semaphore(%arg11 : memref<!tpu.dma_semaphore, #tpu.memory_space<semaphore_mem>>) src(%dma_wait3A_22 : memref<10000x128xf32, #tpu.memory_space<hbm>>) dst(%arg9 : memref<128x128xf32, #tpu.memory_space<vmem>>)
      "tpu.region"() ({
        %run_scoped3A = tpu.sem_alloc : memref<!tpu.dma_semaphore, #tpu.memory_space<semaphore_mem>>
        %dma_start3A_23 = arith.constant 0 : i32
        %dma_start3A_24 = arith.constant 0 : i32
        %dma_start3A_25 = tpu.memref_slice %arg10[%dma_start3A_23, %dma_start3A_24] : memref<10240x128xf32, #tpu.memory_space<vmem_shared>> -> memref<10240x128xf32, #tpu.memory_space<vmem_shared>>
        tpu.enqueue_indirect_dma source(%arg9 : memref<128x128xf32, #tpu.memory_space<vmem>>) target(%dma_start3A_25 : memref<10240x128xf32, #tpu.memory_space<vmem_shared>>) offsets(%arg8 : memref<128xi32, #tpu.memory_space<vmem>>) semaphore(%run_scoped3A : memref<!tpu.dma_semaphore, #tpu.memory_space<semaphore_mem>>) {add = true}
        %dma_wait3A_26 = arith.constant 0 : i32
        %dma_wait3A_27 = arith.constant 0 : i32
        %dma_wait3A_28 = tpu.memref_slice %arg10[%dma_wait3A_26, %dma_wait3A_27] : memref<10240x128xf32, #tpu.memory_space<vmem_shared>> -> memref<10240x128xf32, #tpu.memory_space<vmem_shared>>
        tpu.wait_indirect_dma semaphore(%run_scoped3A : memref<!tpu.dma_semaphore, #tpu.memory_space<semaphore_mem>>) src(%arg9 : memref<128x128xf32, #tpu.memory_space<vmem>>) dst(%dma_wait3A_28 : memref<10240x128xf32, #tpu.memory_space<vmem_shared>>)
        tpu.yield
      }) : () -> ()
    }
    %scan3A_9 = arith.constant 79 : i32
    %barrier3A_10 = arith.constant 0 : index
    tpu.barrier barrier_id(%barrier3A_10)
    %mul3A_11 = arith.constant 640 : i32
    %mul3A_12 = arith.muli %arg1, %mul3A_11 : i32
    %mul3A_13 = arith.constant 640 : i32
    %mul3A_14 = arith.muli %arg1, %mul3A_13 : i32
    "tpu.region"() ({
      %run_scoped3A = tpu.sem_alloc : memref<!tpu.dma_semaphore, #tpu.memory_space<semaphore_mem>>
      %dma_start3A = arith.constant 0 : i32
      %dma_start3A_15 = tpu.memref_slice %arg6[%arg0, %mul3A_14, %dma_start3A] : memref<2x10240x128xf32, #tpu.memory_space<hbm>> -> memref<1x640x128xf32, #tpu.memory_space<hbm>>
      %dma_start3A_16 = tpu.memref_squeeze %dma_start3A_15 : memref<1x640x128xf32, #tpu.memory_space<hbm>> -> memref<640x128xf32, #tpu.memory_space<hbm>>
      %dma_start3A_17 = arith.constant 0 : i32
      %dma_start3A_18 = tpu.memref_slice %arg10[%mul3A_12, %dma_start3A_17] : memref<10240x128xf32, #tpu.memory_space<vmem_shared>> -> memref<640x128xf32, #tpu.memory_space<vmem_shared>>
      tpu.enqueue_dma source(%dma_start3A_18 : memref<640x128xf32, #tpu.memory_space<vmem_shared>>) target(%dma_start3A_16 : memref<640x128xf32, #tpu.memory_space<hbm>>) target_semaphore(%run_scoped3A : memref<!tpu.dma_semaphore, #tpu.memory_space<semaphore_mem>>)
      %dma_wait3A = arith.constant 0 : i32
      %dma_wait3A_19 = tpu.memref_slice %arg6[%arg0, %mul3A_14, %dma_wait3A] : memref<2x10240x128xf32, #tpu.memory_space<hbm>> -> memref<1x640x128xf32, #tpu.memory_space<hbm>>
      %dma_wait3A_20 = tpu.memref_squeeze %dma_wait3A_19 : memref<1x640x128xf32, #tpu.memory_space<hbm>> -> memref<640x128xf32, #tpu.memory_space<hbm>>
      %dma_wait3A_21 = arith.constant 0 : i32
      %dma_wait3A_22 = tpu.memref_slice %arg10[%mul3A_12, %dma_wait3A_21] : memref<10240x128xf32, #tpu.memory_space<vmem_shared>> -> memref<640x128xf32, #tpu.memory_space<vmem_shared>>
      tpu.wait_dma2 semaphore(%run_scoped3A : memref<!tpu.dma_semaphore, #tpu.memory_space<semaphore_mem>>) src(%dma_wait3A_22 : memref<640x128xf32, #tpu.memory_space<vmem_shared>>) dst(%dma_wait3A_20 : memref<640x128xf32, #tpu.memory_space<hbm>>)
      tpu.yield
    }) : () -> ()
    return
  }
}

#map = affine_map<(d0, d1) -> (0, 0)>
#map1 = affine_map<(d0, d1) -> (0)>
#map2 = affine_map<(d0, d1) -> (0, 0, 0)>
module attributes {stable_mosaic.version = 14 : i64} {
  func.func @_spmm_body(%arg0: i32, %arg1: i32, %arg2: memref<10000x128xf32, #tpu.memory_space<hbm>>, %arg3: memref<323584xi32, #tpu.memory_space<hbm>>, %arg4: memref<323584xi32, #tpu.memory_space<hbm>>, %arg5: memref<640x128xf32, #tpu.memory_space<hbm>>, %arg6: memref<2x10240x128xf32, #tpu.memory_space<hbm>>, %arg7: memref<128xi32, #tpu.memory_space<vmem>>, %arg8: memref<128xi32, #tpu.memory_space<vmem>>, %arg9: memref<128x128xf32, #tpu.memory_space<vmem>>, %arg10: memref<10240x128xf32, #tpu.memory_space<vmem_shared>>, %arg11: memref<!tpu.dma_semaphore, #tpu.memory_space<semaphore_mem>>) attributes {dimension_semantics = [#tpu.dimension_semantics<core_parallel>, #tpu.dimension_semantics<subcore_parallel>], iteration_bounds = array<i64: 2, 16>, scalar_prefetch = 0 : i64, scratch_operands = 5 : i64, tpu.core_type = #tpu.core_type<sc_vector_subcore>, window_params = [{transform_indices = #map}, {transform_indices = #map1}, {transform_indices = #map1}, {transform_indices = #map}, {transform_indices = #map2}]} {
    %mul3A = arith.constant 16 : i32
    %mul3A_0 = arith.muli %arg0, %mul3A : i32
    %add3A = arith.addi %mul3A_0, %arg1 : i32
    %mul3A_1 = arith.constant 640 : i32
    %mul3A_2 = arith.muli %arg1, %mul3A_1 : i32
    "tpu.region"() ({
      %run_scoped3A = tpu.sem_alloc : memref<!tpu.dma_semaphore, #tpu.memory_space<semaphore_mem>>
      %dma_start3A = arith.constant 0 : i32
      %dma_start3A_15 = tpu.memref_slice %arg10[%mul3A_2, %dma_start3A] : memref<10240x128xf32, #tpu.memory_space<vmem_shared>> -> memref<640x128xf32, #tpu.memory_space<vmem_shared>>
      tpu.enqueue_dma source(%arg5 : memref<640x128xf32, #tpu.memory_space<hbm>>) target(%dma_start3A_15 : memref<640x128xf32, #tpu.memory_space<vmem_shared>>) target_semaphore(%run_scoped3A : memref<!tpu.dma_semaphore, #tpu.memory_space<semaphore_mem>>)
      %dma_wait3A = arith.constant 0 : i32
      %dma_wait3A_16 = tpu.memref_slice %arg10[%mul3A_2, %dma_wait3A] : memref<10240x128xf32, #tpu.memory_space<vmem_shared>> -> memref<640x128xf32, #tpu.memory_space<vmem_shared>>
      tpu.wait_dma2 semaphore(%run_scoped3A : memref<!tpu.dma_semaphore, #tpu.memory_space<semaphore_mem>>) src(%arg5 : memref<640x128xf32, #tpu.memory_space<hbm>>) dst(%dma_wait3A_16 : memref<640x128xf32, #tpu.memory_space<vmem_shared>>)
      tpu.yield
    }) : () -> ()
    %barrier3A = arith.constant 0 : index
    tpu.barrier barrier_id(%barrier3A)
    %mul3A_3 = arith.constant 10112 : i32
    %mul3A_4 = arith.muli %add3A, %mul3A_3 : i32
    %scan3A = arith.constant 0 : i32
    %scan3A_5 = arith.constant 0 : i32
    %scan3A_6 = arith.constant 79 : i32
    %scan3A_7 = arith.addi %scan3A_5, %scan3A_6 : i32
    %scan3A_8 = arith.constant 1 : i32
    scf.for %scan3A_15 = %scan3A_5 to %scan3A_7 step %scan3A_8  : i32 {
      %mul3A_16 = arith.constant 128 : i32
      %mul3A_17 = arith.muli %scan3A_15, %mul3A_16 : i32
      %add3A_18 = arith.addi %mul3A_4, %mul3A_17 : i32
      "tpu.region"() ({
        %run_scoped3A = tpu.sem_alloc : memref<!tpu.dma_semaphore, #tpu.memory_space<semaphore_mem>>
        %dma_start3A_23 = tpu.memref_slice %arg3[%add3A_18] : memref<323584xi32, #tpu.memory_space<hbm>> -> memref<128xi32, #tpu.memory_space<hbm>>
        %dma_start3A_24 = tpu.memref_slice %arg3[%add3A_18] : memref<323584xi32, #tpu.memory_space<hbm>> -> memref<128xi32, #tpu.memory_space<hbm>>
        tpu.enqueue_dma source(%dma_start3A_24 : memref<128xi32, #tpu.memory_space<hbm>>) target(%arg7 : memref<128xi32, #tpu.memory_space<vmem>>) target_semaphore(%run_scoped3A : memref<!tpu.dma_semaphore, #tpu.memory_space<semaphore_mem>>)
        %dma_wait3A_25 = tpu.memref_slice %arg3[%add3A_18] : memref<323584xi32, #tpu.memory_space<hbm>> -> memref<128xi32, #tpu.memory_space<hbm>>
        %dma_wait3A_26 = tpu.memref_slice %arg3[%add3A_18] : memref<323584xi32, #tpu.memory_space<hbm>> -> memref<128xi32, #tpu.memory_space<hbm>>
        tpu.wait_dma2 semaphore(%run_scoped3A : memref<!tpu.dma_semaphore, #tpu.memory_space<semaphore_mem>>) src(%dma_wait3A_26 : memref<128xi32, #tpu.memory_space<hbm>>) dst(%arg7 : memref<128xi32, #tpu.memory_space<vmem>>)
        tpu.yield
      }) : () -> ()
      "tpu.region"() ({
        %run_scoped3A = tpu.sem_alloc : memref<!tpu.dma_semaphore, #tpu.memory_space<semaphore_mem>>
        %dma_start3A_23 = tpu.memref_slice %arg4[%add3A_18] : memref<323584xi32, #tpu.memory_space<hbm>> -> memref<128xi32, #tpu.memory_space<hbm>>
        %dma_start3A_24 = tpu.memref_slice %arg4[%add3A_18] : memref<323584xi32, #tpu.memory_space<hbm>> -> memref<128xi32, #tpu.memory_space<hbm>>
        tpu.enqueue_dma source(%dma_start3A_24 : memref<128xi32, #tpu.memory_space<hbm>>) target(%arg8 : memref<128xi32, #tpu.memory_space<vmem>>) target_semaphore(%run_scoped3A : memref<!tpu.dma_semaphore, #tpu.memory_space<semaphore_mem>>)
        %dma_wait3A_25 = tpu.memref_slice %arg4[%add3A_18] : memref<323584xi32, #tpu.memory_space<hbm>> -> memref<128xi32, #tpu.memory_space<hbm>>
        %dma_wait3A_26 = tpu.memref_slice %arg4[%add3A_18] : memref<323584xi32, #tpu.memory_space<hbm>> -> memref<128xi32, #tpu.memory_space<hbm>>
        tpu.wait_dma2 semaphore(%run_scoped3A : memref<!tpu.dma_semaphore, #tpu.memory_space<semaphore_mem>>) src(%dma_wait3A_26 : memref<128xi32, #tpu.memory_space<hbm>>) dst(%arg8 : memref<128xi32, #tpu.memory_space<vmem>>)
        tpu.yield
      }) : () -> ()
      %dma_start3A = arith.constant 0 : i32
      %dma_start3A_19 = arith.constant 0 : i32
      %dma_start3A_20 = tpu.memref_slice %arg2[%dma_start3A, %dma_start3A_19] : memref<10000x128xf32, #tpu.memory_space<hbm>> -> memref<10000x128xf32, #tpu.memory_space<hbm>>
      tpu.enqueue_indirect_dma source(%dma_start3A_20 : memref<10000x128xf32, #tpu.memory_space<hbm>>) target(%arg9 : memref<128x128xf32, #tpu.memory_space<vmem>>) offsets(%arg7 : memref<128xi32, #tpu.memory_space<vmem>>) semaphore(%arg11 : memref<!tpu.dma_semaphore, #tpu.memory_space<semaphore_mem>>)
      %dma_wait3A = arith.constant 0 : i32
      %dma_wait3A_21 = arith.constant 0 : i32
      %dma_wait3A_22 = tpu.memref_slice %arg2[%dma_wait3A, %dma_wait3A_21] : memref<10000x128xf32, #tpu.memory_space<hbm>> -> memref<10000x128xf32, #tpu.memory_space<hbm>>
      tpu.wait_indirect_dma semaphore(%arg11 : memref<!tpu.dma_semaphore, #tpu.memory_space<semaphore_mem>>) src(%dma_wait3A_22 : memref<10000x128xf32, #tpu.memory_space<hbm>>) dst(%arg9 : memref<128x128xf32, #tpu.memory_space<vmem>>)
      "tpu.region"() ({
        %run_scoped3A = tpu.sem_alloc : memref<!tpu.dma_semaphore, #tpu.memory_space<semaphore_mem>>
        %dma_start3A_23 = arith.constant 0 : i32
        %dma_start3A_24 = arith.constant 0 : i32
        %dma_start3A_25 = tpu.memref_slice %arg10[%dma_start3A_23, %dma_start3A_24] : memref<10240x128xf32, #tpu.memory_space<vmem_shared>> -> memref<10240x128xf32, #tpu.memory_space<vmem_shared>>
        tpu.enqueue_indirect_dma source(%arg9 : memref<128x128xf32, #tpu.memory_space<vmem>>) target(%dma_start3A_25 : memref<10240x128xf32, #tpu.memory_space<vmem_shared>>) offsets(%arg8 : memref<128xi32, #tpu.memory_space<vmem>>) semaphore(%run_scoped3A : memref<!tpu.dma_semaphore, #tpu.memory_space<semaphore_mem>>) {add = true}
        %dma_wait3A_26 = arith.constant 0 : i32
        %dma_wait3A_27 = arith.constant 0 : i32
        %dma_wait3A_28 = tpu.memref_slice %arg10[%dma_wait3A_26, %dma_wait3A_27] : memref<10240x128xf32, #tpu.memory_space<vmem_shared>> -> memref<10240x128xf32, #tpu.memory_space<vmem_shared>>
        tpu.wait_indirect_dma semaphore(%run_scoped3A : memref<!tpu.dma_semaphore, #tpu.memory_space<semaphore_mem>>) src(%arg9 : memref<128x128xf32, #tpu.memory_space<vmem>>) dst(%dma_wait3A_28 : memref<10240x128xf32, #tpu.memory_space<vmem_shared>>)
        tpu.yield
      }) : () -> ()
    }
    %scan3A_9 = arith.constant 79 : i32
    %barrier3A_10 = arith.constant 0 : index
    tpu.barrier barrier_id(%barrier3A_10)
    %mul3A_11 = arith.constant 640 : i32
    %mul3A_12 = arith.muli %arg1, %mul3A_11 : i32
    %mul3A_13 = arith.constant 640 : i32
    %mul3A_14 = arith.muli %arg1, %mul3A_13 : i32
    "tpu.region"() ({
      %run_scoped3A = tpu.sem_alloc : memref<!tpu.dma_semaphore, #tpu.memory_space<semaphore_mem>>
      %dma_start3A = arith.constant 0 : i32
      %dma_start3A_15 = tpu.memref_slice %arg6[%arg0, %mul3A_14, %dma_start3A] : memref<2x10240x128xf32, #tpu.memory_space<hbm>> -> memref<1x640x128xf32, #tpu.memory_space<hbm>>
      %dma_start3A_16 = tpu.memref_squeeze %dma_start3A_15 : memref<1x640x128xf32, #tpu.memory_space<hbm>> -> memref<640x128xf32, #tpu.memory_space<hbm>>
      %dma_start3A_17 = arith.constant 0 : i32
      %dma_start3A_18 = tpu.memref_slice %arg10[%mul3A_12, %dma_start3A_17] : memref<10240x128xf32, #tpu.memory_space<vmem_shared>> -> memref<640x128xf32, #tpu.memory_space<vmem_shared>>
      tpu.enqueue_dma source(%dma_start3A_18 : memref<640x128xf32, #tpu.memory_space<vmem_shared>>) target(%dma_start3A_16 : memref<640x128xf32, #tpu.memory_space<hbm>>) target_semaphore(%run_scoped3A : memref<!tpu.dma_semaphore, #tpu.memory_space<semaphore_mem>>)
      %dma_wait3A = arith.constant 0 : i32
      %dma_wait3A_19 = tpu.memref_slice %arg6[%arg0, %mul3A_14, %dma_wait3A] : memref<2x10240x128xf32, #tpu.memory_space<hbm>> -> memref<1x640x128xf32, #tpu.memory_space<hbm>>
      %dma_wait3A_20 = tpu.memref_squeeze %dma_wait3A_19 : memref<1x640x128xf32, #tpu.memory_space<hbm>> -> memref<640x128xf32, #tpu.memory_space<hbm>>
      %dma_wait3A_21 = arith.constant 0 : i32
      %dma_wait3A_22 = tpu.memref_slice %arg10[%mul3A_12, %dma_wait3A_21] : memref<10240x128xf32, #tpu.memory_space<vmem_shared>> -> memref<640x128xf32, #tpu.memory_space<vmem_shared>>
      tpu.wait_dma2 semaphore(%run_scoped3A : memref<!tpu.dma_semaphore, #tpu.memory_space<semaphore_mem>>) src(%dma_wait3A_22 : memref<640x128xf32, #tpu.memory_space<vmem_shared>>) dst(%dma_wait3A_20 : memref<640x128xf32, #tpu.memory_space<hbm>>)
      tpu.yield
    }) : () -> ()
    return
  }
}

#map = affine_map<(d0, d1) -> (0, 0)>
#map1 = affine_map<(d0, d1) -> (0)>
#map2 = affine_map<(d0, d1) -> (0, 0, 0)>
module attributes {stable_mosaic.version = 14 : i64} {
  func.func @_spmm_body(%arg0: i32, %arg1: i32, %arg2: memref<10000x128xf32, #tpu.memory_space<hbm>>, %arg3: memref<323584xi32, #tpu.memory_space<hbm>>, %arg4: memref<323584xi32, #tpu.memory_space<hbm>>, %arg5: memref<640x128xf32, #tpu.memory_space<hbm>>, %arg6: memref<2x10240x128xf32, #tpu.memory_space<hbm>>, %arg7: memref<128xi32, #tpu.memory_space<vmem>>, %arg8: memref<128xi32, #tpu.memory_space<vmem>>, %arg9: memref<128x128xf32, #tpu.memory_space<vmem>>, %arg10: memref<10240x128xf32, #tpu.memory_space<vmem_shared>>, %arg11: memref<!tpu.dma_semaphore, #tpu.memory_space<semaphore_mem>>) attributes {dimension_semantics = [#tpu.dimension_semantics<core_parallel>, #tpu.dimension_semantics<subcore_parallel>], iteration_bounds = array<i64: 2, 16>, scalar_prefetch = 0 : i64, scratch_operands = 5 : i64, tpu.core_type = #tpu.core_type<sc_vector_subcore>, window_params = [{transform_indices = #map}, {transform_indices = #map1}, {transform_indices = #map1}, {transform_indices = #map}, {transform_indices = #map2}]} {
    %mul3A = arith.constant 16 : i32
    %mul3A_0 = arith.muli %arg0, %mul3A : i32
    %add3A = arith.addi %mul3A_0, %arg1 : i32
    %mul3A_1 = arith.constant 640 : i32
    %mul3A_2 = arith.muli %arg1, %mul3A_1 : i32
    "tpu.region"() ({
      %run_scoped3A = tpu.sem_alloc : memref<!tpu.dma_semaphore, #tpu.memory_space<semaphore_mem>>
      %dma_start3A = arith.constant 0 : i32
      %dma_start3A_15 = tpu.memref_slice %arg10[%mul3A_2, %dma_start3A] : memref<10240x128xf32, #tpu.memory_space<vmem_shared>> -> memref<640x128xf32, #tpu.memory_space<vmem_shared>>
      tpu.enqueue_dma source(%arg5 : memref<640x128xf32, #tpu.memory_space<hbm>>) target(%dma_start3A_15 : memref<640x128xf32, #tpu.memory_space<vmem_shared>>) target_semaphore(%run_scoped3A : memref<!tpu.dma_semaphore, #tpu.memory_space<semaphore_mem>>)
      %dma_wait3A = arith.constant 0 : i32
      %dma_wait3A_16 = tpu.memref_slice %arg10[%mul3A_2, %dma_wait3A] : memref<10240x128xf32, #tpu.memory_space<vmem_shared>> -> memref<640x128xf32, #tpu.memory_space<vmem_shared>>
      tpu.wait_dma2 semaphore(%run_scoped3A : memref<!tpu.dma_semaphore, #tpu.memory_space<semaphore_mem>>) src(%arg5 : memref<640x128xf32, #tpu.memory_space<hbm>>) dst(%dma_wait3A_16 : memref<640x128xf32, #tpu.memory_space<vmem_shared>>)
      tpu.yield
    }) : () -> ()
    %barrier3A = arith.constant 0 : index
    tpu.barrier barrier_id(%barrier3A)
    %mul3A_3 = arith.constant 10112 : i32
    %mul3A_4 = arith.muli %add3A, %mul3A_3 : i32
    %scan3A = arith.constant 0 : i32
    %scan3A_5 = arith.constant 0 : i32
    %scan3A_6 = arith.constant 79 : i32
    %scan3A_7 = arith.addi %scan3A_5, %scan3A_6 : i32
    %scan3A_8 = arith.constant 1 : i32
    scf.for %scan3A_15 = %scan3A_5 to %scan3A_7 step %scan3A_8  : i32 {
      %mul3A_16 = arith.constant 128 : i32
      %mul3A_17 = arith.muli %scan3A_15, %mul3A_16 : i32
      %add3A_18 = arith.addi %mul3A_4, %mul3A_17 : i32
      "tpu.region"() ({
        %run_scoped3A = tpu.sem_alloc : memref<!tpu.dma_semaphore, #tpu.memory_space<semaphore_mem>>
        %dma_start3A_23 = tpu.memref_slice %arg3[%add3A_18] : memref<323584xi32, #tpu.memory_space<hbm>> -> memref<128xi32, #tpu.memory_space<hbm>>
        %dma_start3A_24 = tpu.memref_slice %arg3[%add3A_18] : memref<323584xi32, #tpu.memory_space<hbm>> -> memref<128xi32, #tpu.memory_space<hbm>>
        tpu.enqueue_dma source(%dma_start3A_24 : memref<128xi32, #tpu.memory_space<hbm>>) target(%arg7 : memref<128xi32, #tpu.memory_space<vmem>>) target_semaphore(%run_scoped3A : memref<!tpu.dma_semaphore, #tpu.memory_space<semaphore_mem>>)
        %dma_wait3A_25 = tpu.memref_slice %arg3[%add3A_18] : memref<323584xi32, #tpu.memory_space<hbm>> -> memref<128xi32, #tpu.memory_space<hbm>>
        %dma_wait3A_26 = tpu.memref_slice %arg3[%add3A_18] : memref<323584xi32, #tpu.memory_space<hbm>> -> memref<128xi32, #tpu.memory_space<hbm>>
        tpu.wait_dma2 semaphore(%run_scoped3A : memref<!tpu.dma_semaphore, #tpu.memory_space<semaphore_mem>>) src(%dma_wait3A_26 : memref<128xi32, #tpu.memory_space<hbm>>) dst(%arg7 : memref<128xi32, #tpu.memory_space<vmem>>)
        tpu.yield
      }) : () -> ()
      "tpu.region"() ({
        %run_scoped3A = tpu.sem_alloc : memref<!tpu.dma_semaphore, #tpu.memory_space<semaphore_mem>>
        %dma_start3A_23 = tpu.memref_slice %arg4[%add3A_18] : memref<323584xi32, #tpu.memory_space<hbm>> -> memref<128xi32, #tpu.memory_space<hbm>>
        %dma_start3A_24 = tpu.memref_slice %arg4[%add3A_18] : memref<323584xi32, #tpu.memory_space<hbm>> -> memref<128xi32, #tpu.memory_space<hbm>>
        tpu.enqueue_dma source(%dma_start3A_24 : memref<128xi32, #tpu.memory_space<hbm>>) target(%arg8 : memref<128xi32, #tpu.memory_space<vmem>>) target_semaphore(%run_scoped3A : memref<!tpu.dma_semaphore, #tpu.memory_space<semaphore_mem>>)
        %dma_wait3A_25 = tpu.memref_slice %arg4[%add3A_18] : memref<323584xi32, #tpu.memory_space<hbm>> -> memref<128xi32, #tpu.memory_space<hbm>>
        %dma_wait3A_26 = tpu.memref_slice %arg4[%add3A_18] : memref<323584xi32, #tpu.memory_space<hbm>> -> memref<128xi32, #tpu.memory_space<hbm>>
        tpu.wait_dma2 semaphore(%run_scoped3A : memref<!tpu.dma_semaphore, #tpu.memory_space<semaphore_mem>>) src(%dma_wait3A_26 : memref<128xi32, #tpu.memory_space<hbm>>) dst(%arg8 : memref<128xi32, #tpu.memory_space<vmem>>)
        tpu.yield
      }) : () -> ()
      %dma_start3A = arith.constant 0 : i32
      %dma_start3A_19 = arith.constant 0 : i32
      %dma_start3A_20 = tpu.memref_slice %arg2[%dma_start3A, %dma_start3A_19] : memref<10000x128xf32, #tpu.memory_space<hbm>> -> memref<10000x128xf32, #tpu.memory_space<hbm>>
      tpu.enqueue_indirect_dma source(%dma_start3A_20 : memref<10000x128xf32, #tpu.memory_space<hbm>>) target(%arg9 : memref<128x128xf32, #tpu.memory_space<vmem>>) offsets(%arg7 : memref<128xi32, #tpu.memory_space<vmem>>) semaphore(%arg11 : memref<!tpu.dma_semaphore, #tpu.memory_space<semaphore_mem>>)
      %dma_wait3A = arith.constant 0 : i32
      %dma_wait3A_21 = arith.constant 0 : i32
      %dma_wait3A_22 = tpu.memref_slice %arg2[%dma_wait3A, %dma_wait3A_21] : memref<10000x128xf32, #tpu.memory_space<hbm>> -> memref<10000x128xf32, #tpu.memory_space<hbm>>
      tpu.wait_indirect_dma semaphore(%arg11 : memref<!tpu.dma_semaphore, #tpu.memory_space<semaphore_mem>>) src(%dma_wait3A_22 : memref<10000x128xf32, #tpu.memory_space<hbm>>) dst(%arg9 : memref<128x128xf32, #tpu.memory_space<vmem>>)
      "tpu.region"() ({
        %run_scoped3A = tpu.sem_alloc : memref<!tpu.dma_semaphore, #tpu.memory_space<semaphore_mem>>
        %dma_start3A_23 = arith.constant 0 : i32
        %dma_start3A_24 = arith.constant 0 : i32
        %dma_start3A_25 = tpu.memref_slice %arg10[%dma_start3A_23, %dma_start3A_24] : memref<10240x128xf32, #tpu.memory_space<vmem_shared>> -> memref<10240x128xf32, #tpu.memory_space<vmem_shared>>
        tpu.enqueue_indirect_dma source(%arg9 : memref<128x128xf32, #tpu.memory_space<vmem>>) target(%dma_start3A_25 : memref<10240x128xf32, #tpu.memory_space<vmem_shared>>) offsets(%arg8 : memref<128xi32, #tpu.memory_space<vmem>>) semaphore(%run_scoped3A : memref<!tpu.dma_semaphore, #tpu.memory_space<semaphore_mem>>) {add = true}
        %dma_wait3A_26 = arith.constant 0 : i32
        %dma_wait3A_27 = arith.constant 0 : i32
        %dma_wait3A_28 = tpu.memref_slice %arg10[%dma_wait3A_26, %dma_wait3A_27] : memref<10240x128xf32, #tpu.memory_space<vmem_shared>> -> memref<10240x128xf32, #tpu.memory_space<vmem_shared>>
        tpu.wait_indirect_dma semaphore(%run_scoped3A : memref<!tpu.dma_semaphore, #tpu.memory_space<semaphore_mem>>) src(%arg9 : memref<128x128xf32, #tpu.memory_space<vmem>>) dst(%dma_wait3A_28 : memref<10240x128xf32, #tpu.memory_space<vmem_shared>>)
        tpu.yield
      }) : () -> ()
    }
    %scan3A_9 = arith.constant 79 : i32
    %barrier3A_10 = arith.constant 0 : index
    tpu.barrier barrier_id(%barrier3A_10)
    %mul3A_11 = arith.constant 640 : i32
    %mul3A_12 = arith.muli %arg1, %mul3A_11 : i32
    %mul3A_13 = arith.constant 640 : i32
    %mul3A_14 = arith.muli %arg1, %mul3A_13 : i32
    "tpu.region"() ({
      %run_scoped3A = tpu.sem_alloc : memref<!tpu.dma_semaphore, #tpu.memory_space<semaphore_mem>>
      %dma_start3A = arith.constant 0 : i32
      %dma_start3A_15 = tpu.memref_slice %arg6[%arg0, %mul3A_14, %dma_start3A] : memref<2x10240x128xf32, #tpu.memory_space<hbm>> -> memref<1x640x128xf32, #tpu.memory_space<hbm>>
      %dma_start3A_16 = tpu.memref_squeeze %dma_start3A_15 : memref<1x640x128xf32, #tpu.memory_space<hbm>> -> memref<640x128xf32, #tpu.memory_space<hbm>>
      %dma_start3A_17 = arith.constant 0 : i32
      %dma_start3A_18 = tpu.memref_slice %arg10[%mul3A_12, %dma_start3A_17] : memref<10240x128xf32, #tpu.memory_space<vmem_shared>> -> memref<640x128xf32, #tpu.memory_space<vmem_shared>>
      tpu.enqueue_dma source(%dma_start3A_18 : memref<640x128xf32, #tpu.memory_space<vmem_shared>>) target(%dma_start3A_16 : memref<640x128xf32, #tpu.memory_space<hbm>>) target_semaphore(%run_scoped3A : memref<!tpu.dma_semaphore, #tpu.memory_space<semaphore_mem>>)
      %dma_wait3A = arith.constant 0 : i32
      %dma_wait3A_19 = tpu.memref_slice %arg6[%arg0, %mul3A_14, %dma_wait3A] : memref<2x10240x128xf32, #tpu.memory_space<hbm>> -> memref<1x640x128xf32, #tpu.memory_space<hbm>>
      %dma_wait3A_20 = tpu.memref_squeeze %dma_wait3A_19 : memref<1x640x128xf32, #tpu.memory_space<hbm>> -> memref<640x128xf32, #tpu.memory_space<hbm>>
      %dma_wait3A_21 = arith.constant 0 : i32
      %dma_wait3A_22 = tpu.memref_slice %arg10[%mul3A_12, %dma_wait3A_21] : memref<10240x128xf32, #tpu.memory_space<vmem_shared>> -> memref<640x128xf32, #tpu.memory_space<vmem_shared>>
      tpu.wait_dma2 semaphore(%run_scoped3A : memref<!tpu.dma_semaphore, #tpu.memory_space<semaphore_mem>>) src(%dma_wait3A_22 : memref<640x128xf32, #tpu.memory_space<vmem_shared>>) dst(%dma_wait3A_20 : memref<640x128xf32, #tpu.memory_space<hbm>>)
      tpu.yield
    }) : () -> ()
    return
  }
}

#map = affine_map<(d0, d1) -> (0, 0)>
#map1 = affine_map<(d0, d1) -> (0)>
#map2 = affine_map<(d0, d1) -> (0, 0, 0)>
module attributes {stable_mosaic.version = 14 : i64} {
  func.func @_spmm_body(%arg0: i32, %arg1: i32, %arg2: memref<10000x128xf32, #tpu.memory_space<hbm>>, %arg3: memref<323584xi32, #tpu.memory_space<hbm>>, %arg4: memref<323584xi32, #tpu.memory_space<hbm>>, %arg5: memref<640x128xf32, #tpu.memory_space<hbm>>, %arg6: memref<2x10240x128xf32, #tpu.memory_space<hbm>>, %arg7: memref<128xi32, #tpu.memory_space<vmem>>, %arg8: memref<128xi32, #tpu.memory_space<vmem>>, %arg9: memref<128x128xf32, #tpu.memory_space<vmem>>, %arg10: memref<10240x128xf32, #tpu.memory_space<vmem_shared>>, %arg11: memref<!tpu.dma_semaphore, #tpu.memory_space<semaphore_mem>>) attributes {dimension_semantics = [#tpu.dimension_semantics<core_parallel>, #tpu.dimension_semantics<subcore_parallel>], iteration_bounds = array<i64: 2, 16>, scalar_prefetch = 0 : i64, scratch_operands = 5 : i64, tpu.core_type = #tpu.core_type<sc_vector_subcore>, window_params = [{transform_indices = #map}, {transform_indices = #map1}, {transform_indices = #map1}, {transform_indices = #map}, {transform_indices = #map2}]} {
    %mul3A = arith.constant 16 : i32
    %mul3A_0 = arith.muli %arg0, %mul3A : i32
    %add3A = arith.addi %mul3A_0, %arg1 : i32
    %mul3A_1 = arith.constant 640 : i32
    %mul3A_2 = arith.muli %arg1, %mul3A_1 : i32
    "tpu.region"() ({
      %run_scoped3A = tpu.sem_alloc : memref<!tpu.dma_semaphore, #tpu.memory_space<semaphore_mem>>
      %dma_start3A = arith.constant 0 : i32
      %dma_start3A_15 = tpu.memref_slice %arg10[%mul3A_2, %dma_start3A] : memref<10240x128xf32, #tpu.memory_space<vmem_shared>> -> memref<640x128xf32, #tpu.memory_space<vmem_shared>>
      tpu.enqueue_dma source(%arg5 : memref<640x128xf32, #tpu.memory_space<hbm>>) target(%dma_start3A_15 : memref<640x128xf32, #tpu.memory_space<vmem_shared>>) target_semaphore(%run_scoped3A : memref<!tpu.dma_semaphore, #tpu.memory_space<semaphore_mem>>)
      %dma_wait3A = arith.constant 0 : i32
      %dma_wait3A_16 = tpu.memref_slice %arg10[%mul3A_2, %dma_wait3A] : memref<10240x128xf32, #tpu.memory_space<vmem_shared>> -> memref<640x128xf32, #tpu.memory_space<vmem_shared>>
      tpu.wait_dma2 semaphore(%run_scoped3A : memref<!tpu.dma_semaphore, #tpu.memory_space<semaphore_mem>>) src(%arg5 : memref<640x128xf32, #tpu.memory_space<hbm>>) dst(%dma_wait3A_16 : memref<640x128xf32, #tpu.memory_space<vmem_shared>>)
      tpu.yield
    }) : () -> ()
    %barrier3A = arith.constant 0 : index
    tpu.barrier barrier_id(%barrier3A)
    %mul3A_3 = arith.constant 10112 : i32
    %mul3A_4 = arith.muli %add3A, %mul3A_3 : i32
    %scan3A = arith.constant 0 : i32
    %scan3A_5 = arith.constant 0 : i32
    %scan3A_6 = arith.constant 79 : i32
    %scan3A_7 = arith.addi %scan3A_5, %scan3A_6 : i32
    %scan3A_8 = arith.constant 1 : i32
    scf.for %scan3A_15 = %scan3A_5 to %scan3A_7 step %scan3A_8  : i32 {
      %mul3A_16 = arith.constant 128 : i32
      %mul3A_17 = arith.muli %scan3A_15, %mul3A_16 : i32
      %add3A_18 = arith.addi %mul3A_4, %mul3A_17 : i32
      "tpu.region"() ({
        %run_scoped3A = tpu.sem_alloc : memref<!tpu.dma_semaphore, #tpu.memory_space<semaphore_mem>>
        %dma_start3A_23 = tpu.memref_slice %arg3[%add3A_18] : memref<323584xi32, #tpu.memory_space<hbm>> -> memref<128xi32, #tpu.memory_space<hbm>>
        %dma_start3A_24 = tpu.memref_slice %arg3[%add3A_18] : memref<323584xi32, #tpu.memory_space<hbm>> -> memref<128xi32, #tpu.memory_space<hbm>>
        tpu.enqueue_dma source(%dma_start3A_24 : memref<128xi32, #tpu.memory_space<hbm>>) target(%arg7 : memref<128xi32, #tpu.memory_space<vmem>>) target_semaphore(%run_scoped3A : memref<!tpu.dma_semaphore, #tpu.memory_space<semaphore_mem>>)
        %dma_wait3A_25 = tpu.memref_slice %arg3[%add3A_18] : memref<323584xi32, #tpu.memory_space<hbm>> -> memref<128xi32, #tpu.memory_space<hbm>>
        %dma_wait3A_26 = tpu.memref_slice %arg3[%add3A_18] : memref<323584xi32, #tpu.memory_space<hbm>> -> memref<128xi32, #tpu.memory_space<hbm>>
        tpu.wait_dma2 semaphore(%run_scoped3A : memref<!tpu.dma_semaphore, #tpu.memory_space<semaphore_mem>>) src(%dma_wait3A_26 : memref<128xi32, #tpu.memory_space<hbm>>) dst(%arg7 : memref<128xi32, #tpu.memory_space<vmem>>)
        tpu.yield
      }) : () -> ()
      "tpu.region"() ({
        %run_scoped3A = tpu.sem_alloc : memref<!tpu.dma_semaphore, #tpu.memory_space<semaphore_mem>>
        %dma_start3A_23 = tpu.memref_slice %arg4[%add3A_18] : memref<323584xi32, #tpu.memory_space<hbm>> -> memref<128xi32, #tpu.memory_space<hbm>>
        %dma_start3A_24 = tpu.memref_slice %arg4[%add3A_18] : memref<323584xi32, #tpu.memory_space<hbm>> -> memref<128xi32, #tpu.memory_space<hbm>>
        tpu.enqueue_dma source(%dma_start3A_24 : memref<128xi32, #tpu.memory_space<hbm>>) target(%arg8 : memref<128xi32, #tpu.memory_space<vmem>>) target_semaphore(%run_scoped3A : memref<!tpu.dma_semaphore, #tpu.memory_space<semaphore_mem>>)
        %dma_wait3A_25 = tpu.memref_slice %arg4[%add3A_18] : memref<323584xi32, #tpu.memory_space<hbm>> -> memref<128xi32, #tpu.memory_space<hbm>>
        %dma_wait3A_26 = tpu.memref_slice %arg4[%add3A_18] : memref<323584xi32, #tpu.memory_space<hbm>> -> memref<128xi32, #tpu.memory_space<hbm>>
        tpu.wait_dma2 semaphore(%run_scoped3A : memref<!tpu.dma_semaphore, #tpu.memory_space<semaphore_mem>>) src(%dma_wait3A_26 : memref<128xi32, #tpu.memory_space<hbm>>) dst(%arg8 : memref<128xi32, #tpu.memory_space<vmem>>)
        tpu.yield
      }) : () -> ()
      %dma_start3A = arith.constant 0 : i32
      %dma_start3A_19 = arith.constant 0 : i32
      %dma_start3A_20 = tpu.memref_slice %arg2[%dma_start3A, %dma_start3A_19] : memref<10000x128xf32, #tpu.memory_space<hbm>> -> memref<10000x128xf32, #tpu.memory_space<hbm>>
      tpu.enqueue_indirect_dma source(%dma_start3A_20 : memref<10000x128xf32, #tpu.memory_space<hbm>>) target(%arg9 : memref<128x128xf32, #tpu.memory_space<vmem>>) offsets(%arg7 : memref<128xi32, #tpu.memory_space<vmem>>) semaphore(%arg11 : memref<!tpu.dma_semaphore, #tpu.memory_space<semaphore_mem>>)
      %dma_wait3A = arith.constant 0 : i32
      %dma_wait3A_21 = arith.constant 0 : i32
      %dma_wait3A_22 = tpu.memref_slice %arg2[%dma_wait3A, %dma_wait3A_21] : memref<10000x128xf32, #tpu.memory_space<hbm>> -> memref<10000x128xf32, #tpu.memory_space<hbm>>
      tpu.wait_indirect_dma semaphore(%arg11 : memref<!tpu.dma_semaphore, #tpu.memory_space<semaphore_mem>>) src(%dma_wait3A_22 : memref<10000x128xf32, #tpu.memory_space<hbm>>) dst(%arg9 : memref<128x128xf32, #tpu.memory_space<vmem>>)
      "tpu.region"() ({
        %run_scoped3A = tpu.sem_alloc : memref<!tpu.dma_semaphore, #tpu.memory_space<semaphore_mem>>
        %dma_start3A_23 = arith.constant 0 : i32
        %dma_start3A_24 = arith.constant 0 : i32
        %dma_start3A_25 = tpu.memref_slice %arg10[%dma_start3A_23, %dma_start3A_24] : memref<10240x128xf32, #tpu.memory_space<vmem_shared>> -> memref<10240x128xf32, #tpu.memory_space<vmem_shared>>
        tpu.enqueue_indirect_dma source(%arg9 : memref<128x128xf32, #tpu.memory_space<vmem>>) target(%dma_start3A_25 : memref<10240x128xf32, #tpu.memory_space<vmem_shared>>) offsets(%arg8 : memref<128xi32, #tpu.memory_space<vmem>>) semaphore(%run_scoped3A : memref<!tpu.dma_semaphore, #tpu.memory_space<semaphore_mem>>) {add = true}
        %dma_wait3A_26 = arith.constant 0 : i32
        %dma_wait3A_27 = arith.constant 0 : i32
        %dma_wait3A_28 = tpu.memref_slice %arg10[%dma_wait3A_26, %dma_wait3A_27] : memref<10240x128xf32, #tpu.memory_space<vmem_shared>> -> memref<10240x128xf32, #tpu.memory_space<vmem_shared>>
        tpu.wait_indirect_dma semaphore(%run_scoped3A : memref<!tpu.dma_semaphore, #tpu.memory_space<semaphore_mem>>) src(%arg9 : memref<128x128xf32, #tpu.memory_space<vmem>>) dst(%dma_wait3A_28 : memref<10240x128xf32, #tpu.memory_space<vmem_shared>>)
        tpu.yield
      }) : () -> ()
    }
    %scan3A_9 = arith.constant 79 : i32
    %barrier3A_10 = arith.constant 0 : index
    tpu.barrier barrier_id(%barrier3A_10)
    %mul3A_11 = arith.constant 640 : i32
    %mul3A_12 = arith.muli %arg1, %mul3A_11 : i32
    %mul3A_13 = arith.constant 640 : i32
    %mul3A_14 = arith.muli %arg1, %mul3A_13 : i32
    "tpu.region"() ({
      %run_scoped3A = tpu.sem_alloc : memref<!tpu.dma_semaphore, #tpu.memory_space<semaphore_mem>>
      %dma_start3A = arith.constant 0 : i32
      %dma_start3A_15 = tpu.memref_slice %arg6[%arg0, %mul3A_14, %dma_start3A] : memref<2x10240x128xf32, #tpu.memory_space<hbm>> -> memref<1x640x128xf32, #tpu.memory_space<hbm>>
      %dma_start3A_16 = tpu.memref_squeeze %dma_start3A_15 : memref<1x640x128xf32, #tpu.memory_space<hbm>> -> memref<640x128xf32, #tpu.memory_space<hbm>>
      %dma_start3A_17 = arith.constant 0 : i32
      %dma_start3A_18 = tpu.memref_slice %arg10[%mul3A_12, %dma_start3A_17] : memref<10240x128xf32, #tpu.memory_space<vmem_shared>> -> memref<640x128xf32, #tpu.memory_space<vmem_shared>>
      tpu.enqueue_dma source(%dma_start3A_18 : memref<640x128xf32, #tpu.memory_space<vmem_shared>>) target(%dma_start3A_16 : memref<640x128xf32, #tpu.memory_space<hbm>>) target_semaphore(%run_scoped3A : memref<!tpu.dma_semaphore, #tpu.memory_space<semaphore_mem>>)
      %dma_wait3A = arith.constant 0 : i32
      %dma_wait3A_19 = tpu.memref_slice %arg6[%arg0, %mul3A_14, %dma_wait3A] : memref<2x10240x128xf32, #tpu.memory_space<hbm>> -> memref<1x640x128xf32, #tpu.memory_space<hbm>>
      %dma_wait3A_20 = tpu.memref_squeeze %dma_wait3A_19 : memref<1x640x128xf32, #tpu.memory_space<hbm>> -> memref<640x128xf32, #tpu.memory_space<hbm>>
      %dma_wait3A_21 = arith.constant 0 : i32
      %dma_wait3A_22 = tpu.memref_slice %arg10[%mul3A_12, %dma_wait3A_21] : memref<10240x128xf32, #tpu.memory_space<vmem_shared>> -> memref<640x128xf32, #tpu.memory_space<vmem_shared>>
      tpu.wait_dma2 semaphore(%run_scoped3A : memref<!tpu.dma_semaphore, #tpu.memory_space<semaphore_mem>>) src(%dma_wait3A_22 : memref<640x128xf32, #tpu.memory_space<vmem_shared>>) dst(%dma_wait3A_20 : memref<640x128xf32, #tpu.memory_space<hbm>>)
      tpu.yield
    }) : () -> ()
    return
  }
}

#map = affine_map<(d0, d1) -> (0, 0)>
#map1 = affine_map<(d0, d1) -> (0)>
#map2 = affine_map<(d0, d1) -> (0, 0, 0)>
module attributes {stable_mosaic.version = 14 : i64} {
  func.func @_spmm_body(%arg0: i32, %arg1: i32, %arg2: memref<10000x128xf32, #tpu.memory_space<hbm>>, %arg3: memref<323584xi32, #tpu.memory_space<hbm>>, %arg4: memref<323584xi32, #tpu.memory_space<hbm>>, %arg5: memref<640x128xf32, #tpu.memory_space<hbm>>, %arg6: memref<2x10240x128xf32, #tpu.memory_space<hbm>>, %arg7: memref<128xi32, #tpu.memory_space<vmem>>, %arg8: memref<128xi32, #tpu.memory_space<vmem>>, %arg9: memref<128x128xf32, #tpu.memory_space<vmem>>, %arg10: memref<10240x128xf32, #tpu.memory_space<vmem_shared>>, %arg11: memref<!tpu.dma_semaphore, #tpu.memory_space<semaphore_mem>>) attributes {dimension_semantics = [#tpu.dimension_semantics<core_parallel>, #tpu.dimension_semantics<subcore_parallel>], iteration_bounds = array<i64: 2, 16>, scalar_prefetch = 0 : i64, scratch_operands = 5 : i64, tpu.core_type = #tpu.core_type<sc_vector_subcore>, window_params = [{transform_indices = #map}, {transform_indices = #map1}, {transform_indices = #map1}, {transform_indices = #map}, {transform_indices = #map2}]} {
    %mul3A = arith.constant 16 : i32
    %mul3A_0 = arith.muli %arg0, %mul3A : i32
    %add3A = arith.addi %mul3A_0, %arg1 : i32
    %mul3A_1 = arith.constant 640 : i32
    %mul3A_2 = arith.muli %arg1, %mul3A_1 : i32
    "tpu.region"() ({
      %run_scoped3A = tpu.sem_alloc : memref<!tpu.dma_semaphore, #tpu.memory_space<semaphore_mem>>
      %dma_start3A = arith.constant 0 : i32
      %dma_start3A_15 = tpu.memref_slice %arg10[%mul3A_2, %dma_start3A] : memref<10240x128xf32, #tpu.memory_space<vmem_shared>> -> memref<640x128xf32, #tpu.memory_space<vmem_shared>>
      tpu.enqueue_dma source(%arg5 : memref<640x128xf32, #tpu.memory_space<hbm>>) target(%dma_start3A_15 : memref<640x128xf32, #tpu.memory_space<vmem_shared>>) target_semaphore(%run_scoped3A : memref<!tpu.dma_semaphore, #tpu.memory_space<semaphore_mem>>)
      %dma_wait3A = arith.constant 0 : i32
      %dma_wait3A_16 = tpu.memref_slice %arg10[%mul3A_2, %dma_wait3A] : memref<10240x128xf32, #tpu.memory_space<vmem_shared>> -> memref<640x128xf32, #tpu.memory_space<vmem_shared>>
      tpu.wait_dma2 semaphore(%run_scoped3A : memref<!tpu.dma_semaphore, #tpu.memory_space<semaphore_mem>>) src(%arg5 : memref<640x128xf32, #tpu.memory_space<hbm>>) dst(%dma_wait3A_16 : memref<640x128xf32, #tpu.memory_space<vmem_shared>>)
      tpu.yield
    }) : () -> ()
    %barrier3A = arith.constant 0 : index
    tpu.barrier barrier_id(%barrier3A)
    %mul3A_3 = arith.constant 10112 : i32
    %mul3A_4 = arith.muli %add3A, %mul3A_3 : i32
    %scan3A = arith.constant 0 : i32
    %scan3A_5 = arith.constant 0 : i32
    %scan3A_6 = arith.constant 79 : i32
    %scan3A_7 = arith.addi %scan3A_5, %scan3A_6 : i32
    %scan3A_8 = arith.constant 1 : i32
    scf.for %scan3A_15 = %scan3A_5 to %scan3A_7 step %scan3A_8  : i32 {
      %mul3A_16 = arith.constant 128 : i32
      %mul3A_17 = arith.muli %scan3A_15, %mul3A_16 : i32
      %add3A_18 = arith.addi %mul3A_4, %mul3A_17 : i32
      "tpu.region"() ({
        %run_scoped3A = tpu.sem_alloc : memref<!tpu.dma_semaphore, #tpu.memory_space<semaphore_mem>>
        %dma_start3A_23 = tpu.memref_slice %arg3[%add3A_18] : memref<323584xi32, #tpu.memory_space<hbm>> -> memref<128xi32, #tpu.memory_space<hbm>>
        %dma_start3A_24 = tpu.memref_slice %arg3[%add3A_18] : memref<323584xi32, #tpu.memory_space<hbm>> -> memref<128xi32, #tpu.memory_space<hbm>>
        tpu.enqueue_dma source(%dma_start3A_24 : memref<128xi32, #tpu.memory_space<hbm>>) target(%arg7 : memref<128xi32, #tpu.memory_space<vmem>>) target_semaphore(%run_scoped3A : memref<!tpu.dma_semaphore, #tpu.memory_space<semaphore_mem>>)
        %dma_wait3A_25 = tpu.memref_slice %arg3[%add3A_18] : memref<323584xi32, #tpu.memory_space<hbm>> -> memref<128xi32, #tpu.memory_space<hbm>>
        %dma_wait3A_26 = tpu.memref_slice %arg3[%add3A_18] : memref<323584xi32, #tpu.memory_space<hbm>> -> memref<128xi32, #tpu.memory_space<hbm>>
        tpu.wait_dma2 semaphore(%run_scoped3A : memref<!tpu.dma_semaphore, #tpu.memory_space<semaphore_mem>>) src(%dma_wait3A_26 : memref<128xi32, #tpu.memory_space<hbm>>) dst(%arg7 : memref<128xi32, #tpu.memory_space<vmem>>)
        tpu.yield
      }) : () -> ()
      "tpu.region"() ({
        %run_scoped3A = tpu.sem_alloc : memref<!tpu.dma_semaphore, #tpu.memory_space<semaphore_mem>>
        %dma_start3A_23 = tpu.memref_slice %arg4[%add3A_18] : memref<323584xi32, #tpu.memory_space<hbm>> -> memref<128xi32, #tpu.memory_space<hbm>>
        %dma_start3A_24 = tpu.memref_slice %arg4[%add3A_18] : memref<323584xi32, #tpu.memory_space<hbm>> -> memref<128xi32, #tpu.memory_space<hbm>>
        tpu.enqueue_dma source(%dma_start3A_24 : memref<128xi32, #tpu.memory_space<hbm>>) target(%arg8 : memref<128xi32, #tpu.memory_space<vmem>>) target_semaphore(%run_scoped3A : memref<!tpu.dma_semaphore, #tpu.memory_space<semaphore_mem>>)
        %dma_wait3A_25 = tpu.memref_slice %arg4[%add3A_18] : memref<323584xi32, #tpu.memory_space<hbm>> -> memref<128xi32, #tpu.memory_space<hbm>>
        %dma_wait3A_26 = tpu.memref_slice %arg4[%add3A_18] : memref<323584xi32, #tpu.memory_space<hbm>> -> memref<128xi32, #tpu.memory_space<hbm>>
        tpu.wait_dma2 semaphore(%run_scoped3A : memref<!tpu.dma_semaphore, #tpu.memory_space<semaphore_mem>>) src(%dma_wait3A_26 : memref<128xi32, #tpu.memory_space<hbm>>) dst(%arg8 : memref<128xi32, #tpu.memory_space<vmem>>)
        tpu.yield
      }) : () -> ()
      %dma_start3A = arith.constant 0 : i32
      %dma_start3A_19 = arith.constant 0 : i32
      %dma_start3A_20 = tpu.memref_slice %arg2[%dma_start3A, %dma_start3A_19] : memref<10000x128xf32, #tpu.memory_space<hbm>> -> memref<10000x128xf32, #tpu.memory_space<hbm>>
      tpu.enqueue_indirect_dma source(%dma_start3A_20 : memref<10000x128xf32, #tpu.memory_space<hbm>>) target(%arg9 : memref<128x128xf32, #tpu.memory_space<vmem>>) offsets(%arg7 : memref<128xi32, #tpu.memory_space<vmem>>) semaphore(%arg11 : memref<!tpu.dma_semaphore, #tpu.memory_space<semaphore_mem>>)
      %dma_wait3A = arith.constant 0 : i32
      %dma_wait3A_21 = arith.constant 0 : i32
      %dma_wait3A_22 = tpu.memref_slice %arg2[%dma_wait3A, %dma_wait3A_21] : memref<10000x128xf32, #tpu.memory_space<hbm>> -> memref<10000x128xf32, #tpu.memory_space<hbm>>
      tpu.wait_indirect_dma semaphore(%arg11 : memref<!tpu.dma_semaphore, #tpu.memory_space<semaphore_mem>>) src(%dma_wait3A_22 : memref<10000x128xf32, #tpu.memory_space<hbm>>) dst(%arg9 : memref<128x128xf32, #tpu.memory_space<vmem>>)
      "tpu.region"() ({
        %run_scoped3A = tpu.sem_alloc : memref<!tpu.dma_semaphore, #tpu.memory_space<semaphore_mem>>
        %dma_start3A_23 = arith.constant 0 : i32
        %dma_start3A_24 = arith.constant 0 : i32
        %dma_start3A_25 = tpu.memref_slice %arg10[%dma_start3A_23, %dma_start3A_24] : memref<10240x128xf32, #tpu.memory_space<vmem_shared>> -> memref<10240x128xf32, #tpu.memory_space<vmem_shared>>
        tpu.enqueue_indirect_dma source(%arg9 : memref<128x128xf32, #tpu.memory_space<vmem>>) target(%dma_start3A_25 : memref<10240x128xf32, #tpu.memory_space<vmem_shared>>) offsets(%arg8 : memref<128xi32, #tpu.memory_space<vmem>>) semaphore(%run_scoped3A : memref<!tpu.dma_semaphore, #tpu.memory_space<semaphore_mem>>) {add = true}
        %dma_wait3A_26 = arith.constant 0 : i32
        %dma_wait3A_27 = arith.constant 0 : i32
        %dma_wait3A_28 = tpu.memref_slice %arg10[%dma_wait3A_26, %dma_wait3A_27] : memref<10240x128xf32, #tpu.memory_space<vmem_shared>> -> memref<10240x128xf32, #tpu.memory_space<vmem_shared>>
        tpu.wait_indirect_dma semaphore(%run_scoped3A : memref<!tpu.dma_semaphore, #tpu.memory_space<semaphore_mem>>) src(%arg9 : memref<128x128xf32, #tpu.memory_space<vmem>>) dst(%dma_wait3A_28 : memref<10240x128xf32, #tpu.memory_space<vmem_shared>>)
        tpu.yield
      }) : () -> ()
    }
    %scan3A_9 = arith.constant 79 : i32
    %barrier3A_10 = arith.constant 0 : index
    tpu.barrier barrier_id(%barrier3A_10)
    %mul3A_11 = arith.constant 640 : i32
    %mul3A_12 = arith.muli %arg1, %mul3A_11 : i32
    %mul3A_13 = arith.constant 640 : i32
    %mul3A_14 = arith.muli %arg1, %mul3A_13 : i32
    "tpu.region"() ({
      %run_scoped3A = tpu.sem_alloc : memref<!tpu.dma_semaphore, #tpu.memory_space<semaphore_mem>>
      %dma_start3A = arith.constant 0 : i32
      %dma_start3A_15 = tpu.memref_slice %arg6[%arg0, %mul3A_14, %dma_start3A] : memref<2x10240x128xf32, #tpu.memory_space<hbm>> -> memref<1x640x128xf32, #tpu.memory_space<hbm>>
      %dma_start3A_16 = tpu.memref_squeeze %dma_start3A_15 : memref<1x640x128xf32, #tpu.memory_space<hbm>> -> memref<640x128xf32, #tpu.memory_space<hbm>>
      %dma_start3A_17 = arith.constant 0 : i32
      %dma_start3A_18 = tpu.memref_slice %arg10[%mul3A_12, %dma_start3A_17] : memref<10240x128xf32, #tpu.memory_space<vmem_shared>> -> memref<640x128xf32, #tpu.memory_space<vmem_shared>>
      tpu.enqueue_dma source(%dma_start3A_18 : memref<640x128xf32, #tpu.memory_space<vmem_shared>>) target(%dma_start3A_16 : memref<640x128xf32, #tpu.memory_space<hbm>>) target_semaphore(%run_scoped3A : memref<!tpu.dma_semaphore, #tpu.memory_space<semaphore_mem>>)
      %dma_wait3A = arith.constant 0 : i32
      %dma_wait3A_19 = tpu.memref_slice %arg6[%arg0, %mul3A_14, %dma_wait3A] : memref<2x10240x128xf32, #tpu.memory_space<hbm>> -> memref<1x640x128xf32, #tpu.memory_space<hbm>>
      %dma_wait3A_20 = tpu.memref_squeeze %dma_wait3A_19 : memref<1x640x128xf32, #tpu.memory_space<hbm>> -> memref<640x128xf32, #tpu.memory_space<hbm>>
      %dma_wait3A_21 = arith.constant 0 : i32
      %dma_wait3A_22 = tpu.memref_slice %arg10[%mul3A_12, %dma_wait3A_21] : memref<10240x128xf32, #tpu.memory_space<vmem_shared>> -> memref<640x128xf32, #tpu.memory_space<vmem_shared>>
      tpu.wait_dma2 semaphore(%run_scoped3A : memref<!tpu.dma_semaphore, #tpu.memory_space<semaphore_mem>>) src(%dma_wait3A_22 : memref<640x128xf32, #tpu.memory_space<vmem_shared>>) dst(%dma_wait3A_20 : memref<640x128xf32, #tpu.memory_space<hbm>>)
      tpu.yield
    }) : () -> ()
    return
  }
}

#map = affine_map<(d0, d1) -> (0, 0)>
#map1 = affine_map<(d0, d1) -> (0)>
#map2 = affine_map<(d0, d1) -> (0, 0, 0)>
module attributes {stable_mosaic.version = 14 : i64} {
  func.func @_spmm_body(%arg0: i32, %arg1: i32, %arg2: memref<10000x128xf32, #tpu.memory_space<hbm>>, %arg3: memref<323584xi32, #tpu.memory_space<hbm>>, %arg4: memref<323584xi32, #tpu.memory_space<hbm>>, %arg5: memref<640x128xf32, #tpu.memory_space<hbm>>, %arg6: memref<2x10240x128xf32, #tpu.memory_space<hbm>>, %arg7: memref<128xi32, #tpu.memory_space<vmem>>, %arg8: memref<128xi32, #tpu.memory_space<vmem>>, %arg9: memref<128x128xf32, #tpu.memory_space<vmem>>, %arg10: memref<10240x128xf32, #tpu.memory_space<vmem_shared>>, %arg11: memref<!tpu.dma_semaphore, #tpu.memory_space<semaphore_mem>>) attributes {dimension_semantics = [#tpu.dimension_semantics<core_parallel>, #tpu.dimension_semantics<subcore_parallel>], iteration_bounds = array<i64: 2, 16>, scalar_prefetch = 0 : i64, scratch_operands = 5 : i64, tpu.core_type = #tpu.core_type<sc_vector_subcore>, window_params = [{transform_indices = #map}, {transform_indices = #map1}, {transform_indices = #map1}, {transform_indices = #map}, {transform_indices = #map2}]} {
    %mul3A = arith.constant 16 : i32
    %mul3A_0 = arith.muli %arg0, %mul3A : i32
    %add3A = arith.addi %mul3A_0, %arg1 : i32
    %mul3A_1 = arith.constant 640 : i32
    %mul3A_2 = arith.muli %arg1, %mul3A_1 : i32
    "tpu.region"() ({
      %run_scoped3A = tpu.sem_alloc : memref<!tpu.dma_semaphore, #tpu.memory_space<semaphore_mem>>
      %dma_start3A = arith.constant 0 : i32
      %dma_start3A_15 = tpu.memref_slice %arg10[%mul3A_2, %dma_start3A] : memref<10240x128xf32, #tpu.memory_space<vmem_shared>> -> memref<640x128xf32, #tpu.memory_space<vmem_shared>>
      tpu.enqueue_dma source(%arg5 : memref<640x128xf32, #tpu.memory_space<hbm>>) target(%dma_start3A_15 : memref<640x128xf32, #tpu.memory_space<vmem_shared>>) target_semaphore(%run_scoped3A : memref<!tpu.dma_semaphore, #tpu.memory_space<semaphore_mem>>)
      %dma_wait3A = arith.constant 0 : i32
      %dma_wait3A_16 = tpu.memref_slice %arg10[%mul3A_2, %dma_wait3A] : memref<10240x128xf32, #tpu.memory_space<vmem_shared>> -> memref<640x128xf32, #tpu.memory_space<vmem_shared>>
      tpu.wait_dma2 semaphore(%run_scoped3A : memref<!tpu.dma_semaphore, #tpu.memory_space<semaphore_mem>>) src(%arg5 : memref<640x128xf32, #tpu.memory_space<hbm>>) dst(%dma_wait3A_16 : memref<640x128xf32, #tpu.memory_space<vmem_shared>>)
      tpu.yield
    }) : () -> ()
    %barrier3A = arith.constant 0 : index
    tpu.barrier barrier_id(%barrier3A)
    %mul3A_3 = arith.constant 10112 : i32
    %mul3A_4 = arith.muli %add3A, %mul3A_3 : i32
    %scan3A = arith.constant 0 : i32
    %scan3A_5 = arith.constant 0 : i32
    %scan3A_6 = arith.constant 79 : i32
    %scan3A_7 = arith.addi %scan3A_5, %scan3A_6 : i32
    %scan3A_8 = arith.constant 1 : i32
    scf.for %scan3A_15 = %scan3A_5 to %scan3A_7 step %scan3A_8  : i32 {
      %mul3A_16 = arith.constant 128 : i32
      %mul3A_17 = arith.muli %scan3A_15, %mul3A_16 : i32
      %add3A_18 = arith.addi %mul3A_4, %mul3A_17 : i32
      "tpu.region"() ({
        %run_scoped3A = tpu.sem_alloc : memref<!tpu.dma_semaphore, #tpu.memory_space<semaphore_mem>>
        %dma_start3A_23 = tpu.memref_slice %arg3[%add3A_18] : memref<323584xi32, #tpu.memory_space<hbm>> -> memref<128xi32, #tpu.memory_space<hbm>>
        %dma_start3A_24 = tpu.memref_slice %arg3[%add3A_18] : memref<323584xi32, #tpu.memory_space<hbm>> -> memref<128xi32, #tpu.memory_space<hbm>>
        tpu.enqueue_dma source(%dma_start3A_24 : memref<128xi32, #tpu.memory_space<hbm>>) target(%arg7 : memref<128xi32, #tpu.memory_space<vmem>>) target_semaphore(%run_scoped3A : memref<!tpu.dma_semaphore, #tpu.memory_space<semaphore_mem>>)
        %dma_wait3A_25 = tpu.memref_slice %arg3[%add3A_18] : memref<323584xi32, #tpu.memory_space<hbm>> -> memref<128xi32, #tpu.memory_space<hbm>>
        %dma_wait3A_26 = tpu.memref_slice %arg3[%add3A_18] : memref<323584xi32, #tpu.memory_space<hbm>> -> memref<128xi32, #tpu.memory_space<hbm>>
        tpu.wait_dma2 semaphore(%run_scoped3A : memref<!tpu.dma_semaphore, #tpu.memory_space<semaphore_mem>>) src(%dma_wait3A_26 : memref<128xi32, #tpu.memory_space<hbm>>) dst(%arg7 : memref<128xi32, #tpu.memory_space<vmem>>)
        tpu.yield
      }) : () -> ()
      "tpu.region"() ({
        %run_scoped3A = tpu.sem_alloc : memref<!tpu.dma_semaphore, #tpu.memory_space<semaphore_mem>>
        %dma_start3A_23 = tpu.memref_slice %arg4[%add3A_18] : memref<323584xi32, #tpu.memory_space<hbm>> -> memref<128xi32, #tpu.memory_space<hbm>>
        %dma_start3A_24 = tpu.memref_slice %arg4[%add3A_18] : memref<323584xi32, #tpu.memory_space<hbm>> -> memref<128xi32, #tpu.memory_space<hbm>>
        tpu.enqueue_dma source(%dma_start3A_24 : memref<128xi32, #tpu.memory_space<hbm>>) target(%arg8 : memref<128xi32, #tpu.memory_space<vmem>>) target_semaphore(%run_scoped3A : memref<!tpu.dma_semaphore, #tpu.memory_space<semaphore_mem>>)
        %dma_wait3A_25 = tpu.memref_slice %arg4[%add3A_18] : memref<323584xi32, #tpu.memory_space<hbm>> -> memref<128xi32, #tpu.memory_space<hbm>>
        %dma_wait3A_26 = tpu.memref_slice %arg4[%add3A_18] : memref<323584xi32, #tpu.memory_space<hbm>> -> memref<128xi32, #tpu.memory_space<hbm>>
        tpu.wait_dma2 semaphore(%run_scoped3A : memref<!tpu.dma_semaphore, #tpu.memory_space<semaphore_mem>>) src(%dma_wait3A_26 : memref<128xi32, #tpu.memory_space<hbm>>) dst(%arg8 : memref<128xi32, #tpu.memory_space<vmem>>)
        tpu.yield
      }) : () -> ()
      %dma_start3A = arith.constant 0 : i32
      %dma_start3A_19 = arith.constant 0 : i32
      %dma_start3A_20 = tpu.memref_slice %arg2[%dma_start3A, %dma_start3A_19] : memref<10000x128xf32, #tpu.memory_space<hbm>> -> memref<10000x128xf32, #tpu.memory_space<hbm>>
      tpu.enqueue_indirect_dma source(%dma_start3A_20 : memref<10000x128xf32, #tpu.memory_space<hbm>>) target(%arg9 : memref<128x128xf32, #tpu.memory_space<vmem>>) offsets(%arg7 : memref<128xi32, #tpu.memory_space<vmem>>) semaphore(%arg11 : memref<!tpu.dma_semaphore, #tpu.memory_space<semaphore_mem>>)
      %dma_wait3A = arith.constant 0 : i32
      %dma_wait3A_21 = arith.constant 0 : i32
      %dma_wait3A_22 = tpu.memref_slice %arg2[%dma_wait3A, %dma_wait3A_21] : memref<10000x128xf32, #tpu.memory_space<hbm>> -> memref<10000x128xf32, #tpu.memory_space<hbm>>
      tpu.wait_indirect_dma semaphore(%arg11 : memref<!tpu.dma_semaphore, #tpu.memory_space<semaphore_mem>>) src(%dma_wait3A_22 : memref<10000x128xf32, #tpu.memory_space<hbm>>) dst(%arg9 : memref<128x128xf32, #tpu.memory_space<vmem>>)
      "tpu.region"() ({
        %run_scoped3A = tpu.sem_alloc : memref<!tpu.dma_semaphore, #tpu.memory_space<semaphore_mem>>
        %dma_start3A_23 = arith.constant 0 : i32
        %dma_start3A_24 = arith.constant 0 : i32
        %dma_start3A_25 = tpu.memref_slice %arg10[%dma_start3A_23, %dma_start3A_24] : memref<10240x128xf32, #tpu.memory_space<vmem_shared>> -> memref<10240x128xf32, #tpu.memory_space<vmem_shared>>
        tpu.enqueue_indirect_dma source(%arg9 : memref<128x128xf32, #tpu.memory_space<vmem>>) target(%dma_start3A_25 : memref<10240x128xf32, #tpu.memory_space<vmem_shared>>) offsets(%arg8 : memref<128xi32, #tpu.memory_space<vmem>>) semaphore(%run_scoped3A : memref<!tpu.dma_semaphore, #tpu.memory_space<semaphore_mem>>) {add = true}
        %dma_wait3A_26 = arith.constant 0 : i32
        %dma_wait3A_27 = arith.constant 0 : i32
        %dma_wait3A_28 = tpu.memref_slice %arg10[%dma_wait3A_26, %dma_wait3A_27] : memref<10240x128xf32, #tpu.memory_space<vmem_shared>> -> memref<10240x128xf32, #tpu.memory_space<vmem_shared>>
        tpu.wait_indirect_dma semaphore(%run_scoped3A : memref<!tpu.dma_semaphore, #tpu.memory_space<semaphore_mem>>) src(%arg9 : memref<128x128xf32, #tpu.memory_space<vmem>>) dst(%dma_wait3A_28 : memref<10240x128xf32, #tpu.memory_space<vmem_shared>>)
        tpu.yield
      }) : () -> ()
    }
    %scan3A_9 = arith.constant 79 : i32
    %barrier3A_10 = arith.constant 0 : index
    tpu.barrier barrier_id(%barrier3A_10)
    %mul3A_11 = arith.constant 640 : i32
    %mul3A_12 = arith.muli %arg1, %mul3A_11 : i32
    %mul3A_13 = arith.constant 640 : i32
    %mul3A_14 = arith.muli %arg1, %mul3A_13 : i32
    "tpu.region"() ({
      %run_scoped3A = tpu.sem_alloc : memref<!tpu.dma_semaphore, #tpu.memory_space<semaphore_mem>>
      %dma_start3A = arith.constant 0 : i32
      %dma_start3A_15 = tpu.memref_slice %arg6[%arg0, %mul3A_14, %dma_start3A] : memref<2x10240x128xf32, #tpu.memory_space<hbm>> -> memref<1x640x128xf32, #tpu.memory_space<hbm>>
      %dma_start3A_16 = tpu.memref_squeeze %dma_start3A_15 : memref<1x640x128xf32, #tpu.memory_space<hbm>> -> memref<640x128xf32, #tpu.memory_space<hbm>>
      %dma_start3A_17 = arith.constant 0 : i32
      %dma_start3A_18 = tpu.memref_slice %arg10[%mul3A_12, %dma_start3A_17] : memref<10240x128xf32, #tpu.memory_space<vmem_shared>> -> memref<640x128xf32, #tpu.memory_space<vmem_shared>>
      tpu.enqueue_dma source(%dma_start3A_18 : memref<640x128xf32, #tpu.memory_space<vmem_shared>>) target(%dma_start3A_16 : memref<640x128xf32, #tpu.memory_space<hbm>>) target_semaphore(%run_scoped3A : memref<!tpu.dma_semaphore, #tpu.memory_space<semaphore_mem>>)
      %dma_wait3A = arith.constant 0 : i32
      %dma_wait3A_19 = tpu.memref_slice %arg6[%arg0, %mul3A_14, %dma_wait3A] : memref<2x10240x128xf32, #tpu.memory_space<hbm>> -> memref<1x640x128xf32, #tpu.memory_space<hbm>>
      %dma_wait3A_20 = tpu.memref_squeeze %dma_wait3A_19 : memref<1x640x128xf32, #tpu.memory_space<hbm>> -> memref<640x128xf32, #tpu.memory_space<hbm>>
      %dma_wait3A_21 = arith.constant 0 : i32
      %dma_wait3A_22 = tpu.memref_slice %arg10[%mul3A_12, %dma_wait3A_21] : memref<10240x128xf32, #tpu.memory_space<vmem_shared>> -> memref<640x128xf32, #tpu.memory_space<vmem_shared>>
      tpu.wait_dma2 semaphore(%run_scoped3A : memref<!tpu.dma_semaphore, #tpu.memory_space<semaphore_mem>>) src(%dma_wait3A_22 : memref<640x128xf32, #tpu.memory_space<vmem_shared>>) dst(%dma_wait3A_20 : memref<640x128xf32, #tpu.memory_space<hbm>>)
      tpu.yield
    }) : () -> ()
    return
  }
}

#map = affine_map<(d0, d1) -> (0, 0)>
#map1 = affine_map<(d0, d1) -> (0)>
#map2 = affine_map<(d0, d1) -> (0, 0, 0)>
module attributes {stable_mosaic.version = 14 : i64} {
  func.func @_spmm_body(%arg0: i32, %arg1: i32, %arg2: memref<10000x128xf32, #tpu.memory_space<hbm>>, %arg3: memref<323584xi32, #tpu.memory_space<hbm>>, %arg4: memref<323584xi32, #tpu.memory_space<hbm>>, %arg5: memref<640x128xf32, #tpu.memory_space<hbm>>, %arg6: memref<2x10240x128xf32, #tpu.memory_space<hbm>>, %arg7: memref<128xi32, #tpu.memory_space<vmem>>, %arg8: memref<128xi32, #tpu.memory_space<vmem>>, %arg9: memref<128x128xf32, #tpu.memory_space<vmem>>, %arg10: memref<10240x128xf32, #tpu.memory_space<vmem_shared>>, %arg11: memref<!tpu.dma_semaphore, #tpu.memory_space<semaphore_mem>>) attributes {dimension_semantics = [#tpu.dimension_semantics<core_parallel>, #tpu.dimension_semantics<subcore_parallel>], iteration_bounds = array<i64: 2, 16>, scalar_prefetch = 0 : i64, scratch_operands = 5 : i64, tpu.core_type = #tpu.core_type<sc_vector_subcore>, window_params = [{transform_indices = #map}, {transform_indices = #map1}, {transform_indices = #map1}, {transform_indices = #map}, {transform_indices = #map2}]} {
    %mul3A = arith.constant 16 : i32
    %mul3A_0 = arith.muli %arg0, %mul3A : i32
    %add3A = arith.addi %mul3A_0, %arg1 : i32
    %mul3A_1 = arith.constant 640 : i32
    %mul3A_2 = arith.muli %arg1, %mul3A_1 : i32
    "tpu.region"() ({
      %run_scoped3A = tpu.sem_alloc : memref<!tpu.dma_semaphore, #tpu.memory_space<semaphore_mem>>
      %dma_start3A = arith.constant 0 : i32
      %dma_start3A_15 = tpu.memref_slice %arg10[%mul3A_2, %dma_start3A] : memref<10240x128xf32, #tpu.memory_space<vmem_shared>> -> memref<640x128xf32, #tpu.memory_space<vmem_shared>>
      tpu.enqueue_dma source(%arg5 : memref<640x128xf32, #tpu.memory_space<hbm>>) target(%dma_start3A_15 : memref<640x128xf32, #tpu.memory_space<vmem_shared>>) target_semaphore(%run_scoped3A : memref<!tpu.dma_semaphore, #tpu.memory_space<semaphore_mem>>)
      %dma_wait3A = arith.constant 0 : i32
      %dma_wait3A_16 = tpu.memref_slice %arg10[%mul3A_2, %dma_wait3A] : memref<10240x128xf32, #tpu.memory_space<vmem_shared>> -> memref<640x128xf32, #tpu.memory_space<vmem_shared>>
      tpu.wait_dma2 semaphore(%run_scoped3A : memref<!tpu.dma_semaphore, #tpu.memory_space<semaphore_mem>>) src(%arg5 : memref<640x128xf32, #tpu.memory_space<hbm>>) dst(%dma_wait3A_16 : memref<640x128xf32, #tpu.memory_space<vmem_shared>>)
      tpu.yield
    }) : () -> ()
    %barrier3A = arith.constant 0 : index
    tpu.barrier barrier_id(%barrier3A)
    %mul3A_3 = arith.constant 10112 : i32
    %mul3A_4 = arith.muli %add3A, %mul3A_3 : i32
    %scan3A = arith.constant 0 : i32
    %scan3A_5 = arith.constant 0 : i32
    %scan3A_6 = arith.constant 79 : i32
    %scan3A_7 = arith.addi %scan3A_5, %scan3A_6 : i32
    %scan3A_8 = arith.constant 1 : i32
    scf.for %scan3A_15 = %scan3A_5 to %scan3A_7 step %scan3A_8  : i32 {
      %mul3A_16 = arith.constant 128 : i32
      %mul3A_17 = arith.muli %scan3A_15, %mul3A_16 : i32
      %add3A_18 = arith.addi %mul3A_4, %mul3A_17 : i32
      "tpu.region"() ({
        %run_scoped3A = tpu.sem_alloc : memref<!tpu.dma_semaphore, #tpu.memory_space<semaphore_mem>>
        %dma_start3A_23 = tpu.memref_slice %arg3[%add3A_18] : memref<323584xi32, #tpu.memory_space<hbm>> -> memref<128xi32, #tpu.memory_space<hbm>>
        %dma_start3A_24 = tpu.memref_slice %arg3[%add3A_18] : memref<323584xi32, #tpu.memory_space<hbm>> -> memref<128xi32, #tpu.memory_space<hbm>>
        tpu.enqueue_dma source(%dma_start3A_24 : memref<128xi32, #tpu.memory_space<hbm>>) target(%arg7 : memref<128xi32, #tpu.memory_space<vmem>>) target_semaphore(%run_scoped3A : memref<!tpu.dma_semaphore, #tpu.memory_space<semaphore_mem>>)
        %dma_wait3A_25 = tpu.memref_slice %arg3[%add3A_18] : memref<323584xi32, #tpu.memory_space<hbm>> -> memref<128xi32, #tpu.memory_space<hbm>>
        %dma_wait3A_26 = tpu.memref_slice %arg3[%add3A_18] : memref<323584xi32, #tpu.memory_space<hbm>> -> memref<128xi32, #tpu.memory_space<hbm>>
        tpu.wait_dma2 semaphore(%run_scoped3A : memref<!tpu.dma_semaphore, #tpu.memory_space<semaphore_mem>>) src(%dma_wait3A_26 : memref<128xi32, #tpu.memory_space<hbm>>) dst(%arg7 : memref<128xi32, #tpu.memory_space<vmem>>)
        tpu.yield
      }) : () -> ()
      "tpu.region"() ({
        %run_scoped3A = tpu.sem_alloc : memref<!tpu.dma_semaphore, #tpu.memory_space<semaphore_mem>>
        %dma_start3A_23 = tpu.memref_slice %arg4[%add3A_18] : memref<323584xi32, #tpu.memory_space<hbm>> -> memref<128xi32, #tpu.memory_space<hbm>>
        %dma_start3A_24 = tpu.memref_slice %arg4[%add3A_18] : memref<323584xi32, #tpu.memory_space<hbm>> -> memref<128xi32, #tpu.memory_space<hbm>>
        tpu.enqueue_dma source(%dma_start3A_24 : memref<128xi32, #tpu.memory_space<hbm>>) target(%arg8 : memref<128xi32, #tpu.memory_space<vmem>>) target_semaphore(%run_scoped3A : memref<!tpu.dma_semaphore, #tpu.memory_space<semaphore_mem>>)
        %dma_wait3A_25 = tpu.memref_slice %arg4[%add3A_18] : memref<323584xi32, #tpu.memory_space<hbm>> -> memref<128xi32, #tpu.memory_space<hbm>>
        %dma_wait3A_26 = tpu.memref_slice %arg4[%add3A_18] : memref<323584xi32, #tpu.memory_space<hbm>> -> memref<128xi32, #tpu.memory_space<hbm>>
        tpu.wait_dma2 semaphore(%run_scoped3A : memref<!tpu.dma_semaphore, #tpu.memory_space<semaphore_mem>>) src(%dma_wait3A_26 : memref<128xi32, #tpu.memory_space<hbm>>) dst(%arg8 : memref<128xi32, #tpu.memory_space<vmem>>)
        tpu.yield
      }) : () -> ()
      %dma_start3A = arith.constant 0 : i32
      %dma_start3A_19 = arith.constant 0 : i32
      %dma_start3A_20 = tpu.memref_slice %arg2[%dma_start3A, %dma_start3A_19] : memref<10000x128xf32, #tpu.memory_space<hbm>> -> memref<10000x128xf32, #tpu.memory_space<hbm>>
      tpu.enqueue_indirect_dma source(%dma_start3A_20 : memref<10000x128xf32, #tpu.memory_space<hbm>>) target(%arg9 : memref<128x128xf32, #tpu.memory_space<vmem>>) offsets(%arg7 : memref<128xi32, #tpu.memory_space<vmem>>) semaphore(%arg11 : memref<!tpu.dma_semaphore, #tpu.memory_space<semaphore_mem>>)
      %dma_wait3A = arith.constant 0 : i32
      %dma_wait3A_21 = arith.constant 0 : i32
      %dma_wait3A_22 = tpu.memref_slice %arg2[%dma_wait3A, %dma_wait3A_21] : memref<10000x128xf32, #tpu.memory_space<hbm>> -> memref<10000x128xf32, #tpu.memory_space<hbm>>
      tpu.wait_indirect_dma semaphore(%arg11 : memref<!tpu.dma_semaphore, #tpu.memory_space<semaphore_mem>>) src(%dma_wait3A_22 : memref<10000x128xf32, #tpu.memory_space<hbm>>) dst(%arg9 : memref<128x128xf32, #tpu.memory_space<vmem>>)
      "tpu.region"() ({
        %run_scoped3A = tpu.sem_alloc : memref<!tpu.dma_semaphore, #tpu.memory_space<semaphore_mem>>
        %dma_start3A_23 = arith.constant 0 : i32
        %dma_start3A_24 = arith.constant 0 : i32
        %dma_start3A_25 = tpu.memref_slice %arg10[%dma_start3A_23, %dma_start3A_24] : memref<10240x128xf32, #tpu.memory_space<vmem_shared>> -> memref<10240x128xf32, #tpu.memory_space<vmem_shared>>
        tpu.enqueue_indirect_dma source(%arg9 : memref<128x128xf32, #tpu.memory_space<vmem>>) target(%dma_start3A_25 : memref<10240x128xf32, #tpu.memory_space<vmem_shared>>) offsets(%arg8 : memref<128xi32, #tpu.memory_space<vmem>>) semaphore(%run_scoped3A : memref<!tpu.dma_semaphore, #tpu.memory_space<semaphore_mem>>) {add = true}
        %dma_wait3A_26 = arith.constant 0 : i32
        %dma_wait3A_27 = arith.constant 0 : i32
        %dma_wait3A_28 = tpu.memref_slice %arg10[%dma_wait3A_26, %dma_wait3A_27] : memref<10240x128xf32, #tpu.memory_space<vmem_shared>> -> memref<10240x128xf32, #tpu.memory_space<vmem_shared>>
        tpu.wait_indirect_dma semaphore(%run_scoped3A : memref<!tpu.dma_semaphore, #tpu.memory_space<semaphore_mem>>) src(%arg9 : memref<128x128xf32, #tpu.memory_space<vmem>>) dst(%dma_wait3A_28 : memref<10240x128xf32, #tpu.memory_space<vmem_shared>>)
        tpu.yield
      }) : () -> ()
    }
    %scan3A_9 = arith.constant 79 : i32
    %barrier3A_10 = arith.constant 0 : index
    tpu.barrier barrier_id(%barrier3A_10)
    %mul3A_11 = arith.constant 640 : i32
    %mul3A_12 = arith.muli %arg1, %mul3A_11 : i32
    %mul3A_13 = arith.constant 640 : i32
    %mul3A_14 = arith.muli %arg1, %mul3A_13 : i32
    "tpu.region"() ({
      %run_scoped3A = tpu.sem_alloc : memref<!tpu.dma_semaphore, #tpu.memory_space<semaphore_mem>>
      %dma_start3A = arith.constant 0 : i32
      %dma_start3A_15 = tpu.memref_slice %arg6[%arg0, %mul3A_14, %dma_start3A] : memref<2x10240x128xf32, #tpu.memory_space<hbm>> -> memref<1x640x128xf32, #tpu.memory_space<hbm>>
      %dma_start3A_16 = tpu.memref_squeeze %dma_start3A_15 : memref<1x640x128xf32, #tpu.memory_space<hbm>> -> memref<640x128xf32, #tpu.memory_space<hbm>>
      %dma_start3A_17 = arith.constant 0 : i32
      %dma_start3A_18 = tpu.memref_slice %arg10[%mul3A_12, %dma_start3A_17] : memref<10240x128xf32, #tpu.memory_space<vmem_shared>> -> memref<640x128xf32, #tpu.memory_space<vmem_shared>>
      tpu.enqueue_dma source(%dma_start3A_18 : memref<640x128xf32, #tpu.memory_space<vmem_shared>>) target(%dma_start3A_16 : memref<640x128xf32, #tpu.memory_space<hbm>>) target_semaphore(%run_scoped3A : memref<!tpu.dma_semaphore, #tpu.memory_space<semaphore_mem>>)
      %dma_wait3A = arith.constant 0 : i32
      %dma_wait3A_19 = tpu.memref_slice %arg6[%arg0, %mul3A_14, %dma_wait3A] : memref<2x10240x128xf32, #tpu.memory_space<hbm>> -> memref<1x640x128xf32, #tpu.memory_space<hbm>>
      %dma_wait3A_20 = tpu.memref_squeeze %dma_wait3A_19 : memref<1x640x128xf32, #tpu.memory_space<hbm>> -> memref<640x128xf32, #tpu.memory_space<hbm>>
      %dma_wait3A_21 = arith.constant 0 : i32
      %dma_wait3A_22 = tpu.memref_slice %arg10[%mul3A_12, %dma_wait3A_21] : memref<10240x128xf32, #tpu.memory_space<vmem_shared>> -> memref<640x128xf32, #tpu.memory_space<vmem_shared>>
      tpu.wait_dma2 semaphore(%run_scoped3A : memref<!tpu.dma_semaphore, #tpu.memory_space<semaphore_mem>>) src(%dma_wait3A_22 : memref<640x128xf32, #tpu.memory_space<vmem_shared>>) dst(%dma_wait3A_20 : memref<640x128xf32, #tpu.memory_space<hbm>>)
      tpu.yield
    }) : () -> ()
    return
  }
}

#map = affine_map<(d0, d1) -> (0, 0)>
#map1 = affine_map<(d0, d1) -> (0)>
#map2 = affine_map<(d0, d1) -> (0, 0, 0)>
module attributes {stable_mosaic.version = 14 : i64} {
  func.func @_spmm_body(%arg0: i32, %arg1: i32, %arg2: memref<10000x128xf32, #tpu.memory_space<hbm>>, %arg3: memref<323584xi32, #tpu.memory_space<hbm>>, %arg4: memref<323584xi32, #tpu.memory_space<hbm>>, %arg5: memref<640x128xf32, #tpu.memory_space<hbm>>, %arg6: memref<2x10240x128xf32, #tpu.memory_space<hbm>>, %arg7: memref<128xi32, #tpu.memory_space<vmem>>, %arg8: memref<128xi32, #tpu.memory_space<vmem>>, %arg9: memref<128x128xf32, #tpu.memory_space<vmem>>, %arg10: memref<10240x128xf32, #tpu.memory_space<vmem_shared>>, %arg11: memref<!tpu.dma_semaphore, #tpu.memory_space<semaphore_mem>>) attributes {dimension_semantics = [#tpu.dimension_semantics<core_parallel>, #tpu.dimension_semantics<subcore_parallel>], iteration_bounds = array<i64: 2, 16>, scalar_prefetch = 0 : i64, scratch_operands = 5 : i64, tpu.core_type = #tpu.core_type<sc_vector_subcore>, window_params = [{transform_indices = #map}, {transform_indices = #map1}, {transform_indices = #map1}, {transform_indices = #map}, {transform_indices = #map2}]} {
    %mul3A = arith.constant 16 : i32
    %mul3A_0 = arith.muli %arg0, %mul3A : i32
    %add3A = arith.addi %mul3A_0, %arg1 : i32
    %mul3A_1 = arith.constant 640 : i32
    %mul3A_2 = arith.muli %arg1, %mul3A_1 : i32
    "tpu.region"() ({
      %run_scoped3A = tpu.sem_alloc : memref<!tpu.dma_semaphore, #tpu.memory_space<semaphore_mem>>
      %dma_start3A = arith.constant 0 : i32
      %dma_start3A_15 = tpu.memref_slice %arg10[%mul3A_2, %dma_start3A] : memref<10240x128xf32, #tpu.memory_space<vmem_shared>> -> memref<640x128xf32, #tpu.memory_space<vmem_shared>>
      tpu.enqueue_dma source(%arg5 : memref<640x128xf32, #tpu.memory_space<hbm>>) target(%dma_start3A_15 : memref<640x128xf32, #tpu.memory_space<vmem_shared>>) target_semaphore(%run_scoped3A : memref<!tpu.dma_semaphore, #tpu.memory_space<semaphore_mem>>)
      %dma_wait3A = arith.constant 0 : i32
      %dma_wait3A_16 = tpu.memref_slice %arg10[%mul3A_2, %dma_wait3A] : memref<10240x128xf32, #tpu.memory_space<vmem_shared>> -> memref<640x128xf32, #tpu.memory_space<vmem_shared>>
      tpu.wait_dma2 semaphore(%run_scoped3A : memref<!tpu.dma_semaphore, #tpu.memory_space<semaphore_mem>>) src(%arg5 : memref<640x128xf32, #tpu.memory_space<hbm>>) dst(%dma_wait3A_16 : memref<640x128xf32, #tpu.memory_space<vmem_shared>>)
      tpu.yield
    }) : () -> ()
    %barrier3A = arith.constant 0 : index
    tpu.barrier barrier_id(%barrier3A)
    %mul3A_3 = arith.constant 10112 : i32
    %mul3A_4 = arith.muli %add3A, %mul3A_3 : i32
    %scan3A = arith.constant 0 : i32
    %scan3A_5 = arith.constant 0 : i32
    %scan3A_6 = arith.constant 79 : i32
    %scan3A_7 = arith.addi %scan3A_5, %scan3A_6 : i32
    %scan3A_8 = arith.constant 1 : i32
    scf.for %scan3A_15 = %scan3A_5 to %scan3A_7 step %scan3A_8  : i32 {
      %mul3A_16 = arith.constant 128 : i32
      %mul3A_17 = arith.muli %scan3A_15, %mul3A_16 : i32
      %add3A_18 = arith.addi %mul3A_4, %mul3A_17 : i32
      "tpu.region"() ({
        %run_scoped3A = tpu.sem_alloc : memref<!tpu.dma_semaphore, #tpu.memory_space<semaphore_mem>>
        %dma_start3A_23 = tpu.memref_slice %arg3[%add3A_18] : memref<323584xi32, #tpu.memory_space<hbm>> -> memref<128xi32, #tpu.memory_space<hbm>>
        %dma_start3A_24 = tpu.memref_slice %arg3[%add3A_18] : memref<323584xi32, #tpu.memory_space<hbm>> -> memref<128xi32, #tpu.memory_space<hbm>>
        tpu.enqueue_dma source(%dma_start3A_24 : memref<128xi32, #tpu.memory_space<hbm>>) target(%arg7 : memref<128xi32, #tpu.memory_space<vmem>>) target_semaphore(%run_scoped3A : memref<!tpu.dma_semaphore, #tpu.memory_space<semaphore_mem>>)
        %dma_wait3A_25 = tpu.memref_slice %arg3[%add3A_18] : memref<323584xi32, #tpu.memory_space<hbm>> -> memref<128xi32, #tpu.memory_space<hbm>>
        %dma_wait3A_26 = tpu.memref_slice %arg3[%add3A_18] : memref<323584xi32, #tpu.memory_space<hbm>> -> memref<128xi32, #tpu.memory_space<hbm>>
        tpu.wait_dma2 semaphore(%run_scoped3A : memref<!tpu.dma_semaphore, #tpu.memory_space<semaphore_mem>>) src(%dma_wait3A_26 : memref<128xi32, #tpu.memory_space<hbm>>) dst(%arg7 : memref<128xi32, #tpu.memory_space<vmem>>)
        tpu.yield
      }) : () -> ()
      "tpu.region"() ({
        %run_scoped3A = tpu.sem_alloc : memref<!tpu.dma_semaphore, #tpu.memory_space<semaphore_mem>>
        %dma_start3A_23 = tpu.memref_slice %arg4[%add3A_18] : memref<323584xi32, #tpu.memory_space<hbm>> -> memref<128xi32, #tpu.memory_space<hbm>>
        %dma_start3A_24 = tpu.memref_slice %arg4[%add3A_18] : memref<323584xi32, #tpu.memory_space<hbm>> -> memref<128xi32, #tpu.memory_space<hbm>>
        tpu.enqueue_dma source(%dma_start3A_24 : memref<128xi32, #tpu.memory_space<hbm>>) target(%arg8 : memref<128xi32, #tpu.memory_space<vmem>>) target_semaphore(%run_scoped3A : memref<!tpu.dma_semaphore, #tpu.memory_space<semaphore_mem>>)
        %dma_wait3A_25 = tpu.memref_slice %arg4[%add3A_18] : memref<323584xi32, #tpu.memory_space<hbm>> -> memref<128xi32, #tpu.memory_space<hbm>>
        %dma_wait3A_26 = tpu.memref_slice %arg4[%add3A_18] : memref<323584xi32, #tpu.memory_space<hbm>> -> memref<128xi32, #tpu.memory_space<hbm>>
        tpu.wait_dma2 semaphore(%run_scoped3A : memref<!tpu.dma_semaphore, #tpu.memory_space<semaphore_mem>>) src(%dma_wait3A_26 : memref<128xi32, #tpu.memory_space<hbm>>) dst(%arg8 : memref<128xi32, #tpu.memory_space<vmem>>)
        tpu.yield
      }) : () -> ()
      %dma_start3A = arith.constant 0 : i32
      %dma_start3A_19 = arith.constant 0 : i32
      %dma_start3A_20 = tpu.memref_slice %arg2[%dma_start3A, %dma_start3A_19] : memref<10000x128xf32, #tpu.memory_space<hbm>> -> memref<10000x128xf32, #tpu.memory_space<hbm>>
      tpu.enqueue_indirect_dma source(%dma_start3A_20 : memref<10000x128xf32, #tpu.memory_space<hbm>>) target(%arg9 : memref<128x128xf32, #tpu.memory_space<vmem>>) offsets(%arg7 : memref<128xi32, #tpu.memory_space<vmem>>) semaphore(%arg11 : memref<!tpu.dma_semaphore, #tpu.memory_space<semaphore_mem>>)
      %dma_wait3A = arith.constant 0 : i32
      %dma_wait3A_21 = arith.constant 0 : i32
      %dma_wait3A_22 = tpu.memref_slice %arg2[%dma_wait3A, %dma_wait3A_21] : memref<10000x128xf32, #tpu.memory_space<hbm>> -> memref<10000x128xf32, #tpu.memory_space<hbm>>
      tpu.wait_indirect_dma semaphore(%arg11 : memref<!tpu.dma_semaphore, #tpu.memory_space<semaphore_mem>>) src(%dma_wait3A_22 : memref<10000x128xf32, #tpu.memory_space<hbm>>) dst(%arg9 : memref<128x128xf32, #tpu.memory_space<vmem>>)
      "tpu.region"() ({
        %run_scoped3A = tpu.sem_alloc : memref<!tpu.dma_semaphore, #tpu.memory_space<semaphore_mem>>
        %dma_start3A_23 = arith.constant 0 : i32
        %dma_start3A_24 = arith.constant 0 : i32
        %dma_start3A_25 = tpu.memref_slice %arg10[%dma_start3A_23, %dma_start3A_24] : memref<10240x128xf32, #tpu.memory_space<vmem_shared>> -> memref<10240x128xf32, #tpu.memory_space<vmem_shared>>
        tpu.enqueue_indirect_dma source(%arg9 : memref<128x128xf32, #tpu.memory_space<vmem>>) target(%dma_start3A_25 : memref<10240x128xf32, #tpu.memory_space<vmem_shared>>) offsets(%arg8 : memref<128xi32, #tpu.memory_space<vmem>>) semaphore(%run_scoped3A : memref<!tpu.dma_semaphore, #tpu.memory_space<semaphore_mem>>) {add = true}
        %dma_wait3A_26 = arith.constant 0 : i32
        %dma_wait3A_27 = arith.constant 0 : i32
        %dma_wait3A_28 = tpu.memref_slice %arg10[%dma_wait3A_26, %dma_wait3A_27] : memref<10240x128xf32, #tpu.memory_space<vmem_shared>> -> memref<10240x128xf32, #tpu.memory_space<vmem_shared>>
        tpu.wait_indirect_dma semaphore(%run_scoped3A : memref<!tpu.dma_semaphore, #tpu.memory_space<semaphore_mem>>) src(%arg9 : memref<128x128xf32, #tpu.memory_space<vmem>>) dst(%dma_wait3A_28 : memref<10240x128xf32, #tpu.memory_space<vmem_shared>>)
        tpu.yield
      }) : () -> ()
    }
    %scan3A_9 = arith.constant 79 : i32
    %barrier3A_10 = arith.constant 0 : index
    tpu.barrier barrier_id(%barrier3A_10)
    %mul3A_11 = arith.constant 640 : i32
    %mul3A_12 = arith.muli %arg1, %mul3A_11 : i32
    %mul3A_13 = arith.constant 640 : i32
    %mul3A_14 = arith.muli %arg1, %mul3A_13 : i32
    "tpu.region"() ({
      %run_scoped3A = tpu.sem_alloc : memref<!tpu.dma_semaphore, #tpu.memory_space<semaphore_mem>>
      %dma_start3A = arith.constant 0 : i32
      %dma_start3A_15 = tpu.memref_slice %arg6[%arg0, %mul3A_14, %dma_start3A] : memref<2x10240x128xf32, #tpu.memory_space<hbm>> -> memref<1x640x128xf32, #tpu.memory_space<hbm>>
      %dma_start3A_16 = tpu.memref_squeeze %dma_start3A_15 : memref<1x640x128xf32, #tpu.memory_space<hbm>> -> memref<640x128xf32, #tpu.memory_space<hbm>>
      %dma_start3A_17 = arith.constant 0 : i32
      %dma_start3A_18 = tpu.memref_slice %arg10[%mul3A_12, %dma_start3A_17] : memref<10240x128xf32, #tpu.memory_space<vmem_shared>> -> memref<640x128xf32, #tpu.memory_space<vmem_shared>>
      tpu.enqueue_dma source(%dma_start3A_18 : memref<640x128xf32, #tpu.memory_space<vmem_shared>>) target(%dma_start3A_16 : memref<640x128xf32, #tpu.memory_space<hbm>>) target_semaphore(%run_scoped3A : memref<!tpu.dma_semaphore, #tpu.memory_space<semaphore_mem>>)
      %dma_wait3A = arith.constant 0 : i32
      %dma_wait3A_19 = tpu.memref_slice %arg6[%arg0, %mul3A_14, %dma_wait3A] : memref<2x10240x128xf32, #tpu.memory_space<hbm>> -> memref<1x640x128xf32, #tpu.memory_space<hbm>>
      %dma_wait3A_20 = tpu.memref_squeeze %dma_wait3A_19 : memref<1x640x128xf32, #tpu.memory_space<hbm>> -> memref<640x128xf32, #tpu.memory_space<hbm>>
      %dma_wait3A_21 = arith.constant 0 : i32
      %dma_wait3A_22 = tpu.memref_slice %arg10[%mul3A_12, %dma_wait3A_21] : memref<10240x128xf32, #tpu.memory_space<vmem_shared>> -> memref<640x128xf32, #tpu.memory_space<vmem_shared>>
      tpu.wait_dma2 semaphore(%run_scoped3A : memref<!tpu.dma_semaphore, #tpu.memory_space<semaphore_mem>>) src(%dma_wait3A_22 : memref<640x128xf32, #tpu.memory_space<vmem_shared>>) dst(%dma_wait3A_20 : memref<640x128xf32, #tpu.memory_space<hbm>>)
      tpu.yield
    }) : () -> ()
    return
  }
}

module attributes {stable_mosaic.version = 14 : i64} {
  func.func @_tc0_body(%arg0: memref<10000x1xi32, #tpu.memory_space<vmem>>, %arg1: memref<32x128xf32, #tpu.memory_space<vmem>>, %arg2: memref<2x10240x128xf32, #tpu.memory_space<vmem>>, %arg3: memref<1x128xf32, #tpu.memory_space<vmem>>, %arg4: memref<1x128xf32, #tpu.memory_space<vmem>>, %arg5: memref<128x128xf32, #tpu.memory_space<vmem>>, %arg6: memref<10000x128xf32, #tpu.memory_space<vmem>>, %arg7: memref<10000x128xf32, #tpu.memory_space<vmem>>, %arg8: memref<10000x1xf32, #tpu.memory_space<vmem>>) attributes {dimension_semantics = [], scalar_prefetch = 0 : i64, scratch_operands = 0 : i64, tpu.core_type = #tpu.core_type<tc>} {
    %get3A = arith.constant 0 : index
    %get3A_0 = arith.constant 0 : index
    %get3A_1 = vector.load %arg0[%get3A, %get3A_0] : memref<10000x1xi32, #tpu.memory_space<vmem>>, vector<10000x1xi32>
    %iota3A = tpu.iota {dimensions = array<i32: 1>} : vector<10000x32xi32>
    %eq3A = vector.broadcast %get3A_1 : vector<10000x1xi32> to vector<10000x32xi32>
    %eq3A_2 = arith.cmpi eq, %eq3A, %iota3A : vector<10000x32xi32>
    %convert_element_type3A = arith.extui %eq3A_2 : vector<10000x32xi1> to vector<10000x32xi32>
    %convert_element_type3A_3 = arith.sitofp %convert_element_type3A : vector<10000x32xi32> to vector<10000x32xf32>
    %get3A_4 = arith.constant 0 : index
    %get3A_5 = arith.constant 0 : index
    %get3A_6 = vector.load %arg1[%get3A_4, %get3A_5] : memref<32x128xf32, #tpu.memory_space<vmem>>, vector<32x128xf32>
    %dot_general3A = arith.constant dense<0.000000e+00> : vector<10000x128xf32>
    %dot_general3A_7 = tpu.matmul %convert_element_type3A_3, %get3A_6, %dot_general3A {dimension_numbers = #tpu.dot_dimension_numbers<[1], [0], [0], [1], [0, 0, 1, 1], [], []>, transpose_lhs_hint = false} : vector<10000x32xf32>, vector<32x128xf32>, vector<10000x128xf32> -> vector<10000x128xf32>
    %get3A_8 = arith.constant 0 : index
    %get3A_9 = arith.constant 0 : index
    %get3A_10 = arith.constant 0 : index
    %get3A_11 = vector.load %arg2[%get3A_8, %get3A_9, %get3A_10] : memref<2x10240x128xf32, #tpu.memory_space<vmem>>, vector<1x10000x1xf32>
    %get3A_12 = vector.shape_cast %get3A_11 : vector<1x10000x1xf32> to vector<10000x1xf32>
    %get3A_13 = arith.constant 1 : index
    %get3A_14 = arith.constant 0 : index
    %get3A_15 = arith.constant 0 : index
    %get3A_16 = vector.load %arg2[%get3A_13, %get3A_14, %get3A_15] : memref<2x10240x128xf32, #tpu.memory_space<vmem>>, vector<1x10000x1xf32>
    %get3A_17 = vector.shape_cast %get3A_16 : vector<1x10000x1xf32> to vector<10000x1xf32>
    %add3A = arith.addf %get3A_12, %get3A_17 : vector<10000x1xf32>
    %add3A_18 = arith.constant 1.000000e+00 : f32
    %add3A_19 = vector.broadcast %add3A_18 : f32 to vector<10000x1xf32>
    %add3A_20 = arith.addf %add3A, %add3A_19 : vector<10000x1xf32>
    %rsqrt3A = math.rsqrt %add3A_20 : vector<10000x1xf32>
    %get3A_21 = arith.constant 0 : index
    %get3A_22 = arith.constant 0 : index
    %get3A_23 = vector.load %arg3[%get3A_21, %get3A_22] : memref<1x128xf32, #tpu.memory_space<vmem>>, vector<1x128xf32>
    %get3A_24 = arith.constant 0 : index
    %get3A_25 = arith.constant 0 : index
    %get3A_26 = vector.load %arg4[%get3A_24, %get3A_25] : memref<1x128xf32, #tpu.memory_space<vmem>>, vector<1x128xf32>
    %get3A_27 = arith.constant 0 : index
    %get3A_28 = arith.constant 0 : index
    %get3A_29 = vector.load %arg5[%get3A_27, %get3A_28] : memref<128x128xf32, #tpu.memory_space<vmem>>, vector<128x128xf32>
    %reduce_sum3A = arith.constant dense<0.000000e+00> : vector<128xf32>
    %reduce_sum3A_30 = vector.multi_reduction <add>, %dot_general3A_7, %reduce_sum3A [0] : vector<10000x128xf32> to vector<128xf32>
    %broadcast_in_dim3A = vector.shape_cast %reduce_sum3A_30 : vector<128xf32> to vector<1x128xf32>
    %div3A = arith.constant 1.000000e+04 : f32
    %div3A_31 = vector.broadcast %div3A : f32 to vector<1x128xf32>
    %div3A_32 = arith.divf %broadcast_in_dim3A, %div3A_31 : vector<1x128xf32>
    %mul3A = arith.mulf %dot_general3A_7, %dot_general3A_7 : vector<10000x128xf32>
    %reduce_sum3A_33 = arith.constant dense<0.000000e+00> : vector<128xf32>
    %reduce_sum3A_34 = vector.multi_reduction <add>, %mul3A, %reduce_sum3A_33 [0] : vector<10000x128xf32> to vector<128xf32>
    %broadcast_in_dim3A_35 = vector.shape_cast %reduce_sum3A_34 : vector<128xf32> to vector<1x128xf32>
    %div3A_36 = arith.constant 1.000000e+04 : f32
    %div3A_37 = vector.broadcast %div3A_36 : f32 to vector<1x128xf32>
    %div3A_38 = arith.divf %broadcast_in_dim3A_35, %div3A_37 : vector<1x128xf32>
    %mul3A_39 = arith.mulf %div3A_32, %div3A_32 : vector<1x128xf32>
    %sub3A = arith.subf %div3A_38, %mul3A_39 : vector<1x128xf32>
    %sub3A_40 = vector.broadcast %div3A_32 : vector<1x128xf32> to vector<10000x128xf32>
    %sub3A_41 = arith.subf %dot_general3A_7, %sub3A_40 : vector<10000x128xf32>
    %add3A_42 = arith.constant 9.99999974E-6 : f32
    %add3A_43 = vector.broadcast %add3A_42 : f32 to vector<1x128xf32>
    %add3A_44 = arith.addf %sub3A, %add3A_43 : vector<1x128xf32>
    %rsqrt3A_45 = math.rsqrt %add3A_44 : vector<1x128xf32>
    %mul3A_46 = vector.broadcast %rsqrt3A_45 : vector<1x128xf32> to vector<10000x128xf32>
    %mul3A_47 = arith.mulf %sub3A_41, %mul3A_46 : vector<10000x128xf32>
    %mul3A_48 = vector.broadcast %get3A_23 : vector<1x128xf32> to vector<10000x128xf32>
    %mul3A_49 = arith.mulf %mul3A_47, %mul3A_48 : vector<10000x128xf32>
    %add3A_50 = vector.broadcast %get3A_26 : vector<1x128xf32> to vector<10000x128xf32>
    %add3A_51 = arith.addf %mul3A_49, %add3A_50 : vector<10000x128xf32>
    %dot_general3A_52 = arith.constant dense<0.000000e+00> : vector<10000x128xf32>
    %dot_general3A_53 = tpu.matmul %add3A_51, %get3A_29, %dot_general3A_52 {dimension_numbers = #tpu.dot_dimension_numbers<[1], [0], [0], [1], [0, 0, 1, 1], [], []>, transpose_lhs_hint = false} : vector<10000x128xf32>, vector<128x128xf32>, vector<10000x128xf32> -> vector<10000x128xf32>
    %mul3A_54 = vector.broadcast %rsqrt3A : vector<10000x1xf32> to vector<10000x128xf32>
    %mul3A_55 = arith.mulf %mul3A_54, %dot_general3A_53 : vector<10000x128xf32>
    %swap3A = arith.constant 0 : index
    %swap3A_56 = arith.constant 0 : index
    %swap3A_57 = vector.load %arg6[%swap3A, %swap3A_56] : memref<10000x128xf32, #tpu.memory_space<vmem>>, vector<10000x128xf32>
    tpu.vector_store %arg6[%swap3A, %swap3A_56], %mul3A_55 {strides = array<i32>} : memref<10000x128xf32, #tpu.memory_space<vmem>>, vector<10000x128xf32>,
    %swap3A_58 = arith.constant 0 : index
    %swap3A_59 = arith.constant 0 : index
    %swap3A_60 = vector.load %arg7[%swap3A_58, %swap3A_59] : memref<10000x128xf32, #tpu.memory_space<vmem>>, vector<10000x128xf32>
    tpu.vector_store %arg7[%swap3A_58, %swap3A_59], %dot_general3A_7 {strides = array<i32>} : memref<10000x128xf32, #tpu.memory_space<vmem>>, vector<10000x128xf32>,
    %swap3A_61 = arith.constant 0 : index
    %swap3A_62 = arith.constant 0 : index
    %swap3A_63 = vector.load %arg8[%swap3A_61, %swap3A_62] : memref<10000x1xf32, #tpu.memory_space<vmem>>, vector<10000x1xf32>
    tpu.vector_store %arg8[%swap3A_61, %swap3A_62], %rsqrt3A {strides = array<i32>} : memref<10000x1xf32, #tpu.memory_space<vmem>>, vector<10000x1xf32>,
    return
  }
}

module attributes {stable_mosaic.version = 14 : i64} {
  func.func @_tc_mid_body(%arg0: memref<2x10240x128xf32, #tpu.memory_space<vmem>>, %arg1: memref<10000x128xf32, #tpu.memory_space<vmem>>, %arg2: memref<10000x1xf32, #tpu.memory_space<vmem>>, %arg3: memref<1x128xf32, #tpu.memory_space<vmem>>, %arg4: memref<1x128xf32, #tpu.memory_space<vmem>>, %arg5: memref<1x128xf32, #tpu.memory_space<vmem>>, %arg6: memref<128x128xf32, #tpu.memory_space<vmem>>, %arg7: memref<10000x128xf32, #tpu.memory_space<vmem>>) attributes {dimension_semantics = [], scalar_prefetch = 0 : i64, scratch_operands = 0 : i64, tpu.core_type = #tpu.core_type<tc>} {
    %get3A = arith.constant 0 : index
    %get3A_0 = arith.constant 0 : index
    %get3A_1 = vector.load %arg2[%get3A, %get3A_0] : memref<10000x1xf32, #tpu.memory_space<vmem>>, vector<10000x1xf32>
    %get3A_2 = arith.constant 0 : index
    %get3A_3 = arith.constant 0 : index
    %get3A_4 = arith.constant 0 : index
    %get3A_5 = vector.load %arg0[%get3A_2, %get3A_3, %get3A_4] : memref<2x10240x128xf32, #tpu.memory_space<vmem>>, vector<1x10000x128xf32>
    %get3A_6 = vector.shape_cast %get3A_5 : vector<1x10000x128xf32> to vector<10000x128xf32>
    %get3A_7 = arith.constant 1 : index
    %get3A_8 = arith.constant 0 : index
    %get3A_9 = arith.constant 0 : index
    %get3A_10 = vector.load %arg0[%get3A_7, %get3A_8, %get3A_9] : memref<2x10240x128xf32, #tpu.memory_space<vmem>>, vector<1x10000x128xf32>
    %get3A_11 = vector.shape_cast %get3A_10 : vector<1x10000x128xf32> to vector<10000x128xf32>
    %add3A = arith.addf %get3A_6, %get3A_11 : vector<10000x128xf32>
    %get3A_12 = arith.constant 0 : index
    %get3A_13 = arith.constant 0 : index
    %get3A_14 = vector.load %arg1[%get3A_12, %get3A_13] : memref<10000x128xf32, #tpu.memory_space<vmem>>, vector<10000x128xf32>
    %add3A_15 = arith.addf %add3A, %get3A_14 : vector<10000x128xf32>
    %mul3A = vector.broadcast %get3A_1 : vector<10000x1xf32> to vector<10000x128xf32>
    %mul3A_16 = arith.mulf %add3A_15, %mul3A : vector<10000x128xf32>
    %get3A_17 = arith.constant 0 : index
    %get3A_18 = arith.constant 0 : index
    %get3A_19 = vector.load %arg3[%get3A_17, %get3A_18] : memref<1x128xf32, #tpu.memory_space<vmem>>, vector<1x128xf32>
    %add3A_20 = vector.broadcast %get3A_19 : vector<1x128xf32> to vector<10000x128xf32>
    %add3A_21 = arith.addf %mul3A_16, %add3A_20 : vector<10000x128xf32>
    %max3A = arith.constant 0.000000e+00 : f32
    %max3A_22 = vector.broadcast %max3A : f32 to vector<10000x128xf32>
    %max3A_23 = arith.maximumf %add3A_21, %max3A_22 : vector<10000x128xf32>
    %get3A_24 = arith.constant 0 : index
    %get3A_25 = arith.constant 0 : index
    %get3A_26 = vector.load %arg4[%get3A_24, %get3A_25] : memref<1x128xf32, #tpu.memory_space<vmem>>, vector<1x128xf32>
    %get3A_27 = arith.constant 0 : index
    %get3A_28 = arith.constant 0 : index
    %get3A_29 = vector.load %arg5[%get3A_27, %get3A_28] : memref<1x128xf32, #tpu.memory_space<vmem>>, vector<1x128xf32>
    %get3A_30 = arith.constant 0 : index
    %get3A_31 = arith.constant 0 : index
    %get3A_32 = vector.load %arg6[%get3A_30, %get3A_31] : memref<128x128xf32, #tpu.memory_space<vmem>>, vector<128x128xf32>
    %reduce_sum3A = arith.constant dense<0.000000e+00> : vector<128xf32>
    %reduce_sum3A_33 = vector.multi_reduction <add>, %max3A_23, %reduce_sum3A [0] : vector<10000x128xf32> to vector<128xf32>
    %broadcast_in_dim3A = vector.shape_cast %reduce_sum3A_33 : vector<128xf32> to vector<1x128xf32>
    %div3A = arith.constant 1.000000e+04 : f32
    %div3A_34 = vector.broadcast %div3A : f32 to vector<1x128xf32>
    %div3A_35 = arith.divf %broadcast_in_dim3A, %div3A_34 : vector<1x128xf32>
    %mul3A_36 = arith.mulf %max3A_23, %max3A_23 : vector<10000x128xf32>
    %reduce_sum3A_37 = arith.constant dense<0.000000e+00> : vector<128xf32>
    %reduce_sum3A_38 = vector.multi_reduction <add>, %mul3A_36, %reduce_sum3A_37 [0] : vector<10000x128xf32> to vector<128xf32>
    %broadcast_in_dim3A_39 = vector.shape_cast %reduce_sum3A_38 : vector<128xf32> to vector<1x128xf32>
    %div3A_40 = arith.constant 1.000000e+04 : f32
    %div3A_41 = vector.broadcast %div3A_40 : f32 to vector<1x128xf32>
    %div3A_42 = arith.divf %broadcast_in_dim3A_39, %div3A_41 : vector<1x128xf32>
    %mul3A_43 = arith.mulf %div3A_35, %div3A_35 : vector<1x128xf32>
    %sub3A = arith.subf %div3A_42, %mul3A_43 : vector<1x128xf32>
    %sub3A_44 = vector.broadcast %div3A_35 : vector<1x128xf32> to vector<10000x128xf32>
    %sub3A_45 = arith.subf %max3A_23, %sub3A_44 : vector<10000x128xf32>
    %add3A_46 = arith.constant 9.99999974E-6 : f32
    %add3A_47 = vector.broadcast %add3A_46 : f32 to vector<1x128xf32>
    %add3A_48 = arith.addf %sub3A, %add3A_47 : vector<1x128xf32>
    %rsqrt3A = math.rsqrt %add3A_48 : vector<1x128xf32>
    %mul3A_49 = vector.broadcast %rsqrt3A : vector<1x128xf32> to vector<10000x128xf32>
    %mul3A_50 = arith.mulf %sub3A_45, %mul3A_49 : vector<10000x128xf32>
    %mul3A_51 = vector.broadcast %get3A_26 : vector<1x128xf32> to vector<10000x128xf32>
    %mul3A_52 = arith.mulf %mul3A_50, %mul3A_51 : vector<10000x128xf32>
    %add3A_53 = vector.broadcast %get3A_29 : vector<1x128xf32> to vector<10000x128xf32>
    %add3A_54 = arith.addf %mul3A_52, %add3A_53 : vector<10000x128xf32>
    %dot_general3A = arith.constant dense<0.000000e+00> : vector<10000x128xf32>
    %dot_general3A_55 = tpu.matmul %add3A_54, %get3A_32, %dot_general3A {dimension_numbers = #tpu.dot_dimension_numbers<[1], [0], [0], [1], [0, 0, 1, 1], [], []>, transpose_lhs_hint = false} : vector<10000x128xf32>, vector<128x128xf32>, vector<10000x128xf32> -> vector<10000x128xf32>
    %mul3A_56 = vector.broadcast %get3A_1 : vector<10000x1xf32> to vector<10000x128xf32>
    %mul3A_57 = arith.mulf %mul3A_56, %dot_general3A_55 : vector<10000x128xf32>
    %swap3A = arith.constant 0 : index
    %swap3A_58 = arith.constant 0 : index
    %swap3A_59 = vector.load %arg7[%swap3A, %swap3A_58] : memref<10000x128xf32, #tpu.memory_space<vmem>>, vector<10000x128xf32>
    tpu.vector_store %arg7[%swap3A, %swap3A_58], %mul3A_57 {strides = array<i32>} : memref<10000x128xf32, #tpu.memory_space<vmem>>, vector<10000x128xf32>,
    return
  }
}

module attributes {stable_mosaic.version = 14 : i64} {
  func.func @_tc_mid_body(%arg0: memref<2x10240x128xf32, #tpu.memory_space<vmem>>, %arg1: memref<10000x128xf32, #tpu.memory_space<vmem>>, %arg2: memref<10000x1xf32, #tpu.memory_space<vmem>>, %arg3: memref<1x128xf32, #tpu.memory_space<vmem>>, %arg4: memref<1x128xf32, #tpu.memory_space<vmem>>, %arg5: memref<1x128xf32, #tpu.memory_space<vmem>>, %arg6: memref<128x128xf32, #tpu.memory_space<vmem>>, %arg7: memref<10000x128xf32, #tpu.memory_space<vmem>>, %arg8: memref<10000x128xf32, #tpu.memory_space<vmem>>, %arg9: memref<10000x128xf32, #tpu.memory_space<vmem>>) attributes {dimension_semantics = [], scalar_prefetch = 0 : i64, scratch_operands = 0 : i64, tpu.core_type = #tpu.core_type<tc>} {
    %get3A = arith.constant 0 : index
    %get3A_0 = arith.constant 0 : index
    %get3A_1 = vector.load %arg2[%get3A, %get3A_0] : memref<10000x1xf32, #tpu.memory_space<vmem>>, vector<10000x1xf32>
    %get3A_2 = arith.constant 0 : index
    %get3A_3 = arith.constant 0 : index
    %get3A_4 = arith.constant 0 : index
    %get3A_5 = vector.load %arg0[%get3A_2, %get3A_3, %get3A_4] : memref<2x10240x128xf32, #tpu.memory_space<vmem>>, vector<1x10000x128xf32>
    %get3A_6 = vector.shape_cast %get3A_5 : vector<1x10000x128xf32> to vector<10000x128xf32>
    %get3A_7 = arith.constant 1 : index
    %get3A_8 = arith.constant 0 : index
    %get3A_9 = arith.constant 0 : index
    %get3A_10 = vector.load %arg0[%get3A_7, %get3A_8, %get3A_9] : memref<2x10240x128xf32, #tpu.memory_space<vmem>>, vector<1x10000x128xf32>
    %get3A_11 = vector.shape_cast %get3A_10 : vector<1x10000x128xf32> to vector<10000x128xf32>
    %add3A = arith.addf %get3A_6, %get3A_11 : vector<10000x128xf32>
    %get3A_12 = arith.constant 0 : index
    %get3A_13 = arith.constant 0 : index
    %get3A_14 = vector.load %arg1[%get3A_12, %get3A_13] : memref<10000x128xf32, #tpu.memory_space<vmem>>, vector<10000x128xf32>
    %add3A_15 = arith.addf %add3A, %get3A_14 : vector<10000x128xf32>
    %mul3A = vector.broadcast %get3A_1 : vector<10000x1xf32> to vector<10000x128xf32>
    %mul3A_16 = arith.mulf %add3A_15, %mul3A : vector<10000x128xf32>
    %get3A_17 = arith.constant 0 : index
    %get3A_18 = arith.constant 0 : index
    %get3A_19 = vector.load %arg3[%get3A_17, %get3A_18] : memref<1x128xf32, #tpu.memory_space<vmem>>, vector<1x128xf32>
    %add3A_20 = vector.broadcast %get3A_19 : vector<1x128xf32> to vector<10000x128xf32>
    %add3A_21 = arith.addf %mul3A_16, %add3A_20 : vector<10000x128xf32>
    %max3A = arith.constant 0.000000e+00 : f32
    %max3A_22 = vector.broadcast %max3A : f32 to vector<10000x128xf32>
    %max3A_23 = arith.maximumf %add3A_21, %max3A_22 : vector<10000x128xf32>
    %get3A_24 = arith.constant 0 : index
    %get3A_25 = arith.constant 0 : index
    %get3A_26 = vector.load %arg7[%get3A_24, %get3A_25] : memref<10000x128xf32, #tpu.memory_space<vmem>>, vector<10000x128xf32>
    %add3A_27 = arith.addf %max3A_23, %get3A_26 : vector<10000x128xf32>
    %swap3A = arith.constant 0 : index
    %swap3A_28 = arith.constant 0 : index
    %swap3A_29 = vector.load %arg9[%swap3A, %swap3A_28] : memref<10000x128xf32, #tpu.memory_space<vmem>>, vector<10000x128xf32>
    tpu.vector_store %arg9[%swap3A, %swap3A_28], %add3A_27 {strides = array<i32>} : memref<10000x128xf32, #tpu.memory_space<vmem>>, vector<10000x128xf32>,
    %get3A_30 = arith.constant 0 : index
    %get3A_31 = arith.constant 0 : index
    %get3A_32 = vector.load %arg4[%get3A_30, %get3A_31] : memref<1x128xf32, #tpu.memory_space<vmem>>, vector<1x128xf32>
    %get3A_33 = arith.constant 0 : index
    %get3A_34 = arith.constant 0 : index
    %get3A_35 = vector.load %arg5[%get3A_33, %get3A_34] : memref<1x128xf32, #tpu.memory_space<vmem>>, vector<1x128xf32>
    %get3A_36 = arith.constant 0 : index
    %get3A_37 = arith.constant 0 : index
    %get3A_38 = vector.load %arg6[%get3A_36, %get3A_37] : memref<128x128xf32, #tpu.memory_space<vmem>>, vector<128x128xf32>
    %reduce_sum3A = arith.constant dense<0.000000e+00> : vector<128xf32>
    %reduce_sum3A_39 = vector.multi_reduction <add>, %add3A_27, %reduce_sum3A [0] : vector<10000x128xf32> to vector<128xf32>
    %broadcast_in_dim3A = vector.shape_cast %reduce_sum3A_39 : vector<128xf32> to vector<1x128xf32>
    %div3A = arith.constant 1.000000e+04 : f32
    %div3A_40 = vector.broadcast %div3A : f32 to vector<1x128xf32>
    %div3A_41 = arith.divf %broadcast_in_dim3A, %div3A_40 : vector<1x128xf32>
    %mul3A_42 = arith.mulf %add3A_27, %add3A_27 : vector<10000x128xf32>
    %reduce_sum3A_43 = arith.constant dense<0.000000e+00> : vector<128xf32>
    %reduce_sum3A_44 = vector.multi_reduction <add>, %mul3A_42, %reduce_sum3A_43 [0] : vector<10000x128xf32> to vector<128xf32>
    %broadcast_in_dim3A_45 = vector.shape_cast %reduce_sum3A_44 : vector<128xf32> to vector<1x128xf32>
    %div3A_46 = arith.constant 1.000000e+04 : f32
    %div3A_47 = vector.broadcast %div3A_46 : f32 to vector<1x128xf32>
    %div3A_48 = arith.divf %broadcast_in_dim3A_45, %div3A_47 : vector<1x128xf32>
    %mul3A_49 = arith.mulf %div3A_41, %div3A_41 : vector<1x128xf32>
    %sub3A = arith.subf %div3A_48, %mul3A_49 : vector<1x128xf32>
    %sub3A_50 = vector.broadcast %div3A_41 : vector<1x128xf32> to vector<10000x128xf32>
    %sub3A_51 = arith.subf %add3A_27, %sub3A_50 : vector<10000x128xf32>
    %add3A_52 = arith.constant 9.99999974E-6 : f32
    %add3A_53 = vector.broadcast %add3A_52 : f32 to vector<1x128xf32>
    %add3A_54 = arith.addf %sub3A, %add3A_53 : vector<1x128xf32>
    %rsqrt3A = math.rsqrt %add3A_54 : vector<1x128xf32>
    %mul3A_55 = vector.broadcast %rsqrt3A : vector<1x128xf32> to vector<10000x128xf32>
    %mul3A_56 = arith.mulf %sub3A_51, %mul3A_55 : vector<10000x128xf32>
    %mul3A_57 = vector.broadcast %get3A_32 : vector<1x128xf32> to vector<10000x128xf32>
    %mul3A_58 = arith.mulf %mul3A_56, %mul3A_57 : vector<10000x128xf32>
    %add3A_59 = vector.broadcast %get3A_35 : vector<1x128xf32> to vector<10000x128xf32>
    %add3A_60 = arith.addf %mul3A_58, %add3A_59 : vector<10000x128xf32>
    %dot_general3A = arith.constant dense<0.000000e+00> : vector<10000x128xf32>
    %dot_general3A_61 = tpu.matmul %add3A_60, %get3A_38, %dot_general3A {dimension_numbers = #tpu.dot_dimension_numbers<[1], [0], [0], [1], [0, 0, 1, 1], [], []>, transpose_lhs_hint = false} : vector<10000x128xf32>, vector<128x128xf32>, vector<10000x128xf32> -> vector<10000x128xf32>
    %mul3A_62 = vector.broadcast %get3A_1 : vector<10000x1xf32> to vector<10000x128xf32>
    %mul3A_63 = arith.mulf %mul3A_62, %dot_general3A_61 : vector<10000x128xf32>
    %swap3A_64 = arith.constant 0 : index
    %swap3A_65 = arith.constant 0 : index
    %swap3A_66 = vector.load %arg8[%swap3A_64, %swap3A_65] : memref<10000x128xf32, #tpu.memory_space<vmem>>, vector<10000x128xf32>
    tpu.vector_store %arg8[%swap3A_64, %swap3A_65], %mul3A_63 {strides = array<i32>} : memref<10000x128xf32, #tpu.memory_space<vmem>>, vector<10000x128xf32>,
    return
  }
}

module attributes {stable_mosaic.version = 14 : i64} {
  func.func @_tc_final_body(%arg0: memref<2x10240x128xf32, #tpu.memory_space<vmem>>, %arg1: memref<10000x128xf32, #tpu.memory_space<vmem>>, %arg2: memref<10000x1xf32, #tpu.memory_space<vmem>>, %arg3: memref<1x128xf32, #tpu.memory_space<vmem>>, %arg4: memref<10000x128xf32, #tpu.memory_space<vmem>>, %arg5: memref<10000x1xi32, #tpu.memory_space<vmem>>, %arg6: memref<64x16xf32, #tpu.memory_space<vmem>>, %arg7: memref<144x256xf32, #tpu.memory_space<vmem>>, %arg8: memref<1x256xf32, #tpu.memory_space<vmem>>, %arg9: memref<256x128xf32, #tpu.memory_space<vmem>>, %arg10: memref<1x128xf32, #tpu.memory_space<vmem>>, %arg11: memref<64x128xf32, #tpu.memory_space<vmem>>) attributes {dimension_semantics = [], scalar_prefetch = 0 : i64, scratch_operands = 0 : i64, tpu.core_type = #tpu.core_type<tc>} {
    %get3A = arith.constant 0 : index
    %get3A_0 = arith.constant 0 : index
    %get3A_1 = vector.load %arg2[%get3A, %get3A_0] : memref<10000x1xf32, #tpu.memory_space<vmem>>, vector<10000x1xf32>
    %get3A_2 = arith.constant 0 : index
    %get3A_3 = arith.constant 0 : index
    %get3A_4 = arith.constant 0 : index
    %get3A_5 = vector.load %arg0[%get3A_2, %get3A_3, %get3A_4] : memref<2x10240x128xf32, #tpu.memory_space<vmem>>, vector<1x10000x128xf32>
    %get3A_6 = vector.shape_cast %get3A_5 : vector<1x10000x128xf32> to vector<10000x128xf32>
    %get3A_7 = arith.constant 1 : index
    %get3A_8 = arith.constant 0 : index
    %get3A_9 = arith.constant 0 : index
    %get3A_10 = vector.load %arg0[%get3A_7, %get3A_8, %get3A_9] : memref<2x10240x128xf32, #tpu.memory_space<vmem>>, vector<1x10000x128xf32>
    %get3A_11 = vector.shape_cast %get3A_10 : vector<1x10000x128xf32> to vector<10000x128xf32>
    %add3A = arith.addf %get3A_6, %get3A_11 : vector<10000x128xf32>
    %get3A_12 = arith.constant 0 : index
    %get3A_13 = arith.constant 0 : index
    %get3A_14 = vector.load %arg1[%get3A_12, %get3A_13] : memref<10000x128xf32, #tpu.memory_space<vmem>>, vector<10000x128xf32>
    %add3A_15 = arith.addf %add3A, %get3A_14 : vector<10000x128xf32>
    %mul3A = vector.broadcast %get3A_1 : vector<10000x1xf32> to vector<10000x128xf32>
    %mul3A_16 = arith.mulf %add3A_15, %mul3A : vector<10000x128xf32>
    %get3A_17 = arith.constant 0 : index
    %get3A_18 = arith.constant 0 : index
    %get3A_19 = vector.load %arg3[%get3A_17, %get3A_18] : memref<1x128xf32, #tpu.memory_space<vmem>>, vector<1x128xf32>
    %add3A_20 = vector.broadcast %get3A_19 : vector<1x128xf32> to vector<10000x128xf32>
    %add3A_21 = arith.addf %mul3A_16, %add3A_20 : vector<10000x128xf32>
    %max3A = arith.constant 0.000000e+00 : f32
    %max3A_22 = vector.broadcast %max3A : f32 to vector<10000x128xf32>
    %max3A_23 = arith.maximumf %add3A_21, %max3A_22 : vector<10000x128xf32>
    %get3A_24 = arith.constant 0 : index
    %get3A_25 = arith.constant 0 : index
    %get3A_26 = vector.load %arg4[%get3A_24, %get3A_25] : memref<10000x128xf32, #tpu.memory_space<vmem>>, vector<10000x128xf32>
    %add3A_27 = arith.addf %max3A_23, %get3A_26 : vector<10000x128xf32>
    %get3A_28 = arith.constant 0 : index
    %get3A_29 = arith.constant 0 : index
    %get3A_30 = vector.load %arg5[%get3A_28, %get3A_29] : memref<10000x1xi32, #tpu.memory_space<vmem>>, vector<10000x1xi32>
    %iota3A = tpu.iota {dimensions = array<i32: 1>} : vector<10000x64xi32>
    %eq3A = vector.broadcast %get3A_30 : vector<10000x1xi32> to vector<10000x64xi32>
    %eq3A_31 = arith.cmpi eq, %eq3A, %iota3A : vector<10000x64xi32>
    %convert_element_type3A = arith.extui %eq3A_31 : vector<10000x64xi1> to vector<10000x64xi32>
    %convert_element_type3A_32 = arith.sitofp %convert_element_type3A : vector<10000x64xi32> to vector<10000x64xf32>
    %dot_general3A = arith.constant dense<0.000000e+00> : vector<64x128xf32>
    %dot_general3A_33 = tpu.matmul %convert_element_type3A_32, %add3A_27, %dot_general3A {dimension_numbers = #tpu.dot_dimension_numbers<[0], [0], [1], [1], [0, 1, 1, 1], [], []>, transpose_lhs_hint = false} : vector<10000x64xf32>, vector<10000x128xf32>, vector<64x128xf32> -> vector<64x128xf32>
    %broadcast_in_dim3A = arith.constant 1.000000e+00 : f32
    %broadcast_in_dim3A_34 = vector.broadcast %broadcast_in_dim3A : f32 to vector<10000x1xf32>
    %dot_general3A_35 = arith.constant dense<0.000000e+00> : vector<64x1xf32>
    %dot_general3A_36 = tpu.matmul %convert_element_type3A_32, %broadcast_in_dim3A_34, %dot_general3A_35 {dimension_numbers = #tpu.dot_dimension_numbers<[0], [0], [1], [1], [0, 1, 1, 1], [], []>, transpose_lhs_hint = false} : vector<10000x64xf32>, vector<10000x1xf32>, vector<64x1xf32> -> vector<64x1xf32>
    %max3A_37 = arith.constant 1.000000e+00 : f32
    %max3A_38 = vector.broadcast %max3A_37 : f32 to vector<64x1xf32>
    %max3A_39 = arith.maximumf %dot_general3A_36, %max3A_38 : vector<64x1xf32>
    %div3A = vector.broadcast %max3A_39 : vector<64x1xf32> to vector<64x128xf32>
    %div3A_40 = arith.divf %dot_general3A_33, %div3A : vector<64x128xf32>
    %get3A_41 = arith.constant 0 : index
    %get3A_42 = arith.constant 0 : index
    %get3A_43 = vector.load %arg6[%get3A_41, %get3A_42] : memref<64x16xf32, #tpu.memory_space<vmem>>, vector<64x16xf32>
    %concatenate3A = tpu.concatenate %div3A_40, %get3A_43 in 1 : vector<64x128xf32>, vector<64x16xf32> -> vector<64x144xf32>
    %get3A_44 = arith.constant 0 : index
    %get3A_45 = arith.constant 0 : index
    %get3A_46 = vector.load %arg7[%get3A_44, %get3A_45] : memref<144x256xf32, #tpu.memory_space<vmem>>, vector<144x256xf32>
    %dot_general3A_47 = arith.constant dense<0.000000e+00> : vector<64x256xf32>
    %dot_general3A_48 = tpu.matmul %concatenate3A, %get3A_46, %dot_general3A_47 {dimension_numbers = #tpu.dot_dimension_numbers<[1], [0], [0], [1], [0, 0, 1, 1], [], []>, transpose_lhs_hint = false} : vector<64x144xf32>, vector<144x256xf32>, vector<64x256xf32> -> vector<64x256xf32>
    %get3A_49 = arith.constant 0 : index
    %get3A_50 = arith.constant 0 : index
    %get3A_51 = vector.load %arg8[%get3A_49, %get3A_50] : memref<1x256xf32, #tpu.memory_space<vmem>>, vector<1x256xf32>
    %add3A_52 = vector.broadcast %get3A_51 : vector<1x256xf32> to vector<64x256xf32>
    %add3A_53 = arith.addf %dot_general3A_48, %add3A_52 : vector<64x256xf32>
    %max3A_54 = arith.constant 0.000000e+00 : f32
    %max3A_55 = vector.broadcast %max3A_54 : f32 to vector<64x256xf32>
    %max3A_56 = arith.maximumf %add3A_53, %max3A_55 : vector<64x256xf32>
    %get3A_57 = arith.constant 0 : index
    %get3A_58 = arith.constant 0 : index
    %get3A_59 = vector.load %arg9[%get3A_57, %get3A_58] : memref<256x128xf32, #tpu.memory_space<vmem>>, vector<256x128xf32>
    %dot_general3A_60 = arith.constant dense<0.000000e+00> : vector<64x128xf32>
    %dot_general3A_61 = tpu.matmul %max3A_56, %get3A_59, %dot_general3A_60 {dimension_numbers = #tpu.dot_dimension_numbers<[1], [0], [0], [1], [0, 0, 1, 1], [], []>, transpose_lhs_hint = false} : vector<64x256xf32>, vector<256x128xf32>, vector<64x128xf32> -> vector<64x128xf32>
    %get3A_62 = arith.constant 0 : index
    %get3A_63 = arith.constant 0 : index
    %get3A_64 = vector.load %arg10[%get3A_62, %get3A_63] : memref<1x128xf32, #tpu.memory_space<vmem>>, vector<1x128xf32>
    %add3A_65 = vector.broadcast %get3A_64 : vector<1x128xf32> to vector<64x128xf32>
    %add3A_66 = arith.addf %dot_general3A_61, %add3A_65 : vector<64x128xf32>
    %swap3A = arith.constant 0 : index
    %swap3A_67 = arith.constant 0 : index
    %swap3A_68 = vector.load %arg11[%swap3A, %swap3A_67] : memref<64x128xf32, #tpu.memory_space<vmem>>, vector<64x128xf32>
    tpu.vector_store %arg11[%swap3A, %swap3A_67], %add3A_66 {strides = array<i32>} : memref<64x128xf32, #tpu.memory_space<vmem>>, vector<64x128xf32>,
    return
  }
}

</mosaic_0001>

<sc_bundles>
// kernel: kernel.20.cloned.1.call-start
scs
__scs_entry_jumppad:
0x0: {  	(pc) =	sbr.rel $0x88, $3  }
0x1: {  	(tag) =	ssettag $0x0;
	lr =	simm.s32 $0x1  }
0x2: {  	[smem:$0x3F94] =	sst lr;
	_ =	strace $0xD0000000  }
0x3: {  	_ = 	snop  }
0x4: {  	_ = 	snop  }
0x5: {  	_ = 	snop  }
0x6: {  	_ = 	snop  }
0x7: {  	_ = 	snop  }
__scs_overlays_trampoline_lowered:
0x8: {  	[smem:$0x3FA3] =	sst s0  }
0x9: {  	[smem:$0x3FA4] =	sst s1  }
0xa: {  	[smem:$0x3FA5] =	sst s2  }
0xb: {  	[smem:$0x3FA6] =	sst s3  }
0xc: {  	[smem:$0x3FA7] =	sst s4  }
0xd: {  	[smem:$0x3FA8] =	sst s5  }
0xe: {  	[smem:$0x3FA9] =	sst s6  }
0xf: {  	[smem:$0x3FAA] =	sst s7  }
0x10: {  	[smem:$0x3FAB] =	sst s8  }
0x11: {  	[smem:$0x3FAC] =	sst s9;
	s0 =	simm.s32 @!p0 $0x0  }
0x12: {  	s1 =	sld [smem:$0x3F92];
	s0 =	simm.s32 @p0 $0x1  }
0x13: {  	[smem:$0x3FAD] =	sst s0;
	s0 =	simm.s32 @!p1 $0x0  }
0x14: {  	s2 =	sld [smem:$0x3F91];
	s0 =	simm.s32 @p1 $0x1  }
0x15: {  	[smem:$0x3FAE] =	sst s0;
	s0 =	simm.s32 @!p2 $0x0  }
0x16: {  	s3 =	sld [smem:$0x3FDB];
	s0 =	simm.s32 @p2 $0x1  }
0x17: {  	s4 =	simm.s32 $0x1BF5;
	[smem:$0x3FB0] =	sst s0  }
0x18: {  	s0 =	sld [smem:$0x3F93];
	_ =	swait.ge [sflag:s4], $0x0  }
0x19: {  	s7 =	sld [smem:$0x3F94]  }
0x1a: {  	s8 =	sadd.s32 $0xFFFFE003, lr  }
0x1b: {  	s9 =	sadd.s32 $0xFFFFFEF7, lr;
	s5 =	simm.s32 $0xFFFFFFFF;
	p2 =	slt.u32 s8, $0xFFFFF086  }
0x1c: {  	p1 =	slt.u32 s9, $0xF7A;
	s5 =	simm.s32 @!p2 $0x0  }
0x1d: {  	s5 =	simm.s32 @p1 $0x1;
	p0 =	seq.s32 s7, s2  }
0x1e: {  	s7 =	smul.u32 @!p0 $0xF7A, s2;
	p2 =	seq.s32 @!p0 s5, $0x0  }
0x1f: {  	s9 =	smul.u32 $0xF7A, s1;
	s8 =	simm.s32 @!p0 $0x1BF5;
	p2 =	por !p2, p0  }
0x20: {  	[sflag:s8] =	ssyncset.s32 @!p0 $0xFFFFF086;
	s6 =	sadd.s32 @!p0 s3, s7;
	s7 =	simm.s32 @!p0 $0x108  }
0x21: {  	s3 =	sadd.s32 s3, s9;
	s6 =	sadd.s32 @!p0 $0x88, s6;
	s7 =	simm.s32 @p2 $0x1082  }
0x22: {  	[simem:s7], [sflag:s8] =	dma.local @!p0 [hbm:s6], $0xF7A  }
0x23: {  	s9 =	sor.u32 $0xD0000000, s2;
	s6 =	simm.s32 $0x108;
	_ =	swait.ge @!p0 [sflag:s8], $0x0  }
0x24: {  	s3 =	sadd.s32 $0x88, s3;
	s6 =	simm.s32 @!p1 $0x1082;
	[sflag:s4] =	ssyncset.s32 $0xFFFFF086  }
0x25: {  	[simem:s6], [sflag:s4] =	dma.local [hbm:s3], $0xF7A  }
0x26: {  	[smem:$0x3F94] =	sst s1;
	(tag) =	ssettag s2;
	_ =	strace s9  }
0x27: {  	s1 =	sld [smem:$0x3FA4]  }
0x28: {  	s2 =	sld [smem:$0x3FA5]  }
0x29: {  	s4 =	sld [smem:$0x3FA7]  }
0x2a: {  	p0 =	seq.s32 s5, $0x0;
	s5 =	sld [smem:$0x3FA8]  }
0x2b: {  	s6 =	sld [smem:$0x3FA9]  }
0x2c: {  	s7 =	sld [smem:$0x3FAA]  }
0x2d: {  	s3 =	simm.s32 $0x108;
	s8 =	sld [smem:$0x3FAB]  }
0x2e: {  	s3 =	simm.s32 @!p0 $0x1082;
	s9 =	sld [smem:$0x3FAC]  }
0x2f: {  	lr =	sadd.s32 s0, s3;
	s0 =	sld [smem:$0x3FA3]  }
0x30: {  	s3 =	sld [smem:$0x3FA6]  }
0x31: {  	[smem:$0x3FAF] =	sst s10  }
0x32: {  	s10 =	sld [smem:$0x3FAD];
	_ =	sdelay $0x3  }
0x33: {  	p0 =	seq.s32 s10, $0x1;
	s10 =	sld [smem:$0x3FAF];
	_ =	sdelay $0x3  }
0x34: {  	[smem:$0x3FAF] =	sst s10  }
0x35: {  	s10 =	sld [smem:$0x3FAE];
	_ =	sdelay $0x3  }
0x36: {  	p1 =	seq.s32 s10, $0x1;
	s10 =	sld [smem:$0x3FAF];
	_ =	sdelay $0x3  }
0x37: {  	[smem:$0x3FAF] =	sst s10  }
0x38: {  	s10 =	sld [smem:$0x3FB0]  }
0x39: {  	_ = 	snop;
	(pc) =	sbr.ind lr, $3  }
0x3a: {  	_ = 	snop  }
0x3b: {  	_ = 	snop  }
0x3c: {  	p2 =	seq.s32 s10, $0x1;
	s10 =	sld [smem:$0x3FAF]  }
0x3d: {  	_ =	shalt  }
0x3e: {  	_ =	shalt  }
0x3f: {  	_ =	shalt  }
0x40: {  	_ =	shalt  }
0x41: {  	_ =	shalt  }
0x42: {  	_ =	shalt  }
0x43: {  	_ =	shalt  }
0x44: {  	_ =	shalt  }
0x45: {  	_ =	shalt  }
0x46: {  	_ =	shalt  }
0x47: {  	_ =	shalt  }
0x48: {  	_ =	shalt  }
0x49: {  	_ =	shalt  }
0x4a: {  	_ =	shalt  }
0x4b: {  	_ =	shalt  }
0x4c: {  	_ =	shalt  }
0x4d: {  	_ =	shalt  }
0x4e: {  	_ =	shalt  }
0x4f: {  	_ =	shalt  }
0x50: {  	_ =	shalt  }
0x51: {  	_ =	shalt  }
0x52: {  	_ =	shalt  }
0x53: {  	_ =	shalt  }
0x54: {  	_ =	shalt  }
0x55: {  	_ =	shalt  }
0x56: {  	_ =	shalt  }
0x57: {  	_ =	shalt  }
0x58: {  	_ =	shalt  }
0x59: {  	_ =	shalt  }
0x5a: {  	_ =	shalt  }
0x5b: {  	_ =	shalt  }
0x5c: {  	_ =	shalt  }
0x5d: {  	_ =	shalt  }
0x5e: {  	_ =	shalt  }
0x5f: {  	_ =	shalt  }
0x60: {  	_ =	shalt  }
0x61: {  	_ =	shalt  }
0x62: {  	_ =	shalt  }
0x63: {  	_ =	shalt  }
0x64: {  	_ =	shalt  }
0x65: {  	_ =	shalt  }
0x66: {  	_ =	shalt  }
0x67: {  	_ =	shalt  }
0x68: {  	_ =	shalt  }
0x69: {  	_ =	shalt  }
0x6a: {  	_ =	shalt  }
0x6b: {  	_ =	shalt  }
0x6c: {  	_ =	shalt  }
0x6d: {  	_ =	shalt  }
0x6e: {  	_ =	shalt  }
0x6f: {  	_ =	shalt  }
0x70: {  	_ =	shalt  }
0x71: {  	_ =	shalt  }
0x72: {  	_ =	shalt  }
0x73: {  	_ =	shalt  }
0x74: {  	_ =	shalt  }
0x75: {  	_ =	shalt  }
0x76: {  	_ =	shalt  }
0x77: {  	_ =	shalt  }
0x78: {  	_ =	shalt  }
0x79: {  	_ =	shalt  }
0x7a: {  	_ =	shalt  }
0x7b: {  	_ =	shalt  }
0x7c: {  	_ =	shalt  }
0x7d: {  	_ =	shalt  }
0x7e: {  	_ =	shalt  }
0x7f: {  	_ =	shalt  }
0x80: {  	_ =	shalt  }
0x81: {  	_ =	shalt  }
0x82: {  	_ =	shalt  }
0x83: {  	_ =	shalt  }
0x84: {  	_ =	shalt  }
0x85: {  	_ =	shalt  }
0x86: {  	_ =	shalt  }
0x87: {  	_ =	shalt  }
.Lfunc_end0:
.L_simem_size_0:
called_computation_lowered:
.L_overlay_start_0:
0x88: {  	s2 =	sld [smem:$0x3FD9]  }
0x89: {  	s3 =	sld [smem:$0x3FFE];
	_ =	sdelay $0x1  }
0x8a: {  	s1 =	srdreg.scid  }
0x8b: {  	s0 =	sand.u32 $0x1, s1  }
0x8c: {  	s16 =	sshll.u32 s0, $0xA;
	s2 =	sadd.s32 s3, s2  }
0x8d: {  	s2 =	sadd.s32 s2, s16  }
0x8e: {  	[smem:$0x3FBB] =	sst s2  }
0x8f: {  	_ = 	snop  }
0x90: {  	(tm) =	ssettm $0x1  }
0x91: {  	s17 =	sld [smem:$0x3FFB];
	_ =	sdelay $0x3  }
0x92: {  	_ =	strace s17  }
0x93: {  	s2 =	sld [smem:$0x3FFC];
	_ =	sdelay $0x3  }
0x94: {  	_ =	strace s2  }
0x95: {  	s2 =	sld [smem:$0x3FFD];
	_ =	sdelay $0x3  }
0x96: {  	_ =	strace s2  }
0x97: {  	_ =	strace $0x8FFFFFFF  }
0x98: {  	s18 =	sld [smem:$0x3FDB];
	_ =	sdelay $0x1  }
0x99: {  	s19 =	simm.s32 $_scs_section_size  }
0x9a: {  	s4 =	simm.s32 $_size__tile_overlayer_lowered;
	s5 =	simm.s32 $_tile_overlayer_lowered  }
0x9b: {  	s22 =	simm.s32 $0x1BFF;
	s21 =	sshll.u32 s5, $0x1;
	s2 =	sadd.s32 s19, s18  }
0x9c: {  	s6 =	simm.s32 $0x0;
	s20 =	sshll.u32 s4, $0x1;
	s4 =	sadd.s32 s21, s2  }
0x9d: {  	[timem:s6], [sflag:s22] =	dma.local [hbm:s4], s20  }
0x9e: {  	_ =	swait.ge [sflag:s22], s20  }
0x9f: {  	s3 =	ssub.s32 $0x0, s20;
	[sflag:s22] =	ssyncset.done $0x0  }
0xa0: {  	[sflag:s22] =	ssyncadd.s32 s3;
	_ =	sdelay $0x1  }
0xa1: {  	s23 =	simm.s32 $0x1B8B  }
0xa2: {  	_ =	swait.ge [sflag:s23], $0x1  }
0xa3: {  	[sflag:s23] =	ssyncset.done $0x0  }
0xa4: {  	s25 =	simm.s32 $0x1B8E;
	s24 =	sld [smem:$0x3FFE];
	[sflag:s23] =	ssyncadd.s32 $0xFFFFFFFF  }
0xa5: {  	s26 =	simm.s32 $execute0_lowered;
	[smem:$0x3FD2] =	sst s25  }
0xa6: {  	s4 =	sshll.u32 s26, $0x1;
	_ =	strace $0x80000046;
	[dreg:$0x1] =	wrdreg $0xFFFFFFFF  }
0xa7: {  	s28 =	simm.s32 $_size_execute0_lowered;
	s2 =	sadd.s32 s2, s4;
	[dreg:$0x0] =	wrdreg $0x0  }
0xa8: {  	s4 =	sshll.u32 s28, $0x1;
	[dreg:$0x2] =	wrdreg s2  }
0xa9: {  	[dreg:$0x3] =	wrdreg s4  }
0xaa: {  	[dreg:$0x4] =	wrdreg $0xC0  }
0xab: {  	_ =	task [dreg:s6], $0x5FFFF  }
0xac: {  	[dreg:$0x1] =	wrdreg $0xFFFFFFFF  }
0xad: {  	[dreg:$0x0] =	wrdreg $0x60  }
0xae: {  	[dreg:$0x2] =	wrdreg s24  }
0xaf: {  	[dreg:$0x3] =	wrdreg $0x41000  }
0xb0: {  	[dreg:$0x4] =	wrdreg $0x9  }
0xb1: {  	_ =	task.clear_ibuf [dreg:s6], $0x5FFFF;
	_ =	strace $0x90000046  }
0xb2: {  	s29 =	simm.s32 $0x9;
	_ =	strace $0x80000048  }
0xb3: {  	_ =	swait.ge [sflag:s29], $0x1  }
0xb4: {  	[sflag:s29] =	ssyncadd.s32 $0xFFFFFFFF  }
0xb5: {  	_ =	strace $0x90000048  }
0xb6: {  	_ =	sfence  }
0xb7: {  	s30 =	sld [smem:$0x0];
	_ =	sdelay $0x2  }
0xb8: {  	s31 =	sshll.u32 s1, $0xD;
	s1 =	sshrl.u32 s1, $0x2  }
0xb9: {  	s3 =	sand.u32 $0x4000, s31;
	s1 =	sadd.s32 s1, s30  }
0xba: {  	s0 =	sor.u32 s3, s0;
	s1 =	sshll.u32 s1, $0x11  }
0xbb: {  	s0 =	sor.u32 s1, s0  }
0xbc: {  	s0 =	sadd.s32 $0x8F2B, s0  }
0xbd: {  	[sflag:s0] =	ssyncadd.remote.s32 $0x1  }
0xbe: {  	_ =	sfence.sel $0xFFFF  }
0xbf: {  	[dreg:$0x0] =	wrdreg $0xFFFFFFFF;
	(pc) =	sbr.abs _section_cstart, $3  }
0xc0: {  	[dreg:$0x1] =	wrdreg $0xFFFFFFFF  }
0xc1: {  	_ =	task.clear_ibuf [dreg:s6], $0x2FFFF;
	_ =	strace $0x9FFFFFFF  }
0xc2: {  	(tm) =	ssettm $0x7FFFFFFF  }
0xc3: {  	_ =	shalt  }
tec
execute0_lowered:
.L_overlay_start_1:
0x0: {  	(tag) =	ssettag $0x1  }
0x1: {  	s6 =	rddreg [dreg:$0x0];
	s0 =	srdreg.scid  }
0x2: {  	s2 =	rddreg [dreg:$0x1];
	s1 =	stileid.u32;
	s3 =	simm.s32 $0x0  }
0x3: {  	s14 =	simm.s32 $0x100;
	s15 =	simm.s32 $0x1;
	s8 =	smul.u32 $0x14000, s1  }
0x4: {  	s7 =	sand.u32 $0x1, s0;
	s0 =	rddreg [dreg:$0x2];
	s10 =	smul.u32 $0x50000, s1  }
0x5: {  	s16 =	simm.s32 $0x0;
	[smem:$0x7FF] =	sst s3;
	s11 =	smul.u32 $0x4F0, s1  }
0x6: {  	s4 =	sadd.s32 $0x1D600, s6;
	s30 =	sshll.u32 s1, $0x6;
	s5 =	smul.u32 $0x140000, s7  }
0x7: {  	s9 =	smul.u32 $0x4F00, s7;
	_ =	strace $0x80000047;
	s29 =	ssub.s32 $0x2, s7  }
0x8: {  	s7 =	sshrl.u32 s29, $0x1;
	s10 =	sshrl.u32 s10, $0x2;
	s5 =	sadd.s32 s8, s5  }
0x9: {  	s26 =	sadd.s32 s9, s6;
	s12 =	ssub.s32 s29, s7;
	s13 =	sadd.s32 s10, s2  }
0xa: {  	s28 =	sshrl.u32 s5, $0x3;
	s5 =	sadd.s32 $0x1AE00, s6;
	s31 =	sadd.s32 s11, s26  }
0xb: {  	s8 =	smax.u32 s12, $0x1;
	s11 =	sshrl.u32 s13, $0x3;
	s12 =	simm.s32 $0x2  }
0xc: {  	s13 =	simm.s32 $0x80;
	s9 =	sadd.s32 s28, s6;
	s6 =	sor.u32 $0x1C02, s30  }
0xd: {  	s10 =	sadd.s32 $0x7200, s31;
	s7 =	sadd.s32 $0x44800, s9;
	s9 =	sadd.s32 $0x11000, s31  }
.LBB2_1:
0xe: {  	[spmem:s11], [sflag:s6] =	dma.local [hbm:s5], $0x2800  }
0xf: {  	_ =	swait.ge [sflag:s12], $0x2800  }
0x10: {  	[sflag:s12] =	ssyncset.done $0x0  }
0x11: {  	[sflag:s12] =	ssyncadd.s32 $0xFFFFD800  }
0x12: {  	s17 =	sadd.s32 $0x0, s10;
	[bflag:$0x0] =	sbarrier.arrive $0xFFFF  }
0x13: {  	[tilespmem:s3], [sflag:$0x2] =	stream.linear.gather [hbm4b:s17+s3], $0x80, $0x38;
	[tilespmem:$0x18100] =	vst v63  }
0x14: {  	_ =	swait.ge [sflag:s12], $0x80  }
0x15: {  	[sflag:s12] =	ssyncset.done $0x0  }
0x16: {  	s31 =	sadd.s32 $0x0, s9;
	[sflag:s12] =	ssyncadd.s32 $0xFFFFFF80  }
0x17: {  	[tilespmem:s13], [sflag:$0x2] =	stream.linear.gather [hbm4b:s31+s3], $0x80, $0x38;
	[tilespmem:$0x18100] =	vst v63  }
0x18: {  	_ =	swait.ge [sflag:s12], $0x80  }
0x19: {  	[sflag:s12] =	ssyncset.done $0x0  }
0x1a: {  	[sflag:s12] =	ssyncadd.s32 $0xFFFFFF80  }
0x1b: {  	[tilespmem:s14], [sflag:$0x1] =	stream.indirect.gather [hbm4b:s4+s13], $0x80, s3, s13, $0xb8;
	[tilespmem:$0x18100] =	vst v63  }
0x1c: {  	_ =	swait.ge [sflag:s15], $0x4000  }
0x1d: {  	[sflag:s15] =	ssyncset.done $0x0  }
0x1e: {  	[sflag:s15] =	ssyncadd.s32 $0xFFFFC000  }
0x1f: {  	[spmem:s2] =	stream.indirect.scatter.add.f32 [tilespmem:s14], [sflag:$0x2], $0x80, s13, s13, $0xb8;
	[tilespmem:$0x18100] =	vst v63  }
0x20: {  	_ =	swait.ge [sflag:s12], $0x4000  }
0x21: {  	s18 =	simm.s32 $0x20;
	s17 =	simm.s32 $0x10;
	[sflag:s12] =	ssyncset.done $0x0  }
.LBB2_2:
0x22: {  	s19 =	sadd.s32 s17, s10  }
0x23: {  	[sflag:s12] =	ssyncadd.s32 $0xFFFFC000;
	s20 =	smov.u32 s18;
	s21 =	sadd.s32 $0x10, s18  }
0x24: {  	[tilespmem:s3], [sflag:$0x2] =	stream.linear.gather [hbm4b:s19+s3], $0x80, $0x38;
	[tilespmem:$0x18100] =	vst v63  }
0x25: {  	p0 =	sne.s32 s18, $0x4E0;
	_ =	swait.ge [sflag:s12], $0x80  }
0x26: {  	[sflag:s12] =	ssyncset.done $0x0  }
0x27: {  	s18 =	sadd.s32 s17, s9;
	s17 =	smov.u32 s20;
	[sflag:s12] =	ssyncadd.s32 $0xFFFFFF80  }
0x28: {  	[tilespmem:s13], [sflag:$0x2] =	stream.linear.gather [hbm4b:s18+s3], $0x80, $0x38;
	[tilespmem:$0x18100] =	vst v63  }
0x29: {  	_ =	swait.ge [sflag:s12], $0x80  }
0x2a: {  	[sflag:s12] =	ssyncset.done $0x0  }
0x2b: {  	[sflag:s12] =	ssyncadd.s32 $0xFFFFFF80  }
0x2c: {  	[tilespmem:s14], [sflag:$0x1] =	stream.indirect.gather [hbm4b:s4+s13], $0x80, s3, s13, $0xb8;
	[tilespmem:$0x18100] =	vst v63  }
0x2d: {  	_ =	swait.ge [sflag:s15], $0x4000  }
.Ltmp0:
0x2e: {  	[sflag:s15] =	ssyncset.done $0x0;
	(pc) =	sbr.rel @p0 .LBB2_2-.Ltmp0, $4  }
0x2f: {  	[sflag:s15] =	ssyncadd.s32 $0xFFFFC000  }
0x30: {  	[spmem:s2] =	stream.indirect.scatter.add.f32 [tilespmem:s14], [sflag:$0x2], $0x80, s13, s13, $0xb8;
	[tilespmem:$0x18100] =	vst v63  }
0x31: {  	_ =	swait.ge [sflag:s12], $0x4000  }
0x32: {  	s18 =	smov.u32 s21;
	[sflag:s12] =	ssyncset.done $0x0  }
0x33: {  	s18 =	sadd.s32 s17, s10;
	[sflag:s12] =	ssyncadd.s32 $0xFFFFC000  }
0x34: {  	[tilespmem:s3], [sflag:$0x2] =	stream.linear.gather [hbm4b:s18+s3], $0x80, $0x38;
	[tilespmem:$0x18100] =	vst v63  }
0x35: {  	_ =	swait.ge [sflag:s12], $0x80  }
0x36: {  	[sflag:s12] =	ssyncset.done $0x0  }
0x37: {  	s31 =	sadd.s32 s17, s9;
	[sflag:s12] =	ssyncadd.s32 $0xFFFFFF80  }
0x38: {  	[tilespmem:s13], [sflag:$0x2] =	stream.linear.gather [hbm4b:s31+s3], $0x80, $0x38;
	[tilespmem:$0x18100] =	vst v63  }
0x39: {  	_ =	swait.ge [sflag:s12], $0x80  }
0x3a: {  	[sflag:s12] =	ssyncset.done $0x0  }
0x3b: {  	[sflag:s12] =	ssyncadd.s32 $0xFFFFFF80  }
0x3c: {  	[tilespmem:s14], [sflag:$0x1] =	stream.indirect.gather [hbm4b:s4+s13], $0x80, s3, s13, $0xb8;
	[tilespmem:$0x18100] =	vst v63  }
0x3d: {  	_ =	swait.ge [sflag:s15], $0x4000  }
0x3e: {  	[sflag:s15] =	ssyncset.done $0x0  }
0x3f: {  	[sflag:s15] =	ssyncadd.s32 $0xFFFFC000  }
0x40: {  	[spmem:s2] =	stream.indirect.scatter.add.f32 [tilespmem:s14], [sflag:$0x2], $0x80, s13, s13, $0xb8;
	[tilespmem:$0x18100] =	vst v63  }
0x41: {  	_ =	swait.ge [sflag:s12], $0x4000  }
0x42: {  	s16 =	sadd.s32 $0x1, s16;
	[sflag:s12] =	ssyncset.done $0x0  }
0x43: {  	p0 =	sne.s32 s16, s8;
	[sflag:s12] =	ssyncadd.s32 $0xFFFFC000  }
.Ltmp1:
0x44: {  	[bflag:$0x0] =	sbarrier.arrive $0xFFFF;
	(pc) =	sbr.rel @p0 .LBB2_1-.Ltmp1, $4  }
0x45: {  	[hbm:s7], [sflag:s6] =	dma.local [spmem:s11], $0x2800  }
0x46: {  	_ =	swait.ge [sflag:s12], $0x2800  }
0x47: {  	[sflag:s12] =	ssyncset.done $0x0  }
0x48: {  	[sflag:s12] =	ssyncadd.s32 $0xFFFFD800  }
0x49: {  	_ =	sfence.sel $0x180000  }
0x4a: {  	[bflag:$0x0] =	sbarrier.arrive $0xFFFF  }
0x4b: {  	p0 =	sne.s32 s1, $0x0;
	_ =	strace $0x90000047  }
0x4c: {  	s0 =	sadd.s32 @!p0 $0x100000, s0;
	[bflag:$0x2] =	sbarrier.arrive $0xFFFF  }
0x4d: {  	[sflag:s0] =	ssyncadd.tile.s32 @!p0 $0x1;
	_ =	shalt  }
.Lfunc_end2:
_tile_overlayer_lowered:
.L_overlay_start_2:
0x4e: {  	(tag) =	ssettag $0x2  }
0x4f: {  	s0 =	rddreg [dreg:$0x0];
	s2 =	stileid.u32  }
0x50: {  	s1 =	rddreg [dreg:$0x1];
	p0 =	sne.s32 s2, $0x0  }
0x51: {  	s3 =	rddreg [dreg:$0x2];
	[bflag:$0x3] =	sbarrier.arrive $0xFFFF;
	s2 =	simm.s32 @!p0 $0x1C02  }
0x52: {  	[timem:s3], [sflag:s2] =	dma.local @!p0 [hbm:s0], s1  }
0x53: {  	s0 =	simm.s32 @!p0 $0x2  }
0x54: {  	_ =	swait.ge @!p0 [sflag:s0], s1  }
0x55: {  	s1 =	ssub.s32 @!p0 $0x0, s1;
	[sflag:s0] =	ssyncset.done @!p0 $0x0  }
0x56: {  	[sflag:s0] =	ssyncadd.s32 @!p0 s1  }
0x57: {  	[bflag:$0x3] =	sbarrier.arrive $0xFFFF  }
0x58: {  	_ =	shalt  }

// kernel: kernel.23.cloned.1.call-start
scs
__scs_entry_jumppad:
0x0: {  	(pc) =	sbr.rel $0x88, $3  }
0x1: {  	(tag) =	ssettag $0x0;
	lr =	simm.s32 $0x1  }
0x2: {  	[smem:$0x3F94] =	sst lr;
	_ =	strace $0xD0000000  }
0x3: {  	_ = 	snop  }
0x4: {  	_ = 	snop  }
0x5: {  	_ = 	snop  }
0x6: {  	_ = 	snop  }
0x7: {  	_ = 	snop  }
__scs_overlays_trampoline_lowered:
0x8: {  	[smem:$0x3FA3] =	sst s0  }
0x9: {  	[smem:$0x3FA4] =	sst s1  }
0xa: {  	[smem:$0x3FA5] =	sst s2  }
0xb: {  	[smem:$0x3FA6] =	sst s3  }
0xc: {  	[smem:$0x3FA7] =	sst s4  }
0xd: {  	[smem:$0x3FA8] =	sst s5  }
0xe: {  	[smem:$0x3FA9] =	sst s6  }
0xf: {  	[smem:$0x3FAA] =	sst s7  }
0x10: {  	[smem:$0x3FAB] =	sst s8  }
0x11: {  	[smem:$0x3FAC] =	sst s9;
	s0 =	simm.s32 @!p0 $0x0  }
0x12: {  	s1 =	sld [smem:$0x3F92];
	s0 =	simm.s32 @p0 $0x1  }
0x13: {  	[smem:$0x3FAD] =	sst s0;
	s0 =	simm.s32 @!p1 $0x0  }
0x14: {  	s2 =	sld [smem:$0x3F91];
	s0 =	simm.s32 @p1 $0x1  }
0x15: {  	[smem:$0x3FAE] =	sst s0;
	s0 =	simm.s32 @!p2 $0x0  }
0x16: {  	s3 =	sld [smem:$0x3FDB];
	s0 =	simm.s32 @p2 $0x1  }
0x17: {  	s4 =	simm.s32 $0x1BF5;
	[smem:$0x3FB0] =	sst s0  }
0x18: {  	s0 =	sld [smem:$0x3F93];
	_ =	swait.ge [sflag:s4], $0x0  }
0x19: {  	s7 =	sld [smem:$0x3F94]  }
0x1a: {  	s8 =	sadd.s32 $0xFFFFE003, lr  }
0x1b: {  	s9 =	sadd.s32 $0xFFFFFEF7, lr;
	s5 =	simm.s32 $0xFFFFFFFF;
	p2 =	slt.u32 s8, $0xFFFFF086  }
0x1c: {  	p1 =	slt.u32 s9, $0xF7A;
	s5 =	simm.s32 @!p2 $0x0  }
0x1d: {  	s5 =	simm.s32 @p1 $0x1;
	p0 =	seq.s32 s7, s2  }
0x1e: {  	s7 =	smul.u32 @!p0 $0xF7A, s2;
	p2 =	seq.s32 @!p0 s5, $0x0  }
0x1f: {  	s9 =	smul.u32 $0xF7A, s1;
	s8 =	simm.s32 @!p0 $0x1BF5;
	p2 =	por !p2, p0  }
0x20: {  	[sflag:s8] =	ssyncset.s32 @!p0 $0xFFFFF086;
	s6 =	sadd.s32 @!p0 s3, s7;
	s7 =	simm.s32 @!p0 $0x108  }
0x21: {  	s3 =	sadd.s32 s3, s9;
	s6 =	sadd.s32 @!p0 $0x88, s6;
	s7 =	simm.s32 @p2 $0x1082  }
0x22: {  	[simem:s7], [sflag:s8] =	dma.local @!p0 [hbm:s6], $0xF7A  }
0x23: {  	s9 =	sor.u32 $0xD0000000, s2;
	s6 =	simm.s32 $0x108;
	_ =	swait.ge @!p0 [sflag:s8], $0x0  }
0x24: {  	s3 =	sadd.s32 $0x88, s3;
	s6 =	simm.s32 @!p1 $0x1082;
	[sflag:s4] =	ssyncset.s32 $0xFFFFF086  }
0x25: {  	[simem:s6], [sflag:s4] =	dma.local [hbm:s3], $0xF7A  }
0x26: {  	[smem:$0x3F94] =	sst s1;
	(tag) =	ssettag s2;
	_ =	strace s9  }
0x27: {  	s1 =	sld [smem:$0x3FA4]  }
0x28: {  	s2 =	sld [smem:$0x3FA5]  }
0x29: {  	s4 =	sld [smem:$0x3FA7]  }
0x2a: {  	p0 =	seq.s32 s5, $0x0;
	s5 =	sld [smem:$0x3FA8]  }
0x2b: {  	s6 =	sld [smem:$0x3FA9]  }
0x2c: {  	s7 =	sld [smem:$0x3FAA]  }
0x2d: {  	s3 =	simm.s32 $0x108;
	s8 =	sld [smem:$0x3FAB]  }
0x2e: {  	s3 =	simm.s32 @!p0 $0x1082;
	s9 =	sld [smem:$0x3FAC]  }
0x2f: {  	lr =	sadd.s32 s0, s3;
	s0 =	sld [smem:$0x3FA3]  }
0x30: {  	s3 =	sld [smem:$0x3FA6]  }
0x31: {  	[smem:$0x3FAF] =	sst s10  }
0x32: {  	s10 =	sld [smem:$0x3FAD];
	_ =	sdelay $0x3  }
0x33: {  	p0 =	seq.s32 s10, $0x1;
	s10 =	sld [smem:$0x3FAF];
	_ =	sdelay $0x3  }
0x34: {  	[smem:$0x3FAF] =	sst s10  }
0x35: {  	s10 =	sld [smem:$0x3FAE];
	_ =	sdelay $0x3  }
0x36: {  	p1 =	seq.s32 s10, $0x1;
	s10 =	sld [smem:$0x3FAF];
	_ =	sdelay $0x3  }
0x37: {  	[smem:$0x3FAF] =	sst s10  }
0x38: {  	s10 =	sld [smem:$0x3FB0]  }
0x39: {  	_ = 	snop;
	(pc) =	sbr.ind lr, $3  }
0x3a: {  	_ = 	snop  }
0x3b: {  	_ = 	snop  }
0x3c: {  	p2 =	seq.s32 s10, $0x1;
	s10 =	sld [smem:$0x3FAF]  }
0x3d: {  	_ =	shalt  }
0x3e: {  	_ =	shalt  }
0x3f: {  	_ =	shalt  }
0x40: {  	_ =	shalt  }
0x41: {  	_ =	shalt  }
0x42: {  	_ =	shalt  }
0x43: {  	_ =	shalt  }
0x44: {  	_ =	shalt  }
0x45: {  	_ =	shalt  }
0x46: {  	_ =	shalt  }
0x47: {  	_ =	shalt  }
0x48: {  	_ =	shalt  }
0x49: {  	_ =	shalt  }
0x4a: {  	_ =	shalt  }
0x4b: {  	_ =	shalt  }
0x4c: {  	_ =	shalt  }
0x4d: {  	_ =	shalt  }
0x4e: {  	_ =	shalt  }
0x4f: {  	_ =	shalt  }
0x50: {  	_ =	shalt  }
0x51: {  	_ =	shalt  }
0x52: {  	_ =	shalt  }
0x53: {  	_ =	shalt  }
0x54: {  	_ =	shalt  }
0x55: {  	_ =	shalt  }
0x56: {  	_ =	shalt  }
0x57: {  	_ =	shalt  }
0x58: {  	_ =	shalt  }
0x59: {  	_ =	shalt  }
0x5a: {  	_ =	shalt  }
0x5b: {  	_ =	shalt  }
0x5c: {  	_ =	shalt  }
0x5d: {  	_ =	shalt  }
0x5e: {  	_ =	shalt  }
0x5f: {  	_ =	shalt  }
0x60: {  	_ =	shalt  }
0x61: {  	_ =	shalt  }
0x62: {  	_ =	shalt  }
0x63: {  	_ =	shalt  }
0x64: {  	_ =	shalt  }
0x65: {  	_ =	shalt  }
0x66: {  	_ =	shalt  }
0x67: {  	_ =	shalt  }
0x68: {  	_ =	shalt  }
0x69: {  	_ =	shalt  }
0x6a: {  	_ =	shalt  }
0x6b: {  	_ =	shalt  }
0x6c: {  	_ =	shalt  }
0x6d: {  	_ =	shalt  }
0x6e: {  	_ =	shalt  }
0x6f: {  	_ =	shalt  }
0x70: {  	_ =	shalt  }
0x71: {  	_ =	shalt  }
0x72: {  	_ =	shalt  }
0x73: {  	_ =	shalt  }
0x74: {  	_ =	shalt  }
0x75: {  	_ =	shalt  }
0x76: {  	_ =	shalt  }
0x77: {  	_ =	shalt  }
0x78: {  	_ =	shalt  }
0x79: {  	_ =	shalt  }
0x7a: {  	_ =	shalt  }
0x7b: {  	_ =	shalt  }
0x7c: {  	_ =	shalt  }
0x7d: {  	_ =	shalt  }
0x7e: {  	_ =	shalt  }
0x7f: {  	_ =	shalt  }
0x80: {  	_ =	shalt  }
0x81: {  	_ =	shalt  }
0x82: {  	_ =	shalt  }
0x83: {  	_ =	shalt  }
0x84: {  	_ =	shalt  }
0x85: {  	_ =	shalt  }
0x86: {  	_ =	shalt  }
0x87: {  	_ =	shalt  }
.Lfunc_end0:
.L_simem_size_0:
called_computation.1_lowered:
.L_overlay_start_0:
0x88: {  	s2 =	sld [smem:$0x3FD9]  }
0x89: {  	s3 =	sld [smem:$0x3FFE];
	_ =	sdelay $0x1  }
0x8a: {  	s1 =	srdreg.scid  }
0x8b: {  	s0 =	sand.u32 $0x1, s1  }
0x8c: {  	s16 =	sshll.u32 s0, $0xA;
	s2 =	sadd.s32 s3, s2  }
0x8d: {  	s2 =	sadd.s32 s2, s16  }
0x8e: {  	[smem:$0x3FBB] =	sst s2  }
0x8f: {  	_ = 	snop  }
0x90: {  	(tm) =	ssettm $0x1  }
0x91: {  	s17 =	sld [smem:$0x3FFB];
	_ =	sdelay $0x3  }
0x92: {  	_ =	strace s17  }
0x93: {  	s2 =	sld [smem:$0x3FFC];
	_ =	sdelay $0x3  }
0x94: {  	_ =	strace s2  }
0x95: {  	s2 =	sld [smem:$0x3FFD];
	_ =	sdelay $0x3  }
0x96: {  	_ =	strace s2  }
0x97: {  	_ =	strace $0x8FFFFFFF  }
0x98: {  	s18 =	sld [smem:$0x3FDB];
	_ =	sdelay $0x1  }
0x99: {  	s19 =	simm.s32 $_scs_section_size  }
0x9a: {  	s4 =	simm.s32 $_size__tile_overlayer_lowered;
	s5 =	simm.s32 $_tile_overlayer_lowered  }
0x9b: {  	s22 =	simm.s32 $0x1BFF;
	s21 =	sshll.u32 s5, $0x1;
	s2 =	sadd.s32 s19, s18  }
0x9c: {  	s6 =	simm.s32 $0x0;
	s20 =	sshll.u32 s4, $0x1;
	s4 =	sadd.s32 s21, s2  }
0x9d: {  	[timem:s6], [sflag:s22] =	dma.local [hbm:s4], s20  }
0x9e: {  	_ =	swait.ge [sflag:s22], s20  }
0x9f: {  	s3 =	ssub.s32 $0x0, s20;
	[sflag:s22] =	ssyncset.done $0x0  }
0xa0: {  	[sflag:s22] =	ssyncadd.s32 s3;
	_ =	sdelay $0x1  }
0xa1: {  	s23 =	simm.s32 $0x1B8B  }
0xa2: {  	_ =	swait.ge [sflag:s23], $0x1  }
0xa3: {  	[sflag:s23] =	ssyncset.done $0x0  }
0xa4: {  	s25 =	simm.s32 $0x1B8E;
	s24 =	sld [smem:$0x3FFE];
	[sflag:s23] =	ssyncadd.s32 $0xFFFFFFFF  }
0xa5: {  	s26 =	simm.s32 $execute0_lowered;
	[smem:$0x3FD2] =	sst s25  }
0xa6: {  	s4 =	sshll.u32 s26, $0x1;
	_ =	strace $0x80000049;
	[dreg:$0x1] =	wrdreg $0xFFFFFFFF  }
0xa7: {  	s28 =	simm.s32 $_size_execute0_lowered;
	s2 =	sadd.s32 s2, s4;
	[dreg:$0x0] =	wrdreg $0x0  }
0xa8: {  	s4 =	sshll.u32 s28, $0x1;
	[dreg:$0x2] =	wrdreg s2  }
0xa9: {  	[dreg:$0x3] =	wrdreg s4  }
0xaa: {  	[dreg:$0x4] =	wrdreg $0xC0  }
0xab: {  	_ =	task [dreg:s6], $0x5FFFF  }
0xac: {  	[dreg:$0x1] =	wrdreg $0xFFFFFFFF  }
0xad: {  	[dreg:$0x0] =	wrdreg $0x60  }
0xae: {  	[dreg:$0x2] =	wrdreg s24  }
0xaf: {  	[dreg:$0x3] =	wrdreg $0x41000  }
0xb0: {  	[dreg:$0x4] =	wrdreg $0x9  }
0xb1: {  	_ =	task.clear_ibuf [dreg:s6], $0x5FFFF;
	_ =	strace $0x90000049  }
0xb2: {  	s29 =	simm.s32 $0x9;
	_ =	strace $0x8000004B  }
0xb3: {  	_ =	swait.ge [sflag:s29], $0x1  }
0xb4: {  	[sflag:s29] =	ssyncadd.s32 $0xFFFFFFFF  }
0xb5: {  	_ =	strace $0x9000004B  }
0xb6: {  	_ =	sfence  }
0xb7: {  	s30 =	sld [smem:$0x0];
	_ =	sdelay $0x2  }
0xb8: {  	s31 =	sshll.u32 s1, $0xD;
	s1 =	sshrl.u32 s1, $0x2  }
0xb9: {  	s3 =	sand.u32 $0x4000, s31;
	s1 =	sadd.s32 s1, s30  }
0xba: {  	s0 =	sor.u32 s3, s0;
	s1 =	sshll.u32 s1, $0x11  }
0xbb: {  	s0 =	sor.u32 s1, s0  }
0xbc: {  	s0 =	sadd.s32 $0x8F2B, s0  }
0xbd: {  	[sflag:s0] =	ssyncadd.remote.s32 $0x1  }
0xbe: {  	_ =	sfence.sel $0xFFFF  }
0xbf: {  	[dreg:$0x0] =	wrdreg $0xFFFFFFFF;
	(pc) =	sbr.abs _section_cstart, $3  }
0xc0: {  	[dreg:$0x1] =	wrdreg $0xFFFFFFFF  }
0xc1: {  	_ =	task.clear_ibuf [dreg:s6], $0x2FFFF;
	_ =	strace $0x9FFFFFFF  }
0xc2: {  	(tm) =	ssettm $0x7FFFFFFF  }
0xc3: {  	_ =	shalt  }
tec
execute0_lowered:
.L_overlay_start_1:
0x0: {  	(tag) =	ssettag $0x1  }
0x1: {  	s6 =	rddreg [dreg:$0x0];
	s0 =	srdreg.scid  }
0x2: {  	s2 =	rddreg [dreg:$0x1];
	s1 =	stileid.u32;
	s3 =	simm.s32 $0x0  }
0x3: {  	s14 =	simm.s32 $0x100;
	s15 =	simm.s32 $0x1;
	s8 =	smul.u32 $0x14000, s1  }
0x4: {  	s7 =	sand.u32 $0x1, s0;
	s0 =	rddreg [dreg:$0x2];
	s10 =	smul.u32 $0x50000, s1  }
0x5: {  	s16 =	simm.s32 $0x0;
	[smem:$0x7FF] =	sst s3;
	s11 =	smul.u32 $0x4F0, s1  }
0x6: {  	s4 =	sadd.s32 $0x1D600, s6;
	s30 =	sshll.u32 s1, $0x6;
	s5 =	smul.u32 $0x140000, s7  }
0x7: {  	s9 =	smul.u32 $0x4F00, s7;
	_ =	strace $0x8000004A;
	s29 =	ssub.s32 $0x2, s7  }
0x8: {  	s7 =	sshrl.u32 s29, $0x1;
	s10 =	sshrl.u32 s10, $0x2;
	s5 =	sadd.s32 s8, s5  }
0x9: {  	s26 =	sadd.s32 s9, s6;
	s12 =	ssub.s32 s29, s7;
	s13 =	sadd.s32 s10, s2  }
0xa: {  	s28 =	sshrl.u32 s5, $0x3;
	s5 =	sadd.s32 $0x1AE00, s6;
	s31 =	sadd.s32 s11, s26  }
0xb: {  	s8 =	smax.u32 s12, $0x1;
	s11 =	sshrl.u32 s13, $0x3;
	s12 =	simm.s32 $0x2  }
0xc: {  	s13 =	simm.s32 $0x80;
	s9 =	sadd.s32 s28, s6;
	s6 =	sor.u32 $0x1C02, s30  }
0xd: {  	s10 =	sadd.s32 $0x7200, s31;
	s7 =	sadd.s32 $0x6BA00, s9;
	s9 =	sadd.s32 $0x11000, s31  }
.LBB2_1:
0xe: {  	[spmem:s11], [sflag:s6] =	dma.local [hbm:s5], $0x2800  }
0xf: {  	_ =	swait.ge [sflag:s12], $0x2800  }
0x10: {  	[sflag:s12] =	ssyncset.done $0x0  }
0x11: {  	[sflag:s12] =	ssyncadd.s32 $0xFFFFD800  }
0x12: {  	s17 =	sadd.s32 $0x0, s10;
	[bflag:$0x0] =	sbarrier.arrive $0xFFFF  }
0x13: {  	[tilespmem:s3], [sflag:$0x2] =	stream.linear.gather [hbm4b:s17+s3], $0x80, $0x38;
	[tilespmem:$0x18100] =	vst v63  }
0x14: {  	_ =	swait.ge [sflag:s12], $0x80  }
0x15: {  	[sflag:s12] =	ssyncset.done $0x0  }
0x16: {  	s31 =	sadd.s32 $0x0, s9;
	[sflag:s12] =	ssyncadd.s32 $0xFFFFFF80  }
0x17: {  	[tilespmem:s13], [sflag:$0x2] =	stream.linear.gather [hbm4b:s31+s3], $0x80, $0x38;
	[tilespmem:$0x18100] =	vst v63  }
0x18: {  	_ =	swait.ge [sflag:s12], $0x80  }
0x19: {  	[sflag:s12] =	ssyncset.done $0x0  }
0x1a: {  	[sflag:s12] =	ssyncadd.s32 $0xFFFFFF80  }
0x1b: {  	[tilespmem:s14], [sflag:$0x1] =	stream.indirect.gather [hbm4b:s4+s13], $0x80, s3, s13, $0xb8;
	[tilespmem:$0x18100] =	vst v63  }
0x1c: {  	_ =	swait.ge [sflag:s15], $0x4000  }
0x1d: {  	[sflag:s15] =	ssyncset.done $0x0  }
0x1e: {  	[sflag:s15] =	ssyncadd.s32 $0xFFFFC000  }
0x1f: {  	[spmem:s2] =	stream.indirect.scatter.add.f32 [tilespmem:s14], [sflag:$0x2], $0x80, s13, s13, $0xb8;
	[tilespmem:$0x18100] =	vst v63  }
0x20: {  	_ =	swait.ge [sflag:s12], $0x4000  }
0x21: {  	s18 =	simm.s32 $0x20;
	s17 =	simm.s32 $0x10;
	[sflag:s12] =	ssyncset.done $0x0  }
.LBB2_2:
0x22: {  	s19 =	sadd.s32 s17, s10  }
0x23: {  	[sflag:s12] =	ssyncadd.s32 $0xFFFFC000;
	s20 =	smov.u32 s18;
	s21 =	sadd.s32 $0x10, s18  }
0x24: {  	[tilespmem:s3], [sflag:$0x2] =	stream.linear.gather [hbm4b:s19+s3], $0x80, $0x38;
	[tilespmem:$0x18100] =	vst v63  }
0x25: {  	p0 =	sne.s32 s18, $0x4E0;
	_ =	swait.ge [sflag:s12], $0x80  }
0x26: {  	[sflag:s12] =	ssyncset.done $0x0  }
0x27: {  	s18 =	sadd.s32 s17, s9;
	s17 =	smov.u32 s20;
	[sflag:s12] =	ssyncadd.s32 $0xFFFFFF80  }
0x28: {  	[tilespmem:s13], [sflag:$0x2] =	stream.linear.gather [hbm4b:s18+s3], $0x80, $0x38;
	[tilespmem:$0x18100] =	vst v63  }
0x29: {  	_ =	swait.ge [sflag:s12], $0x80  }
0x2a: {  	[sflag:s12] =	ssyncset.done $0x0  }
0x2b: {  	[sflag:s12] =	ssyncadd.s32 $0xFFFFFF80  }
0x2c: {  	[tilespmem:s14], [sflag:$0x1] =	stream.indirect.gather [hbm4b:s4+s13], $0x80, s3, s13, $0xb8;
	[tilespmem:$0x18100] =	vst v63  }
0x2d: {  	_ =	swait.ge [sflag:s15], $0x4000  }
.Ltmp0:
0x2e: {  	[sflag:s15] =	ssyncset.done $0x0;
	(pc) =	sbr.rel @p0 .LBB2_2-.Ltmp0, $4  }
0x2f: {  	[sflag:s15] =	ssyncadd.s32 $0xFFFFC000  }
0x30: {  	[spmem:s2] =	stream.indirect.scatter.add.f32 [tilespmem:s14], [sflag:$0x2], $0x80, s13, s13, $0xb8;
	[tilespmem:$0x18100] =	vst v63  }
0x31: {  	_ =	swait.ge [sflag:s12], $0x4000  }
0x32: {  	s18 =	smov.u32 s21;
	[sflag:s12] =	ssyncset.done $0x0  }
0x33: {  	s18 =	sadd.s32 s17, s10;
	[sflag:s12] =	ssyncadd.s32 $0xFFFFC000  }
0x34: {  	[tilespmem:s3], [sflag:$0x2] =	stream.linear.gather [hbm4b:s18+s3], $0x80, $0x38;
	[tilespmem:$0x18100] =	vst v63  }
0x35: {  	_ =	swait.ge [sflag:s12], $0x80  }
0x36: {  	[sflag:s12] =	ssyncset.done $0x0  }
0x37: {  	s31 =	sadd.s32 s17, s9;
	[sflag:s12] =	ssyncadd.s32 $0xFFFFFF80  }
0x38: {  	[tilespmem:s13], [sflag:$0x2] =	stream.linear.gather [hbm4b:s31+s3], $0x80, $0x38;
	[tilespmem:$0x18100] =	vst v63  }
0x39: {  	_ =	swait.ge [sflag:s12], $0x80  }
0x3a: {  	[sflag:s12] =	ssyncset.done $0x0  }
0x3b: {  	[sflag:s12] =	ssyncadd.s32 $0xFFFFFF80  }
0x3c: {  	[tilespmem:s14], [sflag:$0x1] =	stream.indirect.gather [hbm4b:s4+s13], $0x80, s3, s13, $0xb8;
	[tilespmem:$0x18100] =	vst v63  }
0x3d: {  	_ =	swait.ge [sflag:s15], $0x4000  }
0x3e: {  	[sflag:s15] =	ssyncset.done $0x0  }
0x3f: {  	[sflag:s15] =	ssyncadd.s32 $0xFFFFC000  }
0x40: {  	[spmem:s2] =	stream.indirect.scatter.add.f32 [tilespmem:s14], [sflag:$0x2], $0x80, s13, s13, $0xb8;
	[tilespmem:$0x18100] =	vst v63  }
0x41: {  	_ =	swait.ge [sflag:s12], $0x4000  }
0x42: {  	s16 =	sadd.s32 $0x1, s16;
	[sflag:s12] =	ssyncset.done $0x0  }
0x43: {  	p0 =	sne.s32 s16, s8;
	[sflag:s12] =	ssyncadd.s32 $0xFFFFC000  }
.Ltmp1:
0x44: {  	[bflag:$0x0] =	sbarrier.arrive $0xFFFF;
	(pc) =	sbr.rel @p0 .LBB2_1-.Ltmp1, $4  }
0x45: {  	[hbm:s7], [sflag:s6] =	dma.local [spmem:s11], $0x2800  }
0x46: {  	_ =	swait.ge [sflag:s12], $0x2800  }
0x47: {  	[sflag:s12] =	ssyncset.done $0x0  }
0x48: {  	[sflag:s12] =	ssyncadd.s32 $0xFFFFD800  }
0x49: {  	_ =	sfence.sel $0x180000  }
0x4a: {  	[bflag:$0x0] =	sbarrier.arrive $0xFFFF  }
0x4b: {  	p0 =	sne.s32 s1, $0x0;
	_ =	strace $0x9000004A  }
0x4c: {  	s0 =	sadd.s32 @!p0 $0x100000, s0;
	[bflag:$0x2] =	sbarrier.arrive $0xFFFF  }
0x4d: {  	[sflag:s0] =	ssyncadd.tile.s32 @!p0 $0x1;
	_ =	shalt  }
.Lfunc_end2:
_tile_overlayer_lowered:
.L_overlay_start_2:
0x4e: {  	(tag) =	ssettag $0x2  }
0x4f: {  	s0 =	rddreg [dreg:$0x0];
	s2 =	stileid.u32  }
0x50: {  	s1 =	rddreg [dreg:$0x1];
	p0 =	sne.s32 s2, $0x0  }
0x51: {  	s3 =	rddreg [dreg:$0x2];
	[bflag:$0x3] =	sbarrier.arrive $0xFFFF;
	s2 =	simm.s32 @!p0 $0x1C02  }
0x52: {  	[timem:s3], [sflag:s2] =	dma.local @!p0 [hbm:s0], s1  }
0x53: {  	s0 =	simm.s32 @!p0 $0x2  }
0x54: {  	_ =	swait.ge @!p0 [sflag:s0], s1  }
0x55: {  	s1 =	ssub.s32 @!p0 $0x0, s1;
	[sflag:s0] =	ssyncset.done @!p0 $0x0  }
0x56: {  	[sflag:s0] =	ssyncadd.s32 @!p0 s1  }
0x57: {  	[bflag:$0x3] =	sbarrier.arrive $0xFFFF  }
0x58: {  	_ =	shalt  }

// kernel: kernel.26.cloned.1.call-start
scs
__scs_entry_jumppad:
0x0: {  	(pc) =	sbr.rel $0x88, $3  }
0x1: {  	(tag) =	ssettag $0x0;
	lr =	simm.s32 $0x1  }
0x2: {  	[smem:$0x3F94] =	sst lr;
	_ =	strace $0xD0000000  }
0x3: {  	_ = 	snop  }
0x4: {  	_ = 	snop  }
0x5: {  	_ = 	snop  }
0x6: {  	_ = 	snop  }
0x7: {  	_ = 	snop  }
__scs_overlays_trampoline_lowered:
0x8: {  	[smem:$0x3FA3] =	sst s0  }
0x9: {  	[smem:$0x3FA4] =	sst s1  }
0xa: {  	[smem:$0x3FA5] =	sst s2  }
0xb: {  	[smem:$0x3FA6] =	sst s3  }
0xc: {  	[smem:$0x3FA7] =	sst s4  }
0xd: {  	[smem:$0x3FA8] =	sst s5  }
0xe: {  	[smem:$0x3FA9] =	sst s6  }
0xf: {  	[smem:$0x3FAA] =	sst s7  }
0x10: {  	[smem:$0x3FAB] =	sst s8  }
0x11: {  	[smem:$0x3FAC] =	sst s9;
	s0 =	simm.s32 @!p0 $0x0  }
0x12: {  	s1 =	sld [smem:$0x3F92];
	s0 =	simm.s32 @p0 $0x1  }
0x13: {  	[smem:$0x3FAD] =	sst s0;
	s0 =	simm.s32 @!p1 $0x0  }
0x14: {  	s2 =	sld [smem:$0x3F91];
	s0 =	simm.s32 @p1 $0x1  }
0x15: {  	[smem:$0x3FAE] =	sst s0;
	s0 =	simm.s32 @!p2 $0x0  }
0x16: {  	s3 =	sld [smem:$0x3FDB];
	s0 =	simm.s32 @p2 $0x1  }
0x17: {  	s4 =	simm.s32 $0x1BF5;
	[smem:$0x3FB0] =	sst s0  }
0x18: {  	s0 =	sld [smem:$0x3F93];
	_ =	swait.ge [sflag:s4], $0x0  }
0x19: {  	s7 =	sld [smem:$0x3F94]  }
0x1a: {  	s8 =	sadd.s32 $0xFFFFE003, lr  }
0x1b: {  	s9 =	sadd.s32 $0xFFFFFEF7, lr;
	s5 =	simm.s32 $0xFFFFFFFF;
	p2 =	slt.u32 s8, $0xFFFFF086  }
0x1c: {  	p1 =	slt.u32 s9, $0xF7A;
	s5 =	simm.s32 @!p2 $0x0  }
0x1d: {  	s5 =	simm.s32 @p1 $0x1;
	p0 =	seq.s32 s7, s2  }
0x1e: {  	s7 =	smul.u32 @!p0 $0xF7A, s2;
	p2 =	seq.s32 @!p0 s5, $0x0  }
0x1f: {  	s9 =	smul.u32 $0xF7A, s1;
	s8 =	simm.s32 @!p0 $0x1BF5;
	p2 =	por !p2, p0  }
0x20: {  	[sflag:s8] =	ssyncset.s32 @!p0 $0xFFFFF086;
	s6 =	sadd.s32 @!p0 s3, s7;
	s7 =	simm.s32 @!p0 $0x108  }
0x21: {  	s3 =	sadd.s32 s3, s9;
	s6 =	sadd.s32 @!p0 $0x88, s6;
	s7 =	simm.s32 @p2 $0x1082  }
0x22: {  	[simem:s7], [sflag:s8] =	dma.local @!p0 [hbm:s6], $0xF7A  }
0x23: {  	s9 =	sor.u32 $0xD0000000, s2;
	s6 =	simm.s32 $0x108;
	_ =	swait.ge @!p0 [sflag:s8], $0x0  }
0x24: {  	s3 =	sadd.s32 $0x88, s3;
	s6 =	simm.s32 @!p1 $0x1082;
	[sflag:s4] =	ssyncset.s32 $0xFFFFF086  }
0x25: {  	[simem:s6], [sflag:s4] =	dma.local [hbm:s3], $0xF7A  }
0x26: {  	[smem:$0x3F94] =	sst s1;
	(tag) =	ssettag s2;
	_ =	strace s9  }
0x27: {  	s1 =	sld [smem:$0x3FA4]  }
0x28: {  	s2 =	sld [smem:$0x3FA5]  }
0x29: {  	s4 =	sld [smem:$0x3FA7]  }
0x2a: {  	p0 =	seq.s32 s5, $0x0;
	s5 =	sld [smem:$0x3FA8]  }
0x2b: {  	s6 =	sld [smem:$0x3FA9]  }
0x2c: {  	s7 =	sld [smem:$0x3FAA]  }
0x2d: {  	s3 =	simm.s32 $0x108;
	s8 =	sld [smem:$0x3FAB]  }
0x2e: {  	s3 =	simm.s32 @!p0 $0x1082;
	s9 =	sld [smem:$0x3FAC]  }
0x2f: {  	lr =	sadd.s32 s0, s3;
	s0 =	sld [smem:$0x3FA3]  }
0x30: {  	s3 =	sld [smem:$0x3FA6]  }
0x31: {  	[smem:$0x3FAF] =	sst s10  }
0x32: {  	s10 =	sld [smem:$0x3FAD];
	_ =	sdelay $0x3  }
0x33: {  	p0 =	seq.s32 s10, $0x1;
	s10 =	sld [smem:$0x3FAF];
	_ =	sdelay $0x3  }
0x34: {  	[smem:$0x3FAF] =	sst s10  }
0x35: {  	s10 =	sld [smem:$0x3FAE];
	_ =	sdelay $0x3  }
0x36: {  	p1 =	seq.s32 s10, $0x1;
	s10 =	sld [smem:$0x3FAF];
	_ =	sdelay $0x3  }
0x37: {  	[smem:$0x3FAF] =	sst s10  }
0x38: {  	s10 =	sld [smem:$0x3FB0]  }
0x39: {  	_ = 	snop;
	(pc) =	sbr.ind lr, $3  }
0x3a: {  	_ = 	snop  }
0x3b: {  	_ = 	snop  }
0x3c: {  	p2 =	seq.s32 s10, $0x1;
	s10 =	sld [smem:$0x3FAF]  }
0x3d: {  	_ =	shalt  }
0x3e: {  	_ =	shalt  }
0x3f: {  	_ =	shalt  }
0x40: {  	_ =	shalt  }
0x41: {  	_ =	shalt  }
0x42: {  	_ =	shalt  }
0x43: {  	_ =	shalt  }
0x44: {  	_ =	shalt  }
0x45: {  	_ =	shalt  }
0x46: {  	_ =	shalt  }
0x47: {  	_ =	shalt  }
0x48: {  	_ =	shalt  }
0x49: {  	_ =	shalt  }
0x4a: {  	_ =	shalt  }
0x4b: {  	_ =	shalt  }
0x4c: {  	_ =	shalt  }
0x4d: {  	_ =	shalt  }
0x4e: {  	_ =	shalt  }
0x4f: {  	_ =	shalt  }
0x50: {  	_ =	shalt  }
0x51: {  	_ =	shalt  }
0x52: {  	_ =	shalt  }
0x53: {  	_ =	shalt  }
0x54: {  	_ =	shalt  }
0x55: {  	_ =	shalt  }
0x56: {  	_ =	shalt  }
0x57: {  	_ =	shalt  }
0x58: {  	_ =	shalt  }
0x59: {  	_ =	shalt  }
0x5a: {  	_ =	shalt  }
0x5b: {  	_ =	shalt  }
0x5c: {  	_ =	shalt  }
0x5d: {  	_ =	shalt  }
0x5e: {  	_ =	shalt  }
0x5f: {  	_ =	shalt  }
0x60: {  	_ =	shalt  }
0x61: {  	_ =	shalt  }
0x62: {  	_ =	shalt  }
0x63: {  	_ =	shalt  }
0x64: {  	_ =	shalt  }
0x65: {  	_ =	shalt  }
0x66: {  	_ =	shalt  }
0x67: {  	_ =	shalt  }
0x68: {  	_ =	shalt  }
0x69: {  	_ =	shalt  }
0x6a: {  	_ =	shalt  }
0x6b: {  	_ =	shalt  }
0x6c: {  	_ =	shalt  }
0x6d: {  	_ =	shalt  }
0x6e: {  	_ =	shalt  }
0x6f: {  	_ =	shalt  }
0x70: {  	_ =	shalt  }
0x71: {  	_ =	shalt  }
0x72: {  	_ =	shalt  }
0x73: {  	_ =	shalt  }
0x74: {  	_ =	shalt  }
0x75: {  	_ =	shalt  }
0x76: {  	_ =	shalt  }
0x77: {  	_ =	shalt  }
0x78: {  	_ =	shalt  }
0x79: {  	_ =	shalt  }
0x7a: {  	_ =	shalt  }
0x7b: {  	_ =	shalt  }
0x7c: {  	_ =	shalt  }
0x7d: {  	_ =	shalt  }
0x7e: {  	_ =	shalt  }
0x7f: {  	_ =	shalt  }
0x80: {  	_ =	shalt  }
0x81: {  	_ =	shalt  }
0x82: {  	_ =	shalt  }
0x83: {  	_ =	shalt  }
0x84: {  	_ =	shalt  }
0x85: {  	_ =	shalt  }
0x86: {  	_ =	shalt  }
0x87: {  	_ =	shalt  }
.Lfunc_end0:
.L_simem_size_0:
called_computation.2_lowered:
.L_overlay_start_0:
0x88: {  	s2 =	sld [smem:$0x3FD9]  }
0x89: {  	s3 =	sld [smem:$0x3FFE];
	_ =	sdelay $0x1  }
0x8a: {  	s1 =	srdreg.scid  }
0x8b: {  	s0 =	sand.u32 $0x1, s1  }
0x8c: {  	s16 =	sshll.u32 s0, $0xA;
	s2 =	sadd.s32 s3, s2  }
0x8d: {  	s2 =	sadd.s32 s2, s16  }
0x8e: {  	[smem:$0x3FBB] =	sst s2  }
0x8f: {  	_ = 	snop  }
0x90: {  	(tm) =	ssettm $0x1  }
0x91: {  	s17 =	sld [smem:$0x3FFB];
	_ =	sdelay $0x3  }
0x92: {  	_ =	strace s17  }
0x93: {  	s2 =	sld [smem:$0x3FFC];
	_ =	sdelay $0x3  }
0x94: {  	_ =	strace s2  }
0x95: {  	s2 =	sld [smem:$0x3FFD];
	_ =	sdelay $0x3  }
0x96: {  	_ =	strace s2  }
0x97: {  	_ =	strace $0x8FFFFFFF  }
0x98: {  	s18 =	sld [smem:$0x3FDB];
	_ =	sdelay $0x1  }
0x99: {  	s19 =	simm.s32 $_scs_section_size  }
0x9a: {  	s4 =	simm.s32 $_size__tile_overlayer_lowered;
	s5 =	simm.s32 $_tile_overlayer_lowered  }
0x9b: {  	s22 =	simm.s32 $0x1BFF;
	s21 =	sshll.u32 s5, $0x1;
	s2 =	sadd.s32 s19, s18  }
0x9c: {  	s6 =	simm.s32 $0x0;
	s20 =	sshll.u32 s4, $0x1;
	s4 =	sadd.s32 s21, s2  }
0x9d: {  	[timem:s6], [sflag:s22] =	dma.local [hbm:s4], s20  }
0x9e: {  	_ =	swait.ge [sflag:s22], s20  }
0x9f: {  	s3 =	ssub.s32 $0x0, s20;
	[sflag:s22] =	ssyncset.done $0x0  }
0xa0: {  	[sflag:s22] =	ssyncadd.s32 s3;
	_ =	sdelay $0x1  }
0xa1: {  	s23 =	simm.s32 $0x1B8B  }
0xa2: {  	_ =	swait.ge [sflag:s23], $0x1  }
0xa3: {  	[sflag:s23] =	ssyncset.done $0x0  }
0xa4: {  	s25 =	simm.s32 $0x1B8E;
	s24 =	sld [smem:$0x3FFE];
	[sflag:s23] =	ssyncadd.s32 $0xFFFFFFFF  }
0xa5: {  	s26 =	simm.s32 $execute0_lowered;
	[smem:$0x3FD2] =	sst s25  }
0xa6: {  	s4 =	sshll.u32 s26, $0x1;
	_ =	strace $0x8000004C;
	[dreg:$0x1] =	wrdreg $0xFFFFFFFF  }
0xa7: {  	s28 =	simm.s32 $_size_execute0_lowered;
	s2 =	sadd.s32 s2, s4;
	[dreg:$0x0] =	wrdreg $0x0  }
0xa8: {  	s4 =	sshll.u32 s28, $0x1;
	[dreg:$0x2] =	wrdreg s2  }
0xa9: {  	[dreg:$0x3] =	wrdreg s4  }
0xaa: {  	[dreg:$0x4] =	wrdreg $0xC0  }
0xab: {  	_ =	task [dreg:s6], $0x5FFFF  }
0xac: {  	[dreg:$0x1] =	wrdreg $0xFFFFFFFF  }
0xad: {  	[dreg:$0x0] =	wrdreg $0x60  }
0xae: {  	[dreg:$0x2] =	wrdreg s24  }
0xaf: {  	[dreg:$0x3] =	wrdreg $0x41000  }
0xb0: {  	[dreg:$0x4] =	wrdreg $0x9  }
0xb1: {  	_ =	task.clear_ibuf [dreg:s6], $0x5FFFF;
	_ =	strace $0x9000004C  }
0xb2: {  	s29 =	simm.s32 $0x9;
	_ =	strace $0x8000004E  }
0xb3: {  	_ =	swait.ge [sflag:s29], $0x1  }
0xb4: {  	[sflag:s29] =	ssyncadd.s32 $0xFFFFFFFF  }
0xb5: {  	_ =	strace $0x9000004E  }
0xb6: {  	_ =	sfence  }
0xb7: {  	s30 =	sld [smem:$0x0];
	_ =	sdelay $0x2  }
0xb8: {  	s31 =	sshll.u32 s1, $0xD;
	s1 =	sshrl.u32 s1, $0x2  }
0xb9: {  	s3 =	sand.u32 $0x4000, s31;
	s1 =	sadd.s32 s1, s30  }
0xba: {  	s0 =	sor.u32 s3, s0;
	s1 =	sshll.u32 s1, $0x11  }
0xbb: {  	s0 =	sor.u32 s1, s0  }
0xbc: {  	s0 =	sadd.s32 $0x8F2B, s0  }
0xbd: {  	[sflag:s0] =	ssyncadd.remote.s32 $0x1  }
0xbe: {  	_ =	sfence.sel $0xFFFF  }
0xbf: {  	[dreg:$0x0] =	wrdreg $0xFFFFFFFF;
	(pc) =	sbr.abs _section_cstart, $3  }
0xc0: {  	[dreg:$0x1] =	wrdreg $0xFFFFFFFF  }
0xc1: {  	_ =	task.clear_ibuf [dreg:s6], $0x2FFFF;
	_ =	strace $0x9FFFFFFF  }
0xc2: {  	(tm) =	ssettm $0x7FFFFFFF  }
0xc3: {  	_ =	shalt  }
tec
execute0_lowered:
.L_overlay_start_1:
0x0: {  	(tag) =	ssettag $0x1  }
0x1: {  	s6 =	rddreg [dreg:$0x0];
	s0 =	srdreg.scid  }
0x2: {  	s2 =	rddreg [dreg:$0x1];
	s1 =	stileid.u32;
	s3 =	simm.s32 $0x0  }
0x3: {  	s14 =	simm.s32 $0x100;
	s15 =	simm.s32 $0x1;
	s8 =	smul.u32 $0x14000, s1  }
0x4: {  	s7 =	sand.u32 $0x1, s0;
	s0 =	rddreg [dreg:$0x2];
	s10 =	smul.u32 $0x50000, s1  }
0x5: {  	s16 =	simm.s32 $0x0;
	[smem:$0x7FF] =	sst s3;
	s11 =	smul.u32 $0x4F0, s1  }
0x6: {  	s4 =	sadd.s32 $0x1D600, s6;
	s30 =	sshll.u32 s1, $0x6;
	s5 =	smul.u32 $0x140000, s7  }
0x7: {  	s9 =	smul.u32 $0x4F00, s7;
	_ =	strace $0x8000004D;
	s29 =	ssub.s32 $0x2, s7  }
0x8: {  	s7 =	sshrl.u32 s29, $0x1;
	s10 =	sshrl.u32 s10, $0x2;
	s5 =	sadd.s32 s8, s5  }
0x9: {  	s26 =	sadd.s32 s9, s6;
	s12 =	ssub.s32 s29, s7;
	s13 =	sadd.s32 s10, s2  }
0xa: {  	s28 =	sshrl.u32 s5, $0x3;
	s5 =	sadd.s32 $0x1AE00, s6;
	s31 =	sadd.s32 s11, s26  }
0xb: {  	s8 =	smax.u32 s12, $0x1;
	s11 =	sshrl.u32 s13, $0x3;
	s12 =	simm.s32 $0x2  }
0xc: {  	s13 =	simm.s32 $0x80;
	s9 =	sadd.s32 s28, s6;
	s6 =	sor.u32 $0x1C02, s30  }
0xd: {  	s10 =	sadd.s32 $0x7200, s31;
	s7 =	sadd.s32 $0x6BA00, s9;
	s9 =	sadd.s32 $0x11000, s31  }
.LBB2_1:
0xe: {  	[spmem:s11], [sflag:s6] =	dma.local [hbm:s5], $0x2800  }
0xf: {  	_ =	swait.ge [sflag:s12], $0x2800  }
0x10: {  	[sflag:s12] =	ssyncset.done $0x0  }
0x11: {  	[sflag:s12] =	ssyncadd.s32 $0xFFFFD800  }
0x12: {  	s17 =	sadd.s32 $0x0, s10;
	[bflag:$0x0] =	sbarrier.arrive $0xFFFF  }
0x13: {  	[tilespmem:s3], [sflag:$0x2] =	stream.linear.gather [hbm4b:s17+s3], $0x80, $0x38;
	[tilespmem:$0x18100] =	vst v63  }
0x14: {  	_ =	swait.ge [sflag:s12], $0x80  }
0x15: {  	[sflag:s12] =	ssyncset.done $0x0  }
0x16: {  	s31 =	sadd.s32 $0x0, s9;
	[sflag:s12] =	ssyncadd.s32 $0xFFFFFF80  }
0x17: {  	[tilespmem:s13], [sflag:$0x2] =	stream.linear.gather [hbm4b:s31+s3], $0x80, $0x38;
	[tilespmem:$0x18100] =	vst v63  }
0x18: {  	_ =	swait.ge [sflag:s12], $0x80  }
0x19: {  	[sflag:s12] =	ssyncset.done $0x0  }
0x1a: {  	[sflag:s12] =	ssyncadd.s32 $0xFFFFFF80  }
0x1b: {  	[tilespmem:s14], [sflag:$0x1] =	stream.indirect.gather [hbm4b:s4+s13], $0x80, s3, s13, $0xb8;
	[tilespmem:$0x18100] =	vst v63  }
0x1c: {  	_ =	swait.ge [sflag:s15], $0x4000  }
0x1d: {  	[sflag:s15] =	ssyncset.done $0x0  }
0x1e: {  	[sflag:s15] =	ssyncadd.s32 $0xFFFFC000  }
0x1f: {  	[spmem:s2] =	stream.indirect.scatter.add.f32 [tilespmem:s14], [sflag:$0x2], $0x80, s13, s13, $0xb8;
	[tilespmem:$0x18100] =	vst v63  }
0x20: {  	_ =	swait.ge [sflag:s12], $0x4000  }
0x21: {  	s18 =	simm.s32 $0x20;
	s17 =	simm.s32 $0x10;
	[sflag:s12] =	ssyncset.done $0x0  }
.LBB2_2:
0x22: {  	s19 =	sadd.s32 s17, s10  }
0x23: {  	[sflag:s12] =	ssyncadd.s32 $0xFFFFC000;
	s20 =	smov.u32 s18;
	s21 =	sadd.s32 $0x10, s18  }
0x24: {  	[tilespmem:s3], [sflag:$0x2] =	stream.linear.gather [hbm4b:s19+s3], $0x80, $0x38;
	[tilespmem:$0x18100] =	vst v63  }
0x25: {  	p0 =	sne.s32 s18, $0x4E0;
	_ =	swait.ge [sflag:s12], $0x80  }
0x26: {  	[sflag:s12] =	ssyncset.done $0x0  }
0x27: {  	s18 =	sadd.s32 s17, s9;
	s17 =	smov.u32 s20;
	[sflag:s12] =	ssyncadd.s32 $0xFFFFFF80  }
0x28: {  	[tilespmem:s13], [sflag:$0x2] =	stream.linear.gather [hbm4b:s18+s3], $0x80, $0x38;
	[tilespmem:$0x18100] =	vst v63  }
0x29: {  	_ =	swait.ge [sflag:s12], $0x80  }
0x2a: {  	[sflag:s12] =	ssyncset.done $0x0  }
0x2b: {  	[sflag:s12] =	ssyncadd.s32 $0xFFFFFF80  }
0x2c: {  	[tilespmem:s14], [sflag:$0x1] =	stream.indirect.gather [hbm4b:s4+s13], $0x80, s3, s13, $0xb8;
	[tilespmem:$0x18100] =	vst v63  }
0x2d: {  	_ =	swait.ge [sflag:s15], $0x4000  }
.Ltmp0:
0x2e: {  	[sflag:s15] =	ssyncset.done $0x0;
	(pc) =	sbr.rel @p0 .LBB2_2-.Ltmp0, $4  }
0x2f: {  	[sflag:s15] =	ssyncadd.s32 $0xFFFFC000  }
0x30: {  	[spmem:s2] =	stream.indirect.scatter.add.f32 [tilespmem:s14], [sflag:$0x2], $0x80, s13, s13, $0xb8;
	[tilespmem:$0x18100] =	vst v63  }
0x31: {  	_ =	swait.ge [sflag:s12], $0x4000  }
0x32: {  	s18 =	smov.u32 s21;
	[sflag:s12] =	ssyncset.done $0x0  }
0x33: {  	s18 =	sadd.s32 s17, s10;
	[sflag:s12] =	ssyncadd.s32 $0xFFFFC000  }
0x34: {  	[tilespmem:s3], [sflag:$0x2] =	stream.linear.gather [hbm4b:s18+s3], $0x80, $0x38;
	[tilespmem:$0x18100] =	vst v63  }
0x35: {  	_ =	swait.ge [sflag:s12], $0x80  }
0x36: {  	[sflag:s12] =	ssyncset.done $0x0  }
0x37: {  	s31 =	sadd.s32 s17, s9;
	[sflag:s12] =	ssyncadd.s32 $0xFFFFFF80  }
0x38: {  	[tilespmem:s13], [sflag:$0x2] =	stream.linear.gather [hbm4b:s31+s3], $0x80, $0x38;
	[tilespmem:$0x18100] =	vst v63  }
0x39: {  	_ =	swait.ge [sflag:s12], $0x80  }
0x3a: {  	[sflag:s12] =	ssyncset.done $0x0  }
0x3b: {  	[sflag:s12] =	ssyncadd.s32 $0xFFFFFF80  }
0x3c: {  	[tilespmem:s14], [sflag:$0x1] =	stream.indirect.gather [hbm4b:s4+s13], $0x80, s3, s13, $0xb8;
	[tilespmem:$0x18100] =	vst v63  }
0x3d: {  	_ =	swait.ge [sflag:s15], $0x4000  }
0x3e: {  	[sflag:s15] =	ssyncset.done $0x0  }
0x3f: {  	[sflag:s15] =	ssyncadd.s32 $0xFFFFC000  }
0x40: {  	[spmem:s2] =	stream.indirect.scatter.add.f32 [tilespmem:s14], [sflag:$0x2], $0x80, s13, s13, $0xb8;
	[tilespmem:$0x18100] =	vst v63  }
0x41: {  	_ =	swait.ge [sflag:s12], $0x4000  }
0x42: {  	s16 =	sadd.s32 $0x1, s16;
	[sflag:s12] =	ssyncset.done $0x0  }
0x43: {  	p0 =	sne.s32 s16, s8;
	[sflag:s12] =	ssyncadd.s32 $0xFFFFC000  }
.Ltmp1:
0x44: {  	[bflag:$0x0] =	sbarrier.arrive $0xFFFF;
	(pc) =	sbr.rel @p0 .LBB2_1-.Ltmp1, $4  }
0x45: {  	[hbm:s7], [sflag:s6] =	dma.local [spmem:s11], $0x2800  }
0x46: {  	_ =	swait.ge [sflag:s12], $0x2800  }
0x47: {  	[sflag:s12] =	ssyncset.done $0x0  }
0x48: {  	[sflag:s12] =	ssyncadd.s32 $0xFFFFD800  }
0x49: {  	_ =	sfence.sel $0x180000  }
0x4a: {  	[bflag:$0x0] =	sbarrier.arrive $0xFFFF  }
0x4b: {  	p0 =	sne.s32 s1, $0x0;
	_ =	strace $0x9000004D  }
0x4c: {  	s0 =	sadd.s32 @!p0 $0x100000, s0;
	[bflag:$0x2] =	sbarrier.arrive $0xFFFF  }
0x4d: {  	[sflag:s0] =	ssyncadd.tile.s32 @!p0 $0x1;
	_ =	shalt  }
.Lfunc_end2:
_tile_overlayer_lowered:
.L_overlay_start_2:
0x4e: {  	(tag) =	ssettag $0x2  }
0x4f: {  	s0 =	rddreg [dreg:$0x0];
	s2 =	stileid.u32  }
0x50: {  	s1 =	rddreg [dreg:$0x1];
	p0 =	sne.s32 s2, $0x0  }
0x51: {  	s3 =	rddreg [dreg:$0x2];
	[bflag:$0x3] =	sbarrier.arrive $0xFFFF;
	s2 =	simm.s32 @!p0 $0x1C02  }
0x52: {  	[timem:s3], [sflag:s2] =	dma.local @!p0 [hbm:s0], s1  }
0x53: {  	s0 =	simm.s32 @!p0 $0x2  }
0x54: {  	_ =	swait.ge @!p0 [sflag:s0], s1  }
0x55: {  	s1 =	ssub.s32 @!p0 $0x0, s1;
	[sflag:s0] =	ssyncset.done @!p0 $0x0  }
0x56: {  	[sflag:s0] =	ssyncadd.s32 @!p0 s1  }
0x57: {  	[bflag:$0x3] =	sbarrier.arrive $0xFFFF  }
0x58: {  	_ =	shalt  }

// kernel: kernel.29.cloned.1.call-start
scs
__scs_entry_jumppad:
0x0: {  	(pc) =	sbr.rel $0x88, $3  }
0x1: {  	(tag) =	ssettag $0x0;
	lr =	simm.s32 $0x1  }
0x2: {  	[smem:$0x3F94] =	sst lr;
	_ =	strace $0xD0000000  }
0x3: {  	_ = 	snop  }
0x4: {  	_ = 	snop  }
0x5: {  	_ = 	snop  }
0x6: {  	_ = 	snop  }
0x7: {  	_ = 	snop  }
__scs_overlays_trampoline_lowered:
0x8: {  	[smem:$0x3FA3] =	sst s0  }
0x9: {  	[smem:$0x3FA4] =	sst s1  }
0xa: {  	[smem:$0x3FA5] =	sst s2  }
0xb: {  	[smem:$0x3FA6] =	sst s3  }
0xc: {  	[smem:$0x3FA7] =	sst s4  }
0xd: {  	[smem:$0x3FA8] =	sst s5  }
0xe: {  	[smem:$0x3FA9] =	sst s6  }
0xf: {  	[smem:$0x3FAA] =	sst s7  }
0x10: {  	[smem:$0x3FAB] =	sst s8  }
0x11: {  	[smem:$0x3FAC] =	sst s9;
	s0 =	simm.s32 @!p0 $0x0  }
0x12: {  	s1 =	sld [smem:$0x3F92];
	s0 =	simm.s32 @p0 $0x1  }
0x13: {  	[smem:$0x3FAD] =	sst s0;
	s0 =	simm.s32 @!p1 $0x0  }
0x14: {  	s2 =	sld [smem:$0x3F91];
	s0 =	simm.s32 @p1 $0x1  }
0x15: {  	[smem:$0x3FAE] =	sst s0;
	s0 =	simm.s32 @!p2 $0x0  }
0x16: {  	s3 =	sld [smem:$0x3FDB];
	s0 =	simm.s32 @p2 $0x1  }
0x17: {  	s4 =	simm.s32 $0x1BF5;
	[smem:$0x3FB0] =	sst s0  }
0x18: {  	s0 =	sld [smem:$0x3F93];
	_ =	swait.ge [sflag:s4], $0x0  }
0x19: {  	s7 =	sld [smem:$0x3F94]  }
0x1a: {  	s8 =	sadd.s32 $0xFFFFE003, lr  }
0x1b: {  	s9 =	sadd.s32 $0xFFFFFEF7, lr;
	s5 =	simm.s32 $0xFFFFFFFF;
	p2 =	slt.u32 s8, $0xFFFFF086  }
0x1c: {  	p1 =	slt.u32 s9, $0xF7A;
	s5 =	simm.s32 @!p2 $0x0  }
0x1d: {  	s5 =	simm.s32 @p1 $0x1;
	p0 =	seq.s32 s7, s2  }
0x1e: {  	s7 =	smul.u32 @!p0 $0xF7A, s2;
	p2 =	seq.s32 @!p0 s5, $0x0  }
0x1f: {  	s9 =	smul.u32 $0xF7A, s1;
	s8 =	simm.s32 @!p0 $0x1BF5;
	p2 =	por !p2, p0  }
0x20: {  	[sflag:s8] =	ssyncset.s32 @!p0 $0xFFFFF086;
	s6 =	sadd.s32 @!p0 s3, s7;
	s7 =	simm.s32 @!p0 $0x108  }
0x21: {  	s3 =	sadd.s32 s3, s9;
	s6 =	sadd.s32 @!p0 $0x88, s6;
	s7 =	simm.s32 @p2 $0x1082  }
0x22: {  	[simem:s7], [sflag:s8] =	dma.local @!p0 [hbm:s6], $0xF7A  }
0x23: {  	s9 =	sor.u32 $0xD0000000, s2;
	s6 =	simm.s32 $0x108;
	_ =	swait.ge @!p0 [sflag:s8], $0x0  }
0x24: {  	s3 =	sadd.s32 $0x88, s3;
	s6 =	simm.s32 @!p1 $0x1082;
	[sflag:s4] =	ssyncset.s32 $0xFFFFF086  }
0x25: {  	[simem:s6], [sflag:s4] =	dma.local [hbm:s3], $0xF7A  }
0x26: {  	[smem:$0x3F94] =	sst s1;
	(tag) =	ssettag s2;
	_ =	strace s9  }
0x27: {  	s1 =	sld [smem:$0x3FA4]  }
0x28: {  	s2 =	sld [smem:$0x3FA5]  }
0x29: {  	s4 =	sld [smem:$0x3FA7]  }
0x2a: {  	p0 =	seq.s32 s5, $0x0;
	s5 =	sld [smem:$0x3FA8]  }
0x2b: {  	s6 =	sld [smem:$0x3FA9]  }
0x2c: {  	s7 =	sld [smem:$0x3FAA]  }
0x2d: {  	s3 =	simm.s32 $0x108;
	s8 =	sld [smem:$0x3FAB]  }
0x2e: {  	s3 =	simm.s32 @!p0 $0x1082;
	s9 =	sld [smem:$0x3FAC]  }
0x2f: {  	lr =	sadd.s32 s0, s3;
	s0 =	sld [smem:$0x3FA3]  }
0x30: {  	s3 =	sld [smem:$0x3FA6]  }
0x31: {  	[smem:$0x3FAF] =	sst s10  }
0x32: {  	s10 =	sld [smem:$0x3FAD];
	_ =	sdelay $0x3  }
0x33: {  	p0 =	seq.s32 s10, $0x1;
	s10 =	sld [smem:$0x3FAF];
	_ =	sdelay $0x3  }
0x34: {  	[smem:$0x3FAF] =	sst s10  }
0x35: {  	s10 =	sld [smem:$0x3FAE];
	_ =	sdelay $0x3  }
0x36: {  	p1 =	seq.s32 s10, $0x1;
	s10 =	sld [smem:$0x3FAF];
	_ =	sdelay $0x3  }
0x37: {  	[smem:$0x3FAF] =	sst s10  }
0x38: {  	s10 =	sld [smem:$0x3FB0]  }
0x39: {  	_ = 	snop;
	(pc) =	sbr.ind lr, $3  }
0x3a: {  	_ = 	snop  }
0x3b: {  	_ = 	snop  }
0x3c: {  	p2 =	seq.s32 s10, $0x1;
	s10 =	sld [smem:$0x3FAF]  }
0x3d: {  	_ =	shalt  }
0x3e: {  	_ =	shalt  }
0x3f: {  	_ =	shalt  }
0x40: {  	_ =	shalt  }
0x41: {  	_ =	shalt  }
0x42: {  	_ =	shalt  }
0x43: {  	_ =	shalt  }
0x44: {  	_ =	shalt  }
0x45: {  	_ =	shalt  }
0x46: {  	_ =	shalt  }
0x47: {  	_ =	shalt  }
0x48: {  	_ =	shalt  }
0x49: {  	_ =	shalt  }
0x4a: {  	_ =	shalt  }
0x4b: {  	_ =	shalt  }
0x4c: {  	_ =	shalt  }
0x4d: {  	_ =	shalt  }
0x4e: {  	_ =	shalt  }
0x4f: {  	_ =	shalt  }
0x50: {  	_ =	shalt  }
0x51: {  	_ =	shalt  }
0x52: {  	_ =	shalt  }
0x53: {  	_ =	shalt  }
0x54: {  	_ =	shalt  }
0x55: {  	_ =	shalt  }
0x56: {  	_ =	shalt  }
0x57: {  	_ =	shalt  }
0x58: {  	_ =	shalt  }
0x59: {  	_ =	shalt  }
0x5a: {  	_ =	shalt  }
0x5b: {  	_ =	shalt  }
0x5c: {  	_ =	shalt  }
0x5d: {  	_ =	shalt  }
0x5e: {  	_ =	shalt  }
0x5f: {  	_ =	shalt  }
0x60: {  	_ =	shalt  }
0x61: {  	_ =	shalt  }
0x62: {  	_ =	shalt  }
0x63: {  	_ =	shalt  }
0x64: {  	_ =	shalt  }
0x65: {  	_ =	shalt  }
0x66: {  	_ =	shalt  }
0x67: {  	_ =	shalt  }
0x68: {  	_ =	shalt  }
0x69: {  	_ =	shalt  }
0x6a: {  	_ =	shalt  }
0x6b: {  	_ =	shalt  }
0x6c: {  	_ =	shalt  }
0x6d: {  	_ =	shalt  }
0x6e: {  	_ =	shalt  }
0x6f: {  	_ =	shalt  }
0x70: {  	_ =	shalt  }
0x71: {  	_ =	shalt  }
0x72: {  	_ =	shalt  }
0x73: {  	_ =	shalt  }
0x74: {  	_ =	shalt  }
0x75: {  	_ =	shalt  }
0x76: {  	_ =	shalt  }
0x77: {  	_ =	shalt  }
0x78: {  	_ =	shalt  }
0x79: {  	_ =	shalt  }
0x7a: {  	_ =	shalt  }
0x7b: {  	_ =	shalt  }
0x7c: {  	_ =	shalt  }
0x7d: {  	_ =	shalt  }
0x7e: {  	_ =	shalt  }
0x7f: {  	_ =	shalt  }
0x80: {  	_ =	shalt  }
0x81: {  	_ =	shalt  }
0x82: {  	_ =	shalt  }
0x83: {  	_ =	shalt  }
0x84: {  	_ =	shalt  }
0x85: {  	_ =	shalt  }
0x86: {  	_ =	shalt  }
0x87: {  	_ =	shalt  }
.Lfunc_end0:
.L_simem_size_0:
called_computation.3_lowered:
.L_overlay_start_0:
0x88: {  	s2 =	sld [smem:$0x3FD9]  }
0x89: {  	s3 =	sld [smem:$0x3FFE];
	_ =	sdelay $0x1  }
0x8a: {  	s1 =	srdreg.scid  }
0x8b: {  	s0 =	sand.u32 $0x1, s1  }
0x8c: {  	s16 =	sshll.u32 s0, $0xA;
	s2 =	sadd.s32 s3, s2  }
0x8d: {  	s2 =	sadd.s32 s2, s16  }
0x8e: {  	[smem:$0x3FBB] =	sst s2  }
0x8f: {  	_ = 	snop  }
0x90: {  	(tm) =	ssettm $0x1  }
0x91: {  	s17 =	sld [smem:$0x3FFB];
	_ =	sdelay $0x3  }
0x92: {  	_ =	strace s17  }
0x93: {  	s2 =	sld [smem:$0x3FFC];
	_ =	sdelay $0x3  }
0x94: {  	_ =	strace s2  }
0x95: {  	s2 =	sld [smem:$0x3FFD];
	_ =	sdelay $0x3  }
0x96: {  	_ =	strace s2  }
0x97: {  	_ =	strace $0x8FFFFFFF  }
0x98: {  	s18 =	sld [smem:$0x3FDB];
	_ =	sdelay $0x1  }
0x99: {  	s19 =	simm.s32 $_scs_section_size  }
0x9a: {  	s4 =	simm.s32 $_size__tile_overlayer_lowered;
	s5 =	simm.s32 $_tile_overlayer_lowered  }
0x9b: {  	s22 =	simm.s32 $0x1BFF;
	s21 =	sshll.u32 s5, $0x1;
	s2 =	sadd.s32 s19, s18  }
0x9c: {  	s6 =	simm.s32 $0x0;
	s20 =	sshll.u32 s4, $0x1;
	s4 =	sadd.s32 s21, s2  }
0x9d: {  	[timem:s6], [sflag:s22] =	dma.local [hbm:s4], s20  }
0x9e: {  	_ =	swait.ge [sflag:s22], s20  }
0x9f: {  	s3 =	ssub.s32 $0x0, s20;
	[sflag:s22] =	ssyncset.done $0x0  }
0xa0: {  	[sflag:s22] =	ssyncadd.s32 s3;
	_ =	sdelay $0x1  }
0xa1: {  	s23 =	simm.s32 $0x1B8B  }
0xa2: {  	_ =	swait.ge [sflag:s23], $0x1  }
0xa3: {  	[sflag:s23] =	ssyncset.done $0x0  }
0xa4: {  	s25 =	simm.s32 $0x1B8E;
	s24 =	sld [smem:$0x3FFE];
	[sflag:s23] =	ssyncadd.s32 $0xFFFFFFFF  }
0xa5: {  	s26 =	simm.s32 $execute0_lowered;
	[smem:$0x3FD2] =	sst s25  }
0xa6: {  	s4 =	sshll.u32 s26, $0x1;
	_ =	strace $0x8000004F;
	[dreg:$0x1] =	wrdreg $0xFFFFFFFF  }
0xa7: {  	s28 =	simm.s32 $_size_execute0_lowered;
	s2 =	sadd.s32 s2, s4;
	[dreg:$0x0] =	wrdreg $0x0  }
0xa8: {  	s4 =	sshll.u32 s28, $0x1;
	[dreg:$0x2] =	wrdreg s2  }
0xa9: {  	[dreg:$0x3] =	wrdreg s4  }
0xaa: {  	[dreg:$0x4] =	wrdreg $0xC0  }
0xab: {  	_ =	task [dreg:s6], $0x5FFFF  }
0xac: {  	[dreg:$0x1] =	wrdreg $0xFFFFFFFF  }
0xad: {  	[dreg:$0x0] =	wrdreg $0x60  }
0xae: {  	[dreg:$0x2] =	wrdreg s24  }
0xaf: {  	[dreg:$0x3] =	wrdreg $0x41000  }
0xb0: {  	[dreg:$0x4] =	wrdreg $0x9  }
0xb1: {  	_ =	task.clear_ibuf [dreg:s6], $0x5FFFF;
	_ =	strace $0x9000004F  }
0xb2: {  	s29 =	simm.s32 $0x9;
	_ =	strace $0x80000051  }
0xb3: {  	_ =	swait.ge [sflag:s29], $0x1  }
0xb4: {  	[sflag:s29] =	ssyncadd.s32 $0xFFFFFFFF  }
0xb5: {  	_ =	strace $0x90000051  }
0xb6: {  	_ =	sfence  }
0xb7: {  	s30 =	sld [smem:$0x0];
	_ =	sdelay $0x2  }
0xb8: {  	s31 =	sshll.u32 s1, $0xD;
	s1 =	sshrl.u32 s1, $0x2  }
0xb9: {  	s3 =	sand.u32 $0x4000, s31;
	s1 =	sadd.s32 s1, s30  }
0xba: {  	s0 =	sor.u32 s3, s0;
	s1 =	sshll.u32 s1, $0x11  }
0xbb: {  	s0 =	sor.u32 s1, s0  }
0xbc: {  	s0 =	sadd.s32 $0x8F2B, s0  }
0xbd: {  	[sflag:s0] =	ssyncadd.remote.s32 $0x1  }
0xbe: {  	_ =	sfence.sel $0xFFFF  }
0xbf: {  	[dreg:$0x0] =	wrdreg $0xFFFFFFFF;
	(pc) =	sbr.abs _section_cstart, $3  }
0xc0: {  	[dreg:$0x1] =	wrdreg $0xFFFFFFFF  }
0xc1: {  	_ =	task.clear_ibuf [dreg:s6], $0x2FFFF;
	_ =	strace $0x9FFFFFFF  }
0xc2: {  	(tm) =	ssettm $0x7FFFFFFF  }
0xc3: {  	_ =	shalt  }
tec
execute0_lowered:
.L_overlay_start_1:
0x0: {  	(tag) =	ssettag $0x1  }
0x1: {  	s6 =	rddreg [dreg:$0x0];
	s0 =	srdreg.scid  }
0x2: {  	s2 =	rddreg [dreg:$0x1];
	s1 =	stileid.u32;
	s3 =	simm.s32 $0x0  }
0x3: {  	s14 =	simm.s32 $0x100;
	s15 =	simm.s32 $0x1;
	s8 =	smul.u32 $0x14000, s1  }
0x4: {  	s7 =	sand.u32 $0x1, s0;
	s0 =	rddreg [dreg:$0x2];
	s10 =	smul.u32 $0x50000, s1  }
0x5: {  	s16 =	simm.s32 $0x0;
	[smem:$0x7FF] =	sst s3;
	s11 =	smul.u32 $0x4F0, s1  }
0x6: {  	s4 =	sadd.s32 $0x1D600, s6;
	s30 =	sshll.u32 s1, $0x6;
	s5 =	smul.u32 $0x140000, s7  }
0x7: {  	s9 =	smul.u32 $0x4F00, s7;
	_ =	strace $0x80000050;
	s29 =	ssub.s32 $0x2, s7  }
0x8: {  	s7 =	sshrl.u32 s29, $0x1;
	s10 =	sshrl.u32 s10, $0x2;
	s5 =	sadd.s32 s8, s5  }
0x9: {  	s26 =	sadd.s32 s9, s6;
	s12 =	ssub.s32 s29, s7;
	s13 =	sadd.s32 s10, s2  }
0xa: {  	s28 =	sshrl.u32 s5, $0x3;
	s5 =	sadd.s32 $0x1AE00, s6;
	s31 =	sadd.s32 s11, s26  }
0xb: {  	s8 =	smax.u32 s12, $0x1;
	s11 =	sshrl.u32 s13, $0x3;
	s12 =	simm.s32 $0x2  }
0xc: {  	s13 =	simm.s32 $0x80;
	s9 =	sadd.s32 s28, s6;
	s6 =	sor.u32 $0x1C02, s30  }
0xd: {  	s10 =	sadd.s32 $0x7200, s31;
	s7 =	sadd.s32 $0x6BA00, s9;
	s9 =	sadd.s32 $0x11000, s31  }
.LBB2_1:
0xe: {  	[spmem:s11], [sflag:s6] =	dma.local [hbm:s5], $0x2800  }
0xf: {  	_ =	swait.ge [sflag:s12], $0x2800  }
0x10: {  	[sflag:s12] =	ssyncset.done $0x0  }
0x11: {  	[sflag:s12] =	ssyncadd.s32 $0xFFFFD800  }
0x12: {  	s17 =	sadd.s32 $0x0, s10;
	[bflag:$0x0] =	sbarrier.arrive $0xFFFF  }
0x13: {  	[tilespmem:s3], [sflag:$0x2] =	stream.linear.gather [hbm4b:s17+s3], $0x80, $0x38;
	[tilespmem:$0x18100] =	vst v63  }
0x14: {  	_ =	swait.ge [sflag:s12], $0x80  }
0x15: {  	[sflag:s12] =	ssyncset.done $0x0  }
0x16: {  	s31 =	sadd.s32 $0x0, s9;
	[sflag:s12] =	ssyncadd.s32 $0xFFFFFF80  }
0x17: {  	[tilespmem:s13], [sflag:$0x2] =	stream.linear.gather [hbm4b:s31+s3], $0x80, $0x38;
	[tilespmem:$0x18100] =	vst v63  }
0x18: {  	_ =	swait.ge [sflag:s12], $0x80  }
0x19: {  	[sflag:s12] =	ssyncset.done $0x0  }
0x1a: {  	[sflag:s12] =	ssyncadd.s32 $0xFFFFFF80  }
0x1b: {  	[tilespmem:s14], [sflag:$0x1] =	stream.indirect.gather [hbm4b:s4+s13], $0x80, s3, s13, $0xb8;
	[tilespmem:$0x18100] =	vst v63  }
0x1c: {  	_ =	swait.ge [sflag:s15], $0x4000  }
0x1d: {  	[sflag:s15] =	ssyncset.done $0x0  }
0x1e: {  	[sflag:s15] =	ssyncadd.s32 $0xFFFFC000  }
0x1f: {  	[spmem:s2] =	stream.indirect.scatter.add.f32 [tilespmem:s14], [sflag:$0x2], $0x80, s13, s13, $0xb8;
	[tilespmem:$0x18100] =	vst v63  }
0x20: {  	_ =	swait.ge [sflag:s12], $0x4000  }
0x21: {  	s18 =	simm.s32 $0x20;
	s17 =	simm.s32 $0x10;
	[sflag:s12] =	ssyncset.done $0x0  }
.LBB2_2:
0x22: {  	s19 =	sadd.s32 s17, s10  }
0x23: {  	[sflag:s12] =	ssyncadd.s32 $0xFFFFC000;
	s20 =	smov.u32 s18;
	s21 =	sadd.s32 $0x10, s18  }
0x24: {  	[tilespmem:s3], [sflag:$0x2] =	stream.linear.gather [hbm4b:s19+s3], $0x80, $0x38;
	[tilespmem:$0x18100] =	vst v63  }
0x25: {  	p0 =	sne.s32 s18, $0x4E0;
	_ =	swait.ge [sflag:s12], $0x80  }
0x26: {  	[sflag:s12] =	ssyncset.done $0x0  }
0x27: {  	s18 =	sadd.s32 s17, s9;
	s17 =	smov.u32 s20;
	[sflag:s12] =	ssyncadd.s32 $0xFFFFFF80  }
0x28: {  	[tilespmem:s13], [sflag:$0x2] =	stream.linear.gather [hbm4b:s18+s3], $0x80, $0x38;
	[tilespmem:$0x18100] =	vst v63  }
0x29: {  	_ =	swait.ge [sflag:s12], $0x80  }
0x2a: {  	[sflag:s12] =	ssyncset.done $0x0  }
0x2b: {  	[sflag:s12] =	ssyncadd.s32 $0xFFFFFF80  }
0x2c: {  	[tilespmem:s14], [sflag:$0x1] =	stream.indirect.gather [hbm4b:s4+s13], $0x80, s3, s13, $0xb8;
	[tilespmem:$0x18100] =	vst v63  }
0x2d: {  	_ =	swait.ge [sflag:s15], $0x4000  }
.Ltmp0:
0x2e: {  	[sflag:s15] =	ssyncset.done $0x0;
	(pc) =	sbr.rel @p0 .LBB2_2-.Ltmp0, $4  }
0x2f: {  	[sflag:s15] =	ssyncadd.s32 $0xFFFFC000  }
0x30: {  	[spmem:s2] =	stream.indirect.scatter.add.f32 [tilespmem:s14], [sflag:$0x2], $0x80, s13, s13, $0xb8;
	[tilespmem:$0x18100] =	vst v63  }
0x31: {  	_ =	swait.ge [sflag:s12], $0x4000  }
0x32: {  	s18 =	smov.u32 s21;
	[sflag:s12] =	ssyncset.done $0x0  }
0x33: {  	s18 =	sadd.s32 s17, s10;
	[sflag:s12] =	ssyncadd.s32 $0xFFFFC000  }
0x34: {  	[tilespmem:s3], [sflag:$0x2] =	stream.linear.gather [hbm4b:s18+s3], $0x80, $0x38;
	[tilespmem:$0x18100] =	vst v63  }
0x35: {  	_ =	swait.ge [sflag:s12], $0x80  }
0x36: {  	[sflag:s12] =	ssyncset.done $0x0  }
0x37: {  	s31 =	sadd.s32 s17, s9;
	[sflag:s12] =	ssyncadd.s32 $0xFFFFFF80  }
0x38: {  	[tilespmem:s13], [sflag:$0x2] =	stream.linear.gather [hbm4b:s31+s3], $0x80, $0x38;
	[tilespmem:$0x18100] =	vst v63  }
0x39: {  	_ =	swait.ge [sflag:s12], $0x80  }
0x3a: {  	[sflag:s12] =	ssyncset.done $0x0  }
0x3b: {  	[sflag:s12] =	ssyncadd.s32 $0xFFFFFF80  }
0x3c: {  	[tilespmem:s14], [sflag:$0x1] =	stream.indirect.gather [hbm4b:s4+s13], $0x80, s3, s13, $0xb8;
	[tilespmem:$0x18100] =	vst v63  }
0x3d: {  	_ =	swait.ge [sflag:s15], $0x4000  }
0x3e: {  	[sflag:s15] =	ssyncset.done $0x0  }
0x3f: {  	[sflag:s15] =	ssyncadd.s32 $0xFFFFC000  }
0x40: {  	[spmem:s2] =	stream.indirect.scatter.add.f32 [tilespmem:s14], [sflag:$0x2], $0x80, s13, s13, $0xb8;
	[tilespmem:$0x18100] =	vst v63  }
0x41: {  	_ =	swait.ge [sflag:s12], $0x4000  }
0x42: {  	s16 =	sadd.s32 $0x1, s16;
	[sflag:s12] =	ssyncset.done $0x0  }
0x43: {  	p0 =	sne.s32 s16, s8;
	[sflag:s12] =	ssyncadd.s32 $0xFFFFC000  }
.Ltmp1:
0x44: {  	[bflag:$0x0] =	sbarrier.arrive $0xFFFF;
	(pc) =	sbr.rel @p0 .LBB2_1-.Ltmp1, $4  }
0x45: {  	[hbm:s7], [sflag:s6] =	dma.local [spmem:s11], $0x2800  }
0x46: {  	_ =	swait.ge [sflag:s12], $0x2800  }
0x47: {  	[sflag:s12] =	ssyncset.done $0x0  }
0x48: {  	[sflag:s12] =	ssyncadd.s32 $0xFFFFD800  }
0x49: {  	_ =	sfence.sel $0x180000  }
0x4a: {  	[bflag:$0x0] =	sbarrier.arrive $0xFFFF  }
0x4b: {  	p0 =	sne.s32 s1, $0x0;
	_ =	strace $0x90000050  }
0x4c: {  	s0 =	sadd.s32 @!p0 $0x100000, s0;
	[bflag:$0x2] =	sbarrier.arrive $0xFFFF  }
0x4d: {  	[sflag:s0] =	ssyncadd.tile.s32 @!p0 $0x1;
	_ =	shalt  }
.Lfunc_end2:
_tile_overlayer_lowered:
.L_overlay_start_2:
0x4e: {  	(tag) =	ssettag $0x2  }
0x4f: {  	s0 =	rddreg [dreg:$0x0];
	s2 =	stileid.u32  }
0x50: {  	s1 =	rddreg [dreg:$0x1];
	p0 =	sne.s32 s2, $0x0  }
0x51: {  	s3 =	rddreg [dreg:$0x2];
	[bflag:$0x3] =	sbarrier.arrive $0xFFFF;
	s2 =	simm.s32 @!p0 $0x1C02  }
0x52: {  	[timem:s3], [sflag:s2] =	dma.local @!p0 [hbm:s0], s1  }
0x53: {  	s0 =	simm.s32 @!p0 $0x2  }
0x54: {  	_ =	swait.ge @!p0 [sflag:s0], s1  }
0x55: {  	s1 =	ssub.s32 @!p0 $0x0, s1;
	[sflag:s0] =	ssyncset.done @!p0 $0x0  }
0x56: {  	[sflag:s0] =	ssyncadd.s32 @!p0 s1  }
0x57: {  	[bflag:$0x3] =	sbarrier.arrive $0xFFFF  }
0x58: {  	_ =	shalt  }

// kernel: kernel.32.cloned.1.call-start
scs
__scs_entry_jumppad:
0x0: {  	(pc) =	sbr.rel $0x88, $3  }
0x1: {  	(tag) =	ssettag $0x0;
	lr =	simm.s32 $0x1  }
0x2: {  	[smem:$0x3F94] =	sst lr;
	_ =	strace $0xD0000000  }
0x3: {  	_ = 	snop  }
0x4: {  	_ = 	snop  }
0x5: {  	_ = 	snop  }
0x6: {  	_ = 	snop  }
0x7: {  	_ = 	snop  }
__scs_overlays_trampoline_lowered:
0x8: {  	[smem:$0x3FA3] =	sst s0  }
0x9: {  	[smem:$0x3FA4] =	sst s1  }
0xa: {  	[smem:$0x3FA5] =	sst s2  }
0xb: {  	[smem:$0x3FA6] =	sst s3  }
0xc: {  	[smem:$0x3FA7] =	sst s4  }
0xd: {  	[smem:$0x3FA8] =	sst s5  }
0xe: {  	[smem:$0x3FA9] =	sst s6  }
0xf: {  	[smem:$0x3FAA] =	sst s7  }
0x10: {  	[smem:$0x3FAB] =	sst s8  }
0x11: {  	[smem:$0x3FAC] =	sst s9;
	s0 =	simm.s32 @!p0 $0x0  }
0x12: {  	s1 =	sld [smem:$0x3F92];
	s0 =	simm.s32 @p0 $0x1  }
0x13: {  	[smem:$0x3FAD] =	sst s0;
	s0 =	simm.s32 @!p1 $0x0  }
0x14: {  	s2 =	sld [smem:$0x3F91];
	s0 =	simm.s32 @p1 $0x1  }
0x15: {  	[smem:$0x3FAE] =	sst s0;
	s0 =	simm.s32 @!p2 $0x0  }
0x16: {  	s3 =	sld [smem:$0x3FDB];
	s0 =	simm.s32 @p2 $0x1  }
0x17: {  	s4 =	simm.s32 $0x1BF5;
	[smem:$0x3FB0] =	sst s0  }
0x18: {  	s0 =	sld [smem:$0x3F93];
	_ =	swait.ge [sflag:s4], $0x0  }
0x19: {  	s7 =	sld [smem:$0x3F94]  }
0x1a: {  	s8 =	sadd.s32 $0xFFFFE003, lr  }
0x1b: {  	s9 =	sadd.s32 $0xFFFFFEF7, lr;
	s5 =	simm.s32 $0xFFFFFFFF;
	p2 =	slt.u32 s8, $0xFFFFF086  }
0x1c: {  	p1 =	slt.u32 s9, $0xF7A;
	s5 =	simm.s32 @!p2 $0x0  }
0x1d: {  	s5 =	simm.s32 @p1 $0x1;
	p0 =	seq.s32 s7, s2  }
0x1e: {  	s7 =	smul.u32 @!p0 $0xF7A, s2;
	p2 =	seq.s32 @!p0 s5, $0x0  }
0x1f: {  	s9 =	smul.u32 $0xF7A, s1;
	s8 =	simm.s32 @!p0 $0x1BF5;
	p2 =	por !p2, p0  }
0x20: {  	[sflag:s8] =	ssyncset.s32 @!p0 $0xFFFFF086;
	s6 =	sadd.s32 @!p0 s3, s7;
	s7 =	simm.s32 @!p0 $0x108  }
0x21: {  	s3 =	sadd.s32 s3, s9;
	s6 =	sadd.s32 @!p0 $0x88, s6;
	s7 =	simm.s32 @p2 $0x1082  }
0x22: {  	[simem:s7], [sflag:s8] =	dma.local @!p0 [hbm:s6], $0xF7A  }
0x23: {  	s9 =	sor.u32 $0xD0000000, s2;
	s6 =	simm.s32 $0x108;
	_ =	swait.ge @!p0 [sflag:s8], $0x0  }
0x24: {  	s3 =	sadd.s32 $0x88, s3;
	s6 =	simm.s32 @!p1 $0x1082;
	[sflag:s4] =	ssyncset.s32 $0xFFFFF086  }
0x25: {  	[simem:s6], [sflag:s4] =	dma.local [hbm:s3], $0xF7A  }
0x26: {  	[smem:$0x3F94] =	sst s1;
	(tag) =	ssettag s2;
	_ =	strace s9  }
0x27: {  	s1 =	sld [smem:$0x3FA4]  }
0x28: {  	s2 =	sld [smem:$0x3FA5]  }
0x29: {  	s4 =	sld [smem:$0x3FA7]  }
0x2a: {  	p0 =	seq.s32 s5, $0x0;
	s5 =	sld [smem:$0x3FA8]  }
0x2b: {  	s6 =	sld [smem:$0x3FA9]  }
0x2c: {  	s7 =	sld [smem:$0x3FAA]  }
0x2d: {  	s3 =	simm.s32 $0x108;
	s8 =	sld [smem:$0x3FAB]  }
0x2e: {  	s3 =	simm.s32 @!p0 $0x1082;
	s9 =	sld [smem:$0x3FAC]  }
0x2f: {  	lr =	sadd.s32 s0, s3;
	s0 =	sld [smem:$0x3FA3]  }
0x30: {  	s3 =	sld [smem:$0x3FA6]  }
0x31: {  	[smem:$0x3FAF] =	sst s10  }
0x32: {  	s10 =	sld [smem:$0x3FAD];
	_ =	sdelay $0x3  }
0x33: {  	p0 =	seq.s32 s10, $0x1;
	s10 =	sld [smem:$0x3FAF];
	_ =	sdelay $0x3  }
0x34: {  	[smem:$0x3FAF] =	sst s10  }
0x35: {  	s10 =	sld [smem:$0x3FAE];
	_ =	sdelay $0x3  }
0x36: {  	p1 =	seq.s32 s10, $0x1;
	s10 =	sld [smem:$0x3FAF];
	_ =	sdelay $0x3  }
0x37: {  	[smem:$0x3FAF] =	sst s10  }
0x38: {  	s10 =	sld [smem:$0x3FB0]  }
0x39: {  	_ = 	snop;
	(pc) =	sbr.ind lr, $3  }
0x3a: {  	_ = 	snop  }
0x3b: {  	_ = 	snop  }
0x3c: {  	p2 =	seq.s32 s10, $0x1;
	s10 =	sld [smem:$0x3FAF]  }
0x3d: {  	_ =	shalt  }
0x3e: {  	_ =	shalt  }
0x3f: {  	_ =	shalt  }
0x40: {  	_ =	shalt  }
0x41: {  	_ =	shalt  }
0x42: {  	_ =	shalt  }
0x43: {  	_ =	shalt  }
0x44: {  	_ =	shalt  }
0x45: {  	_ =	shalt  }
0x46: {  	_ =	shalt  }
0x47: {  	_ =	shalt  }
0x48: {  	_ =	shalt  }
0x49: {  	_ =	shalt  }
0x4a: {  	_ =	shalt  }
0x4b: {  	_ =	shalt  }
0x4c: {  	_ =	shalt  }
0x4d: {  	_ =	shalt  }
0x4e: {  	_ =	shalt  }
0x4f: {  	_ =	shalt  }
0x50: {  	_ =	shalt  }
0x51: {  	_ =	shalt  }
0x52: {  	_ =	shalt  }
0x53: {  	_ =	shalt  }
0x54: {  	_ =	shalt  }
0x55: {  	_ =	shalt  }
0x56: {  	_ =	shalt  }
0x57: {  	_ =	shalt  }
0x58: {  	_ =	shalt  }
0x59: {  	_ =	shalt  }
0x5a: {  	_ =	shalt  }
0x5b: {  	_ =	shalt  }
0x5c: {  	_ =	shalt  }
0x5d: {  	_ =	shalt  }
0x5e: {  	_ =	shalt  }
0x5f: {  	_ =	shalt  }
0x60: {  	_ =	shalt  }
0x61: {  	_ =	shalt  }
0x62: {  	_ =	shalt  }
0x63: {  	_ =	shalt  }
0x64: {  	_ =	shalt  }
0x65: {  	_ =	shalt  }
0x66: {  	_ =	shalt  }
0x67: {  	_ =	shalt  }
0x68: {  	_ =	shalt  }
0x69: {  	_ =	shalt  }
0x6a: {  	_ =	shalt  }
0x6b: {  	_ =	shalt  }
0x6c: {  	_ =	shalt  }
0x6d: {  	_ =	shalt  }
0x6e: {  	_ =	shalt  }
0x6f: {  	_ =	shalt  }
0x70: {  	_ =	shalt  }
0x71: {  	_ =	shalt  }
0x72: {  	_ =	shalt  }
0x73: {  	_ =	shalt  }
0x74: {  	_ =	shalt  }
0x75: {  	_ =	shalt  }
0x76: {  	_ =	shalt  }
0x77: {  	_ =	shalt  }
0x78: {  	_ =	shalt  }
0x79: {  	_ =	shalt  }
0x7a: {  	_ =	shalt  }
0x7b: {  	_ =	shalt  }
0x7c: {  	_ =	shalt  }
0x7d: {  	_ =	shalt  }
0x7e: {  	_ =	shalt  }
0x7f: {  	_ =	shalt  }
0x80: {  	_ =	shalt  }
0x81: {  	_ =	shalt  }
0x82: {  	_ =	shalt  }
0x83: {  	_ =	shalt  }
0x84: {  	_ =	shalt  }
0x85: {  	_ =	shalt  }
0x86: {  	_ =	shalt  }
0x87: {  	_ =	shalt  }
.Lfunc_end0:
.L_simem_size_0:
called_computation.4_lowered:
.L_overlay_start_0:
0x88: {  	s2 =	sld [smem:$0x3FD9]  }
0x89: {  	s3 =	sld [smem:$0x3FFE];
	_ =	sdelay $0x1  }
0x8a: {  	s1 =	srdreg.scid  }
0x8b: {  	s0 =	sand.u32 $0x1, s1  }
0x8c: {  	s16 =	sshll.u32 s0, $0xA;
	s2 =	sadd.s32 s3, s2  }
0x8d: {  	s2 =	sadd.s32 s2, s16  }
0x8e: {  	[smem:$0x3FBB] =	sst s2  }
0x8f: {  	_ = 	snop  }
0x90: {  	(tm) =	ssettm $0x1  }
0x91: {  	s17 =	sld [smem:$0x3FFB];
	_ =	sdelay $0x3  }
0x92: {  	_ =	strace s17  }
0x93: {  	s2 =	sld [smem:$0x3FFC];
	_ =	sdelay $0x3  }
0x94: {  	_ =	strace s2  }
0x95: {  	s2 =	sld [smem:$0x3FFD];
	_ =	sdelay $0x3  }
0x96: {  	_ =	strace s2  }
0x97: {  	_ =	strace $0x8FFFFFFF  }
0x98: {  	s18 =	sld [smem:$0x3FDB];
	_ =	sdelay $0x1  }
0x99: {  	s19 =	simm.s32 $_scs_section_size  }
0x9a: {  	s4 =	simm.s32 $_size__tile_overlayer_lowered;
	s5 =	simm.s32 $_tile_overlayer_lowered  }
0x9b: {  	s22 =	simm.s32 $0x1BFF;
	s21 =	sshll.u32 s5, $0x1;
	s2 =	sadd.s32 s19, s18  }
0x9c: {  	s6 =	simm.s32 $0x0;
	s20 =	sshll.u32 s4, $0x1;
	s4 =	sadd.s32 s21, s2  }
0x9d: {  	[timem:s6], [sflag:s22] =	dma.local [hbm:s4], s20  }
0x9e: {  	_ =	swait.ge [sflag:s22], s20  }
0x9f: {  	s3 =	ssub.s32 $0x0, s20;
	[sflag:s22] =	ssyncset.done $0x0  }
0xa0: {  	[sflag:s22] =	ssyncadd.s32 s3;
	_ =	sdelay $0x1  }
0xa1: {  	s23 =	simm.s32 $0x1B8B  }
0xa2: {  	_ =	swait.ge [sflag:s23], $0x1  }
0xa3: {  	[sflag:s23] =	ssyncset.done $0x0  }
0xa4: {  	s25 =	simm.s32 $0x1B8E;
	s24 =	sld [smem:$0x3FFE];
	[sflag:s23] =	ssyncadd.s32 $0xFFFFFFFF  }
0xa5: {  	s26 =	simm.s32 $execute0_lowered;
	[smem:$0x3FD2] =	sst s25  }
0xa6: {  	s4 =	sshll.u32 s26, $0x1;
	_ =	strace $0x80000052;
	[dreg:$0x1] =	wrdreg $0xFFFFFFFF  }
0xa7: {  	s28 =	simm.s32 $_size_execute0_lowered;
	s2 =	sadd.s32 s2, s4;
	[dreg:$0x0] =	wrdreg $0x0  }
0xa8: {  	s4 =	sshll.u32 s28, $0x1;
	[dreg:$0x2] =	wrdreg s2  }
0xa9: {  	[dreg:$0x3] =	wrdreg s4  }
0xaa: {  	[dreg:$0x4] =	wrdreg $0xC0  }
0xab: {  	_ =	task [dreg:s6], $0x5FFFF  }
0xac: {  	[dreg:$0x1] =	wrdreg $0xFFFFFFFF  }
0xad: {  	[dreg:$0x0] =	wrdreg $0x60  }
0xae: {  	[dreg:$0x2] =	wrdreg s24  }
0xaf: {  	[dreg:$0x3] =	wrdreg $0x41000  }
0xb0: {  	[dreg:$0x4] =	wrdreg $0x9  }
0xb1: {  	_ =	task.clear_ibuf [dreg:s6], $0x5FFFF;
	_ =	strace $0x90000052  }
0xb2: {  	s29 =	simm.s32 $0x9;
	_ =	strace $0x80000054  }
0xb3: {  	_ =	swait.ge [sflag:s29], $0x1  }
0xb4: {  	[sflag:s29] =	ssyncadd.s32 $0xFFFFFFFF  }
0xb5: {  	_ =	strace $0x90000054  }
0xb6: {  	_ =	sfence  }
0xb7: {  	s30 =	sld [smem:$0x0];
	_ =	sdelay $0x2  }
0xb8: {  	s31 =	sshll.u32 s1, $0xD;
	s1 =	sshrl.u32 s1, $0x2  }
0xb9: {  	s3 =	sand.u32 $0x4000, s31;
	s1 =	sadd.s32 s1, s30  }
0xba: {  	s0 =	sor.u32 s3, s0;
	s1 =	sshll.u32 s1, $0x11  }
0xbb: {  	s0 =	sor.u32 s1, s0  }
0xbc: {  	s0 =	sadd.s32 $0x8F2B, s0  }
0xbd: {  	[sflag:s0] =	ssyncadd.remote.s32 $0x1  }
0xbe: {  	_ =	sfence.sel $0xFFFF  }
0xbf: {  	[dreg:$0x0] =	wrdreg $0xFFFFFFFF;
	(pc) =	sbr.abs _section_cstart, $3  }
0xc0: {  	[dreg:$0x1] =	wrdreg $0xFFFFFFFF  }
0xc1: {  	_ =	task.clear_ibuf [dreg:s6], $0x2FFFF;
	_ =	strace $0x9FFFFFFF  }
0xc2: {  	(tm) =	ssettm $0x7FFFFFFF  }
0xc3: {  	_ =	shalt  }
tec
execute0_lowered:
.L_overlay_start_1:
0x0: {  	(tag) =	ssettag $0x1  }
0x1: {  	s6 =	rddreg [dreg:$0x0];
	s0 =	srdreg.scid  }
0x2: {  	s2 =	rddreg [dreg:$0x1];
	s1 =	stileid.u32;
	s3 =	simm.s32 $0x0  }
0x3: {  	s14 =	simm.s32 $0x100;
	s15 =	simm.s32 $0x1;
	s8 =	smul.u32 $0x14000, s1  }
0x4: {  	s7 =	sand.u32 $0x1, s0;
	s0 =	rddreg [dreg:$0x2];
	s10 =	smul.u32 $0x50000, s1  }
0x5: {  	s16 =	simm.s32 $0x0;
	[smem:$0x7FF] =	sst s3;
	s11 =	smul.u32 $0x4F0, s1  }
0x6: {  	s4 =	sadd.s32 $0x1D600, s6;
	s30 =	sshll.u32 s1, $0x6;
	s5 =	smul.u32 $0x140000, s7  }
0x7: {  	s9 =	smul.u32 $0x4F00, s7;
	_ =	strace $0x80000053;
	s29 =	ssub.s32 $0x2, s7  }
0x8: {  	s7 =	sshrl.u32 s29, $0x1;
	s10 =	sshrl.u32 s10, $0x2;
	s5 =	sadd.s32 s8, s5  }
0x9: {  	s26 =	sadd.s32 s9, s6;
	s12 =	ssub.s32 s29, s7;
	s13 =	sadd.s32 s10, s2  }
0xa: {  	s28 =	sshrl.u32 s5, $0x3;
	s5 =	sadd.s32 $0x1AE00, s6;
	s31 =	sadd.s32 s11, s26  }
0xb: {  	s8 =	smax.u32 s12, $0x1;
	s11 =	sshrl.u32 s13, $0x3;
	s12 =	simm.s32 $0x2  }
0xc: {  	s13 =	simm.s32 $0x80;
	s9 =	sadd.s32 s28, s6;
	s6 =	sor.u32 $0x1C02, s30  }
0xd: {  	s10 =	sadd.s32 $0x7200, s31;
	s7 =	sadd.s32 $0x6BA00, s9;
	s9 =	sadd.s32 $0x11000, s31  }
.LBB2_1:
0xe: {  	[spmem:s11], [sflag:s6] =	dma.local [hbm:s5], $0x2800  }
0xf: {  	_ =	swait.ge [sflag:s12], $0x2800  }
0x10: {  	[sflag:s12] =	ssyncset.done $0x0  }
0x11: {  	[sflag:s12] =	ssyncadd.s32 $0xFFFFD800  }
0x12: {  	s17 =	sadd.s32 $0x0, s10;
	[bflag:$0x0] =	sbarrier.arrive $0xFFFF  }
0x13: {  	[tilespmem:s3], [sflag:$0x2] =	stream.linear.gather [hbm4b:s17+s3], $0x80, $0x38;
	[tilespmem:$0x18100] =	vst v63  }
0x14: {  	_ =	swait.ge [sflag:s12], $0x80  }
0x15: {  	[sflag:s12] =	ssyncset.done $0x0  }
0x16: {  	s31 =	sadd.s32 $0x0, s9;
	[sflag:s12] =	ssyncadd.s32 $0xFFFFFF80  }
0x17: {  	[tilespmem:s13], [sflag:$0x2] =	stream.linear.gather [hbm4b:s31+s3], $0x80, $0x38;
	[tilespmem:$0x18100] =	vst v63  }
0x18: {  	_ =	swait.ge [sflag:s12], $0x80  }
0x19: {  	[sflag:s12] =	ssyncset.done $0x0  }
0x1a: {  	[sflag:s12] =	ssyncadd.s32 $0xFFFFFF80  }
0x1b: {  	[tilespmem:s14], [sflag:$0x1] =	stream.indirect.gather [hbm4b:s4+s13], $0x80, s3, s13, $0xb8;
	[tilespmem:$0x18100] =	vst v63  }
0x1c: {  	_ =	swait.ge [sflag:s15], $0x4000  }
0x1d: {  	[sflag:s15] =	ssyncset.done $0x0  }
0x1e: {  	[sflag:s15] =	ssyncadd.s32 $0xFFFFC000  }
0x1f: {  	[spmem:s2] =	stream.indirect.scatter.add.f32 [tilespmem:s14], [sflag:$0x2], $0x80, s13, s13, $0xb8;
	[tilespmem:$0x18100] =	vst v63  }
0x20: {  	_ =	swait.ge [sflag:s12], $0x4000  }
0x21: {  	s18 =	simm.s32 $0x20;
	s17 =	simm.s32 $0x10;
	[sflag:s12] =	ssyncset.done $0x0  }
.LBB2_2:
0x22: {  	s19 =	sadd.s32 s17, s10  }
0x23: {  	[sflag:s12] =	ssyncadd.s32 $0xFFFFC000;
	s20 =	smov.u32 s18;
	s21 =	sadd.s32 $0x10, s18  }
0x24: {  	[tilespmem:s3], [sflag:$0x2] =	stream.linear.gather [hbm4b:s19+s3], $0x80, $0x38;
	[tilespmem:$0x18100] =	vst v63  }
0x25: {  	p0 =	sne.s32 s18, $0x4E0;
	_ =	swait.ge [sflag:s12], $0x80  }
0x26: {  	[sflag:s12] =	ssyncset.done $0x0  }
0x27: {  	s18 =	sadd.s32 s17, s9;
	s17 =	smov.u32 s20;
	[sflag:s12] =	ssyncadd.s32 $0xFFFFFF80  }
0x28: {  	[tilespmem:s13], [sflag:$0x2] =	stream.linear.gather [hbm4b:s18+s3], $0x80, $0x38;
	[tilespmem:$0x18100] =	vst v63  }
0x29: {  	_ =	swait.ge [sflag:s12], $0x80  }
0x2a: {  	[sflag:s12] =	ssyncset.done $0x0  }
0x2b: {  	[sflag:s12] =	ssyncadd.s32 $0xFFFFFF80  }
0x2c: {  	[tilespmem:s14], [sflag:$0x1] =	stream.indirect.gather [hbm4b:s4+s13], $0x80, s3, s13, $0xb8;
	[tilespmem:$0x18100] =	vst v63  }
0x2d: {  	_ =	swait.ge [sflag:s15], $0x4000  }
.Ltmp0:
0x2e: {  	[sflag:s15] =	ssyncset.done $0x0;
	(pc) =	sbr.rel @p0 .LBB2_2-.Ltmp0, $4  }
0x2f: {  	[sflag:s15] =	ssyncadd.s32 $0xFFFFC000  }
0x30: {  	[spmem:s2] =	stream.indirect.scatter.add.f32 [tilespmem:s14], [sflag:$0x2], $0x80, s13, s13, $0xb8;
	[tilespmem:$0x18100] =	vst v63  }
0x31: {  	_ =	swait.ge [sflag:s12], $0x4000  }
0x32: {  	s18 =	smov.u32 s21;
	[sflag:s12] =	ssyncset.done $0x0  }
0x33: {  	s18 =	sadd.s32 s17, s10;
	[sflag:s12] =	ssyncadd.s32 $0xFFFFC000  }
0x34: {  	[tilespmem:s3], [sflag:$0x2] =	stream.linear.gather [hbm4b:s18+s3], $0x80, $0x38;
	[tilespmem:$0x18100] =	vst v63  }
0x35: {  	_ =	swait.ge [sflag:s12], $0x80  }
0x36: {  	[sflag:s12] =	ssyncset.done $0x0  }
0x37: {  	s31 =	sadd.s32 s17, s9;
	[sflag:s12] =	ssyncadd.s32 $0xFFFFFF80  }
0x38: {  	[tilespmem:s13], [sflag:$0x2] =	stream.linear.gather [hbm4b:s31+s3], $0x80, $0x38;
	[tilespmem:$0x18100] =	vst v63  }
0x39: {  	_ =	swait.ge [sflag:s12], $0x80  }
0x3a: {  	[sflag:s12] =	ssyncset.done $0x0  }
0x3b: {  	[sflag:s12] =	ssyncadd.s32 $0xFFFFFF80  }
0x3c: {  	[tilespmem:s14], [sflag:$0x1] =	stream.indirect.gather [hbm4b:s4+s13], $0x80, s3, s13, $0xb8;
	[tilespmem:$0x18100] =	vst v63  }
0x3d: {  	_ =	swait.ge [sflag:s15], $0x4000  }
0x3e: {  	[sflag:s15] =	ssyncset.done $0x0  }
0x3f: {  	[sflag:s15] =	ssyncadd.s32 $0xFFFFC000  }
0x40: {  	[spmem:s2] =	stream.indirect.scatter.add.f32 [tilespmem:s14], [sflag:$0x2], $0x80, s13, s13, $0xb8;
	[tilespmem:$0x18100] =	vst v63  }
0x41: {  	_ =	swait.ge [sflag:s12], $0x4000  }
0x42: {  	s16 =	sadd.s32 $0x1, s16;
	[sflag:s12] =	ssyncset.done $0x0  }
0x43: {  	p0 =	sne.s32 s16, s8;
	[sflag:s12] =	ssyncadd.s32 $0xFFFFC000  }
.Ltmp1:
0x44: {  	[bflag:$0x0] =	sbarrier.arrive $0xFFFF;
	(pc) =	sbr.rel @p0 .LBB2_1-.Ltmp1, $4  }
0x45: {  	[hbm:s7], [sflag:s6] =	dma.local [spmem:s11], $0x2800  }
0x46: {  	_ =	swait.ge [sflag:s12], $0x2800  }
0x47: {  	[sflag:s12] =	ssyncset.done $0x0  }
0x48: {  	[sflag:s12] =	ssyncadd.s32 $0xFFFFD800  }
0x49: {  	_ =	sfence.sel $0x180000  }
0x4a: {  	[bflag:$0x0] =	sbarrier.arrive $0xFFFF  }
0x4b: {  	p0 =	sne.s32 s1, $0x0;
	_ =	strace $0x90000053  }
0x4c: {  	s0 =	sadd.s32 @!p0 $0x100000, s0;
	[bflag:$0x2] =	sbarrier.arrive $0xFFFF  }
0x4d: {  	[sflag:s0] =	ssyncadd.tile.s32 @!p0 $0x1;
	_ =	shalt  }
.Lfunc_end2:
_tile_overlayer_lowered:
.L_overlay_start_2:
0x4e: {  	(tag) =	ssettag $0x2  }
0x4f: {  	s0 =	rddreg [dreg:$0x0];
	s2 =	stileid.u32  }
0x50: {  	s1 =	rddreg [dreg:$0x1];
	p0 =	sne.s32 s2, $0x0  }
0x51: {  	s3 =	rddreg [dreg:$0x2];
	[bflag:$0x3] =	sbarrier.arrive $0xFFFF;
	s2 =	simm.s32 @!p0 $0x1C02  }
0x52: {  	[timem:s3], [sflag:s2] =	dma.local @!p0 [hbm:s0], s1  }
0x53: {  	s0 =	simm.s32 @!p0 $0x2  }
0x54: {  	_ =	swait.ge @!p0 [sflag:s0], s1  }
0x55: {  	s1 =	ssub.s32 @!p0 $0x0, s1;
	[sflag:s0] =	ssyncset.done @!p0 $0x0  }
0x56: {  	[sflag:s0] =	ssyncadd.s32 @!p0 s1  }
0x57: {  	[bflag:$0x3] =	sbarrier.arrive $0xFFFF  }
0x58: {  	_ =	shalt  }

// kernel: kernel.35.cloned.1.call-start
scs
__scs_entry_jumppad:
0x0: {  	(pc) =	sbr.rel $0x88, $3  }
0x1: {  	(tag) =	ssettag $0x0;
	lr =	simm.s32 $0x1  }
0x2: {  	[smem:$0x3F94] =	sst lr;
	_ =	strace $0xD0000000  }
0x3: {  	_ = 	snop  }
0x4: {  	_ = 	snop  }
0x5: {  	_ = 	snop  }
0x6: {  	_ = 	snop  }
0x7: {  	_ = 	snop  }
__scs_overlays_trampoline_lowered:
0x8: {  	[smem:$0x3FA3] =	sst s0  }
0x9: {  	[smem:$0x3FA4] =	sst s1  }
0xa: {  	[smem:$0x3FA5] =	sst s2  }
0xb: {  	[smem:$0x3FA6] =	sst s3  }
0xc: {  	[smem:$0x3FA7] =	sst s4  }
0xd: {  	[smem:$0x3FA8] =	sst s5  }
0xe: {  	[smem:$0x3FA9] =	sst s6  }
0xf: {  	[smem:$0x3FAA] =	sst s7  }
0x10: {  	[smem:$0x3FAB] =	sst s8  }
0x11: {  	[smem:$0x3FAC] =	sst s9;
	s0 =	simm.s32 @!p0 $0x0  }
0x12: {  	s1 =	sld [smem:$0x3F92];
	s0 =	simm.s32 @p0 $0x1  }
0x13: {  	[smem:$0x3FAD] =	sst s0;
	s0 =	simm.s32 @!p1 $0x0  }
0x14: {  	s2 =	sld [smem:$0x3F91];
	s0 =	simm.s32 @p1 $0x1  }
0x15: {  	[smem:$0x3FAE] =	sst s0;
	s0 =	simm.s32 @!p2 $0x0  }
0x16: {  	s3 =	sld [smem:$0x3FDB];
	s0 =	simm.s32 @p2 $0x1  }
0x17: {  	s4 =	simm.s32 $0x1BF5;
	[smem:$0x3FB0] =	sst s0  }
0x18: {  	s0 =	sld [smem:$0x3F93];
	_ =	swait.ge [sflag:s4], $0x0  }
0x19: {  	s7 =	sld [smem:$0x3F94]  }
0x1a: {  	s8 =	sadd.s32 $0xFFFFE003, lr  }
0x1b: {  	s9 =	sadd.s32 $0xFFFFFEF7, lr;
	s5 =	simm.s32 $0xFFFFFFFF;
	p2 =	slt.u32 s8, $0xFFFFF086  }
0x1c: {  	p1 =	slt.u32 s9, $0xF7A;
	s5 =	simm.s32 @!p2 $0x0  }
0x1d: {  	s5 =	simm.s32 @p1 $0x1;
	p0 =	seq.s32 s7, s2  }
0x1e: {  	s7 =	smul.u32 @!p0 $0xF7A, s2;
	p2 =	seq.s32 @!p0 s5, $0x0  }
0x1f: {  	s9 =	smul.u32 $0xF7A, s1;
	s8 =	simm.s32 @!p0 $0x1BF5;
	p2 =	por !p2, p0  }
0x20: {  	[sflag:s8] =	ssyncset.s32 @!p0 $0xFFFFF086;
	s6 =	sadd.s32 @!p0 s3, s7;
	s7 =	simm.s32 @!p0 $0x108  }
0x21: {  	s3 =	sadd.s32 s3, s9;
	s6 =	sadd.s32 @!p0 $0x88, s6;
	s7 =	simm.s32 @p2 $0x1082  }
0x22: {  	[simem:s7], [sflag:s8] =	dma.local @!p0 [hbm:s6], $0xF7A  }
0x23: {  	s9 =	sor.u32 $0xD0000000, s2;
	s6 =	simm.s32 $0x108;
	_ =	swait.ge @!p0 [sflag:s8], $0x0  }
0x24: {  	s3 =	sadd.s32 $0x88, s3;
	s6 =	simm.s32 @!p1 $0x1082;
	[sflag:s4] =	ssyncset.s32 $0xFFFFF086  }
0x25: {  	[simem:s6], [sflag:s4] =	dma.local [hbm:s3], $0xF7A  }
0x26: {  	[smem:$0x3F94] =	sst s1;
	(tag) =	ssettag s2;
	_ =	strace s9  }
0x27: {  	s1 =	sld [smem:$0x3FA4]  }
0x28: {  	s2 =	sld [smem:$0x3FA5]  }
0x29: {  	s4 =	sld [smem:$0x3FA7]  }
0x2a: {  	p0 =	seq.s32 s5, $0x0;
	s5 =	sld [smem:$0x3FA8]  }
0x2b: {  	s6 =	sld [smem:$0x3FA9]  }
0x2c: {  	s7 =	sld [smem:$0x3FAA]  }
0x2d: {  	s3 =	simm.s32 $0x108;
	s8 =	sld [smem:$0x3FAB]  }
0x2e: {  	s3 =	simm.s32 @!p0 $0x1082;
	s9 =	sld [smem:$0x3FAC]  }
0x2f: {  	lr =	sadd.s32 s0, s3;
	s0 =	sld [smem:$0x3FA3]  }
0x30: {  	s3 =	sld [smem:$0x3FA6]  }
0x31: {  	[smem:$0x3FAF] =	sst s10  }
0x32: {  	s10 =	sld [smem:$0x3FAD];
	_ =	sdelay $0x3  }
0x33: {  	p0 =	seq.s32 s10, $0x1;
	s10 =	sld [smem:$0x3FAF];
	_ =	sdelay $0x3  }
0x34: {  	[smem:$0x3FAF] =	sst s10  }
0x35: {  	s10 =	sld [smem:$0x3FAE];
	_ =	sdelay $0x3  }
0x36: {  	p1 =	seq.s32 s10, $0x1;
	s10 =	sld [smem:$0x3FAF];
	_ =	sdelay $0x3  }
0x37: {  	[smem:$0x3FAF] =	sst s10  }
0x38: {  	s10 =	sld [smem:$0x3FB0]  }
0x39: {  	_ = 	snop;
	(pc) =	sbr.ind lr, $3  }
0x3a: {  	_ = 	snop  }
0x3b: {  	_ = 	snop  }
0x3c: {  	p2 =	seq.s32 s10, $0x1;
	s10 =	sld [smem:$0x3FAF]  }
0x3d: {  	_ =	shalt  }
0x3e: {  	_ =	shalt  }
0x3f: {  	_ =	shalt  }
0x40: {  	_ =	shalt  }
0x41: {  	_ =	shalt  }
0x42: {  	_ =	shalt  }
0x43: {  	_ =	shalt  }
0x44: {  	_ =	shalt  }
0x45: {  	_ =	shalt  }
0x46: {  	_ =	shalt  }
0x47: {  	_ =	shalt  }
0x48: {  	_ =	shalt  }
0x49: {  	_ =	shalt  }
0x4a: {  	_ =	shalt  }
0x4b: {  	_ =	shalt  }
0x4c: {  	_ =	shalt  }
0x4d: {  	_ =	shalt  }
0x4e: {  	_ =	shalt  }
0x4f: {  	_ =	shalt  }
0x50: {  	_ =	shalt  }
0x51: {  	_ =	shalt  }
0x52: {  	_ =	shalt  }
0x53: {  	_ =	shalt  }
0x54: {  	_ =	shalt  }
0x55: {  	_ =	shalt  }
0x56: {  	_ =	shalt  }
0x57: {  	_ =	shalt  }
0x58: {  	_ =	shalt  }
0x59: {  	_ =	shalt  }
0x5a: {  	_ =	shalt  }
0x5b: {  	_ =	shalt  }
0x5c: {  	_ =	shalt  }
0x5d: {  	_ =	shalt  }
0x5e: {  	_ =	shalt  }
0x5f: {  	_ =	shalt  }
0x60: {  	_ =	shalt  }
0x61: {  	_ =	shalt  }
0x62: {  	_ =	shalt  }
0x63: {  	_ =	shalt  }
0x64: {  	_ =	shalt  }
0x65: {  	_ =	shalt  }
0x66: {  	_ =	shalt  }
0x67: {  	_ =	shalt  }
0x68: {  	_ =	shalt  }
0x69: {  	_ =	shalt  }
0x6a: {  	_ =	shalt  }
0x6b: {  	_ =	shalt  }
0x6c: {  	_ =	shalt  }
0x6d: {  	_ =	shalt  }
0x6e: {  	_ =	shalt  }
0x6f: {  	_ =	shalt  }
0x70: {  	_ =	shalt  }
0x71: {  	_ =	shalt  }
0x72: {  	_ =	shalt  }
0x73: {  	_ =	shalt  }
0x74: {  	_ =	shalt  }
0x75: {  	_ =	shalt  }
0x76: {  	_ =	shalt  }
0x77: {  	_ =	shalt  }
0x78: {  	_ =	shalt  }
0x79: {  	_ =	shalt  }
0x7a: {  	_ =	shalt  }
0x7b: {  	_ =	shalt  }
0x7c: {  	_ =	shalt  }
0x7d: {  	_ =	shalt  }
0x7e: {  	_ =	shalt  }
0x7f: {  	_ =	shalt  }
0x80: {  	_ =	shalt  }
0x81: {  	_ =	shalt  }
0x82: {  	_ =	shalt  }
0x83: {  	_ =	shalt  }
0x84: {  	_ =	shalt  }
0x85: {  	_ =	shalt  }
0x86: {  	_ =	shalt  }
0x87: {  	_ =	shalt  }
.Lfunc_end0:
.L_simem_size_0:
called_computation.5_lowered:
.L_overlay_start_0:
0x88: {  	s2 =	sld [smem:$0x3FD9]  }
0x89: {  	s3 =	sld [smem:$0x3FFE];
	_ =	sdelay $0x1  }
0x8a: {  	s1 =	srdreg.scid  }
0x8b: {  	s0 =	sand.u32 $0x1, s1  }
0x8c: {  	s16 =	sshll.u32 s0, $0xA;
	s2 =	sadd.s32 s3, s2  }
0x8d: {  	s2 =	sadd.s32 s2, s16  }
0x8e: {  	[smem:$0x3FBB] =	sst s2  }
0x8f: {  	_ = 	snop  }
0x90: {  	(tm) =	ssettm $0x1  }
0x91: {  	s17 =	sld [smem:$0x3FFB];
	_ =	sdelay $0x3  }
0x92: {  	_ =	strace s17  }
0x93: {  	s2 =	sld [smem:$0x3FFC];
	_ =	sdelay $0x3  }
0x94: {  	_ =	strace s2  }
0x95: {  	s2 =	sld [smem:$0x3FFD];
	_ =	sdelay $0x3  }
0x96: {  	_ =	strace s2  }
0x97: {  	_ =	strace $0x8FFFFFFF  }
0x98: {  	s18 =	sld [smem:$0x3FDB];
	_ =	sdelay $0x1  }
0x99: {  	s19 =	simm.s32 $_scs_section_size  }
0x9a: {  	s4 =	simm.s32 $_size__tile_overlayer_lowered;
	s5 =	simm.s32 $_tile_overlayer_lowered  }
0x9b: {  	s22 =	simm.s32 $0x1BFF;
	s21 =	sshll.u32 s5, $0x1;
	s2 =	sadd.s32 s19, s18  }
0x9c: {  	s6 =	simm.s32 $0x0;
	s20 =	sshll.u32 s4, $0x1;
	s4 =	sadd.s32 s21, s2  }
0x9d: {  	[timem:s6], [sflag:s22] =	dma.local [hbm:s4], s20  }
0x9e: {  	_ =	swait.ge [sflag:s22], s20  }
0x9f: {  	s3 =	ssub.s32 $0x0, s20;
	[sflag:s22] =	ssyncset.done $0x0  }
0xa0: {  	[sflag:s22] =	ssyncadd.s32 s3;
	_ =	sdelay $0x1  }
0xa1: {  	s23 =	simm.s32 $0x1B8B  }
0xa2: {  	_ =	swait.ge [sflag:s23], $0x1  }
0xa3: {  	[sflag:s23] =	ssyncset.done $0x0  }
0xa4: {  	s25 =	simm.s32 $0x1B8E;
	s24 =	sld [smem:$0x3FFE];
	[sflag:s23] =	ssyncadd.s32 $0xFFFFFFFF  }
0xa5: {  	s26 =	simm.s32 $execute0_lowered;
	[smem:$0x3FD2] =	sst s25  }
0xa6: {  	s4 =	sshll.u32 s26, $0x1;
	_ =	strace $0x80000055;
	[dreg:$0x1] =	wrdreg $0xFFFFFFFF  }
0xa7: {  	s28 =	simm.s32 $_size_execute0_lowered;
	s2 =	sadd.s32 s2, s4;
	[dreg:$0x0] =	wrdreg $0x0  }
0xa8: {  	s4 =	sshll.u32 s28, $0x1;
	[dreg:$0x2] =	wrdreg s2  }
0xa9: {  	[dreg:$0x3] =	wrdreg s4  }
0xaa: {  	[dreg:$0x4] =	wrdreg $0xC0  }
0xab: {  	_ =	task [dreg:s6], $0x5FFFF  }
0xac: {  	[dreg:$0x1] =	wrdreg $0xFFFFFFFF  }
0xad: {  	[dreg:$0x0] =	wrdreg $0x60  }
0xae: {  	[dreg:$0x2] =	wrdreg s24  }
0xaf: {  	[dreg:$0x3] =	wrdreg $0x41000  }
0xb0: {  	[dreg:$0x4] =	wrdreg $0x9  }
0xb1: {  	_ =	task.clear_ibuf [dreg:s6], $0x5FFFF;
	_ =	strace $0x90000055  }
0xb2: {  	s29 =	simm.s32 $0x9;
	_ =	strace $0x80000057  }
0xb3: {  	_ =	swait.ge [sflag:s29], $0x1  }
0xb4: {  	[sflag:s29] =	ssyncadd.s32 $0xFFFFFFFF  }
0xb5: {  	_ =	strace $0x90000057  }
0xb6: {  	_ =	sfence  }
0xb7: {  	s30 =	sld [smem:$0x0];
	_ =	sdelay $0x2  }
0xb8: {  	s31 =	sshll.u32 s1, $0xD;
	s1 =	sshrl.u32 s1, $0x2  }
0xb9: {  	s3 =	sand.u32 $0x4000, s31;
	s1 =	sadd.s32 s1, s30  }
0xba: {  	s0 =	sor.u32 s3, s0;
	s1 =	sshll.u32 s1, $0x11  }
0xbb: {  	s0 =	sor.u32 s1, s0  }
0xbc: {  	s0 =	sadd.s32 $0x8F2B, s0  }
0xbd: {  	[sflag:s0] =	ssyncadd.remote.s32 $0x1  }
0xbe: {  	_ =	sfence.sel $0xFFFF  }
0xbf: {  	[dreg:$0x0] =	wrdreg $0xFFFFFFFF;
	(pc) =	sbr.abs _section_cstart, $3  }
0xc0: {  	[dreg:$0x1] =	wrdreg $0xFFFFFFFF  }
0xc1: {  	_ =	task.clear_ibuf [dreg:s6], $0x2FFFF;
	_ =	strace $0x9FFFFFFF  }
0xc2: {  	(tm) =	ssettm $0x7FFFFFFF  }
0xc3: {  	_ =	shalt  }
tec
execute0_lowered:
.L_overlay_start_1:
0x0: {  	(tag) =	ssettag $0x1  }
0x1: {  	s6 =	rddreg [dreg:$0x0];
	s0 =	srdreg.scid  }
0x2: {  	s2 =	rddreg [dreg:$0x1];
	s1 =	stileid.u32;
	s3 =	simm.s32 $0x0  }
0x3: {  	s14 =	simm.s32 $0x100;
	s15 =	simm.s32 $0x1;
	s8 =	smul.u32 $0x14000, s1  }
0x4: {  	s7 =	sand.u32 $0x1, s0;
	s0 =	rddreg [dreg:$0x2];
	s10 =	smul.u32 $0x50000, s1  }
0x5: {  	s16 =	simm.s32 $0x0;
	[smem:$0x7FF] =	sst s3;
	s11 =	smul.u32 $0x4F0, s1  }
0x6: {  	s4 =	sadd.s32 $0x1D600, s6;
	s30 =	sshll.u32 s1, $0x6;
	s5 =	smul.u32 $0x140000, s7  }
0x7: {  	s9 =	smul.u32 $0x4F00, s7;
	_ =	strace $0x80000056;
	s29 =	ssub.s32 $0x2, s7  }
0x8: {  	s7 =	sshrl.u32 s29, $0x1;
	s10 =	sshrl.u32 s10, $0x2;
	s5 =	sadd.s32 s8, s5  }
0x9: {  	s26 =	sadd.s32 s9, s6;
	s12 =	ssub.s32 s29, s7;
	s13 =	sadd.s32 s10, s2  }
0xa: {  	s28 =	sshrl.u32 s5, $0x3;
	s5 =	sadd.s32 $0x1AE00, s6;
	s31 =	sadd.s32 s11, s26  }
0xb: {  	s8 =	smax.u32 s12, $0x1;
	s11 =	sshrl.u32 s13, $0x3;
	s12 =	simm.s32 $0x2  }
0xc: {  	s13 =	simm.s32 $0x80;
	s9 =	sadd.s32 s28, s6;
	s6 =	sor.u32 $0x1C02, s30  }
0xd: {  	s10 =	sadd.s32 $0x7200, s31;
	s7 =	sadd.s32 $0x6BA00, s9;
	s9 =	sadd.s32 $0x11000, s31  }
.LBB2_1:
0xe: {  	[spmem:s11], [sflag:s6] =	dma.local [hbm:s5], $0x2800  }
0xf: {  	_ =	swait.ge [sflag:s12], $0x2800  }
0x10: {  	[sflag:s12] =	ssyncset.done $0x0  }
0x11: {  	[sflag:s12] =	ssyncadd.s32 $0xFFFFD800  }
0x12: {  	s17 =	sadd.s32 $0x0, s10;
	[bflag:$0x0] =	sbarrier.arrive $0xFFFF  }
0x13: {  	[tilespmem:s3], [sflag:$0x2] =	stream.linear.gather [hbm4b:s17+s3], $0x80, $0x38;
	[tilespmem:$0x18100] =	vst v63  }
0x14: {  	_ =	swait.ge [sflag:s12], $0x80  }
0x15: {  	[sflag:s12] =	ssyncset.done $0x0  }
0x16: {  	s31 =	sadd.s32 $0x0, s9;
	[sflag:s12] =	ssyncadd.s32 $0xFFFFFF80  }
0x17: {  	[tilespmem:s13], [sflag:$0x2] =	stream.linear.gather [hbm4b:s31+s3], $0x80, $0x38;
	[tilespmem:$0x18100] =	vst v63  }
0x18: {  	_ =	swait.ge [sflag:s12], $0x80  }
0x19: {  	[sflag:s12] =	ssyncset.done $0x0  }
0x1a: {  	[sflag:s12] =	ssyncadd.s32 $0xFFFFFF80  }
0x1b: {  	[tilespmem:s14], [sflag:$0x1] =	stream.indirect.gather [hbm4b:s4+s13], $0x80, s3, s13, $0xb8;
	[tilespmem:$0x18100] =	vst v63  }
0x1c: {  	_ =	swait.ge [sflag:s15], $0x4000  }
0x1d: {  	[sflag:s15] =	ssyncset.done $0x0  }
0x1e: {  	[sflag:s15] =	ssyncadd.s32 $0xFFFFC000  }
0x1f: {  	[spmem:s2] =	stream.indirect.scatter.add.f32 [tilespmem:s14], [sflag:$0x2], $0x80, s13, s13, $0xb8;
	[tilespmem:$0x18100] =	vst v63  }
0x20: {  	_ =	swait.ge [sflag:s12], $0x4000  }
0x21: {  	s18 =	simm.s32 $0x20;
	s17 =	simm.s32 $0x10;
	[sflag:s12] =	ssyncset.done $0x0  }
.LBB2_2:
0x22: {  	s19 =	sadd.s32 s17, s10  }
0x23: {  	[sflag:s12] =	ssyncadd.s32 $0xFFFFC000;
	s20 =	smov.u32 s18;
	s21 =	sadd.s32 $0x10, s18  }
0x24: {  	[tilespmem:s3], [sflag:$0x2] =	stream.linear.gather [hbm4b:s19+s3], $0x80, $0x38;
	[tilespmem:$0x18100] =	vst v63  }
0x25: {  	p0 =	sne.s32 s18, $0x4E0;
	_ =	swait.ge [sflag:s12], $0x80  }
0x26: {  	[sflag:s12] =	ssyncset.done $0x0  }
0x27: {  	s18 =	sadd.s32 s17, s9;
	s17 =	smov.u32 s20;
	[sflag:s12] =	ssyncadd.s32 $0xFFFFFF80  }
0x28: {  	[tilespmem:s13], [sflag:$0x2] =	stream.linear.gather [hbm4b:s18+s3], $0x80, $0x38;
	[tilespmem:$0x18100] =	vst v63  }
0x29: {  	_ =	swait.ge [sflag:s12], $0x80  }
0x2a: {  	[sflag:s12] =	ssyncset.done $0x0  }
0x2b: {  	[sflag:s12] =	ssyncadd.s32 $0xFFFFFF80  }
0x2c: {  	[tilespmem:s14], [sflag:$0x1] =	stream.indirect.gather [hbm4b:s4+s13], $0x80, s3, s13, $0xb8;
	[tilespmem:$0x18100] =	vst v63  }
0x2d: {  	_ =	swait.ge [sflag:s15], $0x4000  }
.Ltmp0:
0x2e: {  	[sflag:s15] =	ssyncset.done $0x0;
	(pc) =	sbr.rel @p0 .LBB2_2-.Ltmp0, $4  }
0x2f: {  	[sflag:s15] =	ssyncadd.s32 $0xFFFFC000  }
0x30: {  	[spmem:s2] =	stream.indirect.scatter.add.f32 [tilespmem:s14], [sflag:$0x2], $0x80, s13, s13, $0xb8;
	[tilespmem:$0x18100] =	vst v63  }
0x31: {  	_ =	swait.ge [sflag:s12], $0x4000  }
0x32: {  	s18 =	smov.u32 s21;
	[sflag:s12] =	ssyncset.done $0x0  }
0x33: {  	s18 =	sadd.s32 s17, s10;
	[sflag:s12] =	ssyncadd.s32 $0xFFFFC000  }
0x34: {  	[tilespmem:s3], [sflag:$0x2] =	stream.linear.gather [hbm4b:s18+s3], $0x80, $0x38;
	[tilespmem:$0x18100] =	vst v63  }
0x35: {  	_ =	swait.ge [sflag:s12], $0x80  }
0x36: {  	[sflag:s12] =	ssyncset.done $0x0  }
0x37: {  	s31 =	sadd.s32 s17, s9;
	[sflag:s12] =	ssyncadd.s32 $0xFFFFFF80  }
0x38: {  	[tilespmem:s13], [sflag:$0x2] =	stream.linear.gather [hbm4b:s31+s3], $0x80, $0x38;
	[tilespmem:$0x18100] =	vst v63  }
0x39: {  	_ =	swait.ge [sflag:s12], $0x80  }
0x3a: {  	[sflag:s12] =	ssyncset.done $0x0  }
0x3b: {  	[sflag:s12] =	ssyncadd.s32 $0xFFFFFF80  }
0x3c: {  	[tilespmem:s14], [sflag:$0x1] =	stream.indirect.gather [hbm4b:s4+s13], $0x80, s3, s13, $0xb8;
	[tilespmem:$0x18100] =	vst v63  }
0x3d: {  	_ =	swait.ge [sflag:s15], $0x4000  }
0x3e: {  	[sflag:s15] =	ssyncset.done $0x0  }
0x3f: {  	[sflag:s15] =	ssyncadd.s32 $0xFFFFC000  }
0x40: {  	[spmem:s2] =	stream.indirect.scatter.add.f32 [tilespmem:s14], [sflag:$0x2], $0x80, s13, s13, $0xb8;
	[tilespmem:$0x18100] =	vst v63  }
0x41: {  	_ =	swait.ge [sflag:s12], $0x4000  }
0x42: {  	s16 =	sadd.s32 $0x1, s16;
	[sflag:s12] =	ssyncset.done $0x0  }
0x43: {  	p0 =	sne.s32 s16, s8;
	[sflag:s12] =	ssyncadd.s32 $0xFFFFC000  }
.Ltmp1:
0x44: {  	[bflag:$0x0] =	sbarrier.arrive $0xFFFF;
	(pc) =	sbr.rel @p0 .LBB2_1-.Ltmp1, $4  }
0x45: {  	[hbm:s7], [sflag:s6] =	dma.local [spmem:s11], $0x2800  }
0x46: {  	_ =	swait.ge [sflag:s12], $0x2800  }
0x47: {  	[sflag:s12] =	ssyncset.done $0x0  }
0x48: {  	[sflag:s12] =	ssyncadd.s32 $0xFFFFD800  }
0x49: {  	_ =	sfence.sel $0x180000  }
0x4a: {  	[bflag:$0x0] =	sbarrier.arrive $0xFFFF  }
0x4b: {  	p0 =	sne.s32 s1, $0x0;
	_ =	strace $0x90000056  }
0x4c: {  	s0 =	sadd.s32 @!p0 $0x100000, s0;
	[bflag:$0x2] =	sbarrier.arrive $0xFFFF  }
0x4d: {  	[sflag:s0] =	ssyncadd.tile.s32 @!p0 $0x1;
	_ =	shalt  }
.Lfunc_end2:
_tile_overlayer_lowered:
.L_overlay_start_2:
0x4e: {  	(tag) =	ssettag $0x2  }
0x4f: {  	s0 =	rddreg [dreg:$0x0];
	s2 =	stileid.u32  }
0x50: {  	s1 =	rddreg [dreg:$0x1];
	p0 =	sne.s32 s2, $0x0  }
0x51: {  	s3 =	rddreg [dreg:$0x2];
	[bflag:$0x3] =	sbarrier.arrive $0xFFFF;
	s2 =	simm.s32 @!p0 $0x1C02  }
0x52: {  	[timem:s3], [sflag:s2] =	dma.local @!p0 [hbm:s0], s1  }
0x53: {  	s0 =	simm.s32 @!p0 $0x2  }
0x54: {  	_ =	swait.ge @!p0 [sflag:s0], s1  }
0x55: {  	s1 =	ssub.s32 @!p0 $0x0, s1;
	[sflag:s0] =	ssyncset.done @!p0 $0x0  }
0x56: {  	[sflag:s0] =	ssyncadd.s32 @!p0 s1  }
0x57: {  	[bflag:$0x3] =	sbarrier.arrive $0xFFFF  }
0x58: {  	_ =	shalt  }

// kernel: kernel.38.cloned.1.call-start
scs
__scs_entry_jumppad:
0x0: {  	(pc) =	sbr.rel $0x88, $3  }
0x1: {  	(tag) =	ssettag $0x0;
	lr =	simm.s32 $0x1  }
0x2: {  	[smem:$0x3F94] =	sst lr;
	_ =	strace $0xD0000000  }
0x3: {  	_ = 	snop  }
0x4: {  	_ = 	snop  }
0x5: {  	_ = 	snop  }
0x6: {  	_ = 	snop  }
0x7: {  	_ = 	snop  }
__scs_overlays_trampoline_lowered:
0x8: {  	[smem:$0x3FA3] =	sst s0  }
0x9: {  	[smem:$0x3FA4] =	sst s1  }
0xa: {  	[smem:$0x3FA5] =	sst s2  }
0xb: {  	[smem:$0x3FA6] =	sst s3  }
0xc: {  	[smem:$0x3FA7] =	sst s4  }
0xd: {  	[smem:$0x3FA8] =	sst s5  }
0xe: {  	[smem:$0x3FA9] =	sst s6  }
0xf: {  	[smem:$0x3FAA] =	sst s7  }
0x10: {  	[smem:$0x3FAB] =	sst s8  }
0x11: {  	[smem:$0x3FAC] =	sst s9;
	s0 =	simm.s32 @!p0 $0x0  }
0x12: {  	s1 =	sld [smem:$0x3F92];
	s0 =	simm.s32 @p0 $0x1  }
0x13: {  	[smem:$0x3FAD] =	sst s0;
	s0 =	simm.s32 @!p1 $0x0  }
0x14: {  	s2 =	sld [smem:$0x3F91];
	s0 =	simm.s32 @p1 $0x1  }
0x15: {  	[smem:$0x3FAE] =	sst s0;
	s0 =	simm.s32 @!p2 $0x0  }
0x16: {  	s3 =	sld [smem:$0x3FDB];
	s0 =	simm.s32 @p2 $0x1  }
0x17: {  	s4 =	simm.s32 $0x1BF5;
	[smem:$0x3FB0] =	sst s0  }
0x18: {  	s0 =	sld [smem:$0x3F93];
	_ =	swait.ge [sflag:s4], $0x0  }
0x19: {  	s7 =	sld [smem:$0x3F94]  }
0x1a: {  	s8 =	sadd.s32 $0xFFFFE003, lr  }
0x1b: {  	s9 =	sadd.s32 $0xFFFFFEF7, lr;
	s5 =	simm.s32 $0xFFFFFFFF;
	p2 =	slt.u32 s8, $0xFFFFF086  }
0x1c: {  	p1 =	slt.u32 s9, $0xF7A;
	s5 =	simm.s32 @!p2 $0x0  }
0x1d: {  	s5 =	simm.s32 @p1 $0x1;
	p0 =	seq.s32 s7, s2  }
0x1e: {  	s7 =	smul.u32 @!p0 $0xF7A, s2;
	p2 =	seq.s32 @!p0 s5, $0x0  }
0x1f: {  	s9 =	smul.u32 $0xF7A, s1;
	s8 =	simm.s32 @!p0 $0x1BF5;
	p2 =	por !p2, p0  }
0x20: {  	[sflag:s8] =	ssyncset.s32 @!p0 $0xFFFFF086;
	s6 =	sadd.s32 @!p0 s3, s7;
	s7 =	simm.s32 @!p0 $0x108  }
0x21: {  	s3 =	sadd.s32 s3, s9;
	s6 =	sadd.s32 @!p0 $0x88, s6;
	s7 =	simm.s32 @p2 $0x1082  }
0x22: {  	[simem:s7], [sflag:s8] =	dma.local @!p0 [hbm:s6], $0xF7A  }
0x23: {  	s9 =	sor.u32 $0xD0000000, s2;
	s6 =	simm.s32 $0x108;
	_ =	swait.ge @!p0 [sflag:s8], $0x0  }
0x24: {  	s3 =	sadd.s32 $0x88, s3;
	s6 =	simm.s32 @!p1 $0x1082;
	[sflag:s4] =	ssyncset.s32 $0xFFFFF086  }
0x25: {  	[simem:s6], [sflag:s4] =	dma.local [hbm:s3], $0xF7A  }
0x26: {  	[smem:$0x3F94] =	sst s1;
	(tag) =	ssettag s2;
	_ =	strace s9  }
0x27: {  	s1 =	sld [smem:$0x3FA4]  }
0x28: {  	s2 =	sld [smem:$0x3FA5]  }
0x29: {  	s4 =	sld [smem:$0x3FA7]  }
0x2a: {  	p0 =	seq.s32 s5, $0x0;
	s5 =	sld [smem:$0x3FA8]  }
0x2b: {  	s6 =	sld [smem:$0x3FA9]  }
0x2c: {  	s7 =	sld [smem:$0x3FAA]  }
0x2d: {  	s3 =	simm.s32 $0x108;
	s8 =	sld [smem:$0x3FAB]  }
0x2e: {  	s3 =	simm.s32 @!p0 $0x1082;
	s9 =	sld [smem:$0x3FAC]  }
0x2f: {  	lr =	sadd.s32 s0, s3;
	s0 =	sld [smem:$0x3FA3]  }
0x30: {  	s3 =	sld [smem:$0x3FA6]  }
0x31: {  	[smem:$0x3FAF] =	sst s10  }
0x32: {  	s10 =	sld [smem:$0x3FAD];
	_ =	sdelay $0x3  }
0x33: {  	p0 =	seq.s32 s10, $0x1;
	s10 =	sld [smem:$0x3FAF];
	_ =	sdelay $0x3  }
0x34: {  	[smem:$0x3FAF] =	sst s10  }
0x35: {  	s10 =	sld [smem:$0x3FAE];
	_ =	sdelay $0x3  }
0x36: {  	p1 =	seq.s32 s10, $0x1;
	s10 =	sld [smem:$0x3FAF];
	_ =	sdelay $0x3  }
0x37: {  	[smem:$0x3FAF] =	sst s10  }
0x38: {  	s10 =	sld [smem:$0x3FB0]  }
0x39: {  	_ = 	snop;
	(pc) =	sbr.ind lr, $3  }
0x3a: {  	_ = 	snop  }
0x3b: {  	_ = 	snop  }
0x3c: {  	p2 =	seq.s32 s10, $0x1;
	s10 =	sld [smem:$0x3FAF]  }
0x3d: {  	_ =	shalt  }
0x3e: {  	_ =	shalt  }
0x3f: {  	_ =	shalt  }
0x40: {  	_ =	shalt  }
0x41: {  	_ =	shalt  }
0x42: {  	_ =	shalt  }
0x43: {  	_ =	shalt  }
0x44: {  	_ =	shalt  }
0x45: {  	_ =	shalt  }
0x46: {  	_ =	shalt  }
0x47: {  	_ =	shalt  }
0x48: {  	_ =	shalt  }
0x49: {  	_ =	shalt  }
0x4a: {  	_ =	shalt  }
0x4b: {  	_ =	shalt  }
0x4c: {  	_ =	shalt  }
0x4d: {  	_ =	shalt  }
0x4e: {  	_ =	shalt  }
0x4f: {  	_ =	shalt  }
0x50: {  	_ =	shalt  }
0x51: {  	_ =	shalt  }
0x52: {  	_ =	shalt  }
0x53: {  	_ =	shalt  }
0x54: {  	_ =	shalt  }
0x55: {  	_ =	shalt  }
0x56: {  	_ =	shalt  }
0x57: {  	_ =	shalt  }
0x58: {  	_ =	shalt  }
0x59: {  	_ =	shalt  }
0x5a: {  	_ =	shalt  }
0x5b: {  	_ =	shalt  }
0x5c: {  	_ =	shalt  }
0x5d: {  	_ =	shalt  }
0x5e: {  	_ =	shalt  }
0x5f: {  	_ =	shalt  }
0x60: {  	_ =	shalt  }
0x61: {  	_ =	shalt  }
0x62: {  	_ =	shalt  }
0x63: {  	_ =	shalt  }
0x64: {  	_ =	shalt  }
0x65: {  	_ =	shalt  }
0x66: {  	_ =	shalt  }
0x67: {  	_ =	shalt  }
0x68: {  	_ =	shalt  }
0x69: {  	_ =	shalt  }
0x6a: {  	_ =	shalt  }
0x6b: {  	_ =	shalt  }
0x6c: {  	_ =	shalt  }
0x6d: {  	_ =	shalt  }
0x6e: {  	_ =	shalt  }
0x6f: {  	_ =	shalt  }
0x70: {  	_ =	shalt  }
0x71: {  	_ =	shalt  }
0x72: {  	_ =	shalt  }
0x73: {  	_ =	shalt  }
0x74: {  	_ =	shalt  }
0x75: {  	_ =	shalt  }
0x76: {  	_ =	shalt  }
0x77: {  	_ =	shalt  }
0x78: {  	_ =	shalt  }
0x79: {  	_ =	shalt  }
0x7a: {  	_ =	shalt  }
0x7b: {  	_ =	shalt  }
0x7c: {  	_ =	shalt  }
0x7d: {  	_ =	shalt  }
0x7e: {  	_ =	shalt  }
0x7f: {  	_ =	shalt  }
0x80: {  	_ =	shalt  }
0x81: {  	_ =	shalt  }
0x82: {  	_ =	shalt  }
0x83: {  	_ =	shalt  }
0x84: {  	_ =	shalt  }
0x85: {  	_ =	shalt  }
0x86: {  	_ =	shalt  }
0x87: {  	_ =	shalt  }
.Lfunc_end0:
.L_simem_size_0:
called_computation.6_lowered:
.L_overlay_start_0:
0x88: {  	s2 =	sld [smem:$0x3FD9]  }
0x89: {  	s3 =	sld [smem:$0x3FFE];
	_ =	sdelay $0x1  }
0x8a: {  	s1 =	srdreg.scid  }
0x8b: {  	s0 =	sand.u32 $0x1, s1  }
0x8c: {  	s16 =	sshll.u32 s0, $0xA;
	s2 =	sadd.s32 s3, s2  }
0x8d: {  	s2 =	sadd.s32 s2, s16  }
0x8e: {  	[smem:$0x3FBB] =	sst s2  }
0x8f: {  	_ = 	snop  }
0x90: {  	(tm) =	ssettm $0x1  }
0x91: {  	s17 =	sld [smem:$0x3FFB];
	_ =	sdelay $0x3  }
0x92: {  	_ =	strace s17  }
0x93: {  	s2 =	sld [smem:$0x3FFC];
	_ =	sdelay $0x3  }
0x94: {  	_ =	strace s2  }
0x95: {  	s2 =	sld [smem:$0x3FFD];
	_ =	sdelay $0x3  }
0x96: {  	_ =	strace s2  }
0x97: {  	_ =	strace $0x8FFFFFFF  }
0x98: {  	s18 =	sld [smem:$0x3FDB];
	_ =	sdelay $0x1  }
0x99: {  	s19 =	simm.s32 $_scs_section_size  }
0x9a: {  	s4 =	simm.s32 $_size__tile_overlayer_lowered;
	s5 =	simm.s32 $_tile_overlayer_lowered  }
0x9b: {  	s22 =	simm.s32 $0x1BFF;
	s21 =	sshll.u32 s5, $0x1;
	s2 =	sadd.s32 s19, s18  }
0x9c: {  	s6 =	simm.s32 $0x0;
	s20 =	sshll.u32 s4, $0x1;
	s4 =	sadd.s32 s21, s2  }
0x9d: {  	[timem:s6], [sflag:s22] =	dma.local [hbm:s4], s20  }
0x9e: {  	_ =	swait.ge [sflag:s22], s20  }
0x9f: {  	s3 =	ssub.s32 $0x0, s20;
	[sflag:s22] =	ssyncset.done $0x0  }
0xa0: {  	[sflag:s22] =	ssyncadd.s32 s3;
	_ =	sdelay $0x1  }
0xa1: {  	s23 =	simm.s32 $0x1B8B  }
0xa2: {  	_ =	swait.ge [sflag:s23], $0x1  }
0xa3: {  	[sflag:s23] =	ssyncset.done $0x0  }
0xa4: {  	s25 =	simm.s32 $0x1B8E;
	s24 =	sld [smem:$0x3FFE];
	[sflag:s23] =	ssyncadd.s32 $0xFFFFFFFF  }
0xa5: {  	s26 =	simm.s32 $execute0_lowered;
	[smem:$0x3FD2] =	sst s25  }
0xa6: {  	s4 =	sshll.u32 s26, $0x1;
	_ =	strace $0x80000058;
	[dreg:$0x1] =	wrdreg $0xFFFFFFFF  }
0xa7: {  	s28 =	simm.s32 $_size_execute0_lowered;
	s2 =	sadd.s32 s2, s4;
	[dreg:$0x0] =	wrdreg $0x0  }
0xa8: {  	s4 =	sshll.u32 s28, $0x1;
	[dreg:$0x2] =	wrdreg s2  }
0xa9: {  	[dreg:$0x3] =	wrdreg s4  }
0xaa: {  	[dreg:$0x4] =	wrdreg $0xC0  }
0xab: {  	_ =	task [dreg:s6], $0x5FFFF  }
0xac: {  	[dreg:$0x1] =	wrdreg $0xFFFFFFFF  }
0xad: {  	[dreg:$0x0] =	wrdreg $0x60  }
0xae: {  	[dreg:$0x2] =	wrdreg s24  }
0xaf: {  	[dreg:$0x3] =	wrdreg $0x41000  }
0xb0: {  	[dreg:$0x4] =	wrdreg $0x9  }
0xb1: {  	_ =	task.clear_ibuf [dreg:s6], $0x5FFFF;
	_ =	strace $0x90000058  }
0xb2: {  	s29 =	simm.s32 $0x9;
	_ =	strace $0x8000005A  }
0xb3: {  	_ =	swait.ge [sflag:s29], $0x1  }
0xb4: {  	[sflag:s29] =	ssyncadd.s32 $0xFFFFFFFF  }
0xb5: {  	_ =	strace $0x9000005A  }
0xb6: {  	_ =	sfence  }
0xb7: {  	s30 =	sld [smem:$0x0];
	_ =	sdelay $0x2  }
0xb8: {  	s31 =	sshll.u32 s1, $0xD;
	s1 =	sshrl.u32 s1, $0x2  }
0xb9: {  	s3 =	sand.u32 $0x4000, s31;
	s1 =	sadd.s32 s1, s30  }
0xba: {  	s0 =	sor.u32 s3, s0;
	s1 =	sshll.u32 s1, $0x11  }
0xbb: {  	s0 =	sor.u32 s1, s0  }
0xbc: {  	s0 =	sadd.s32 $0x8F2B, s0  }
0xbd: {  	[sflag:s0] =	ssyncadd.remote.s32 $0x1  }
0xbe: {  	_ =	sfence.sel $0xFFFF  }
0xbf: {  	[dreg:$0x0] =	wrdreg $0xFFFFFFFF;
	(pc) =	sbr.abs _section_cstart, $3  }
0xc0: {  	[dreg:$0x1] =	wrdreg $0xFFFFFFFF  }
0xc1: {  	_ =	task.clear_ibuf [dreg:s6], $0x2FFFF;
	_ =	strace $0x9FFFFFFF  }
0xc2: {  	(tm) =	ssettm $0x7FFFFFFF  }
0xc3: {  	_ =	shalt  }
tec
execute0_lowered:
.L_overlay_start_1:
0x0: {  	(tag) =	ssettag $0x1  }
0x1: {  	s6 =	rddreg [dreg:$0x0];
	s0 =	srdreg.scid  }
0x2: {  	s2 =	rddreg [dreg:$0x1];
	s1 =	stileid.u32;
	s3 =	simm.s32 $0x0  }
0x3: {  	s14 =	simm.s32 $0x100;
	s15 =	simm.s32 $0x1;
	s8 =	smul.u32 $0x14000, s1  }
0x4: {  	s7 =	sand.u32 $0x1, s0;
	s0 =	rddreg [dreg:$0x2];
	s10 =	smul.u32 $0x50000, s1  }
0x5: {  	s16 =	simm.s32 $0x0;
	[smem:$0x7FF] =	sst s3;
	s11 =	smul.u32 $0x4F0, s1  }
0x6: {  	s4 =	sadd.s32 $0x1D600, s6;
	s30 =	sshll.u32 s1, $0x6;
	s5 =	smul.u32 $0x140000, s7  }
0x7: {  	s9 =	smul.u32 $0x4F00, s7;
	_ =	strace $0x80000059;
	s29 =	ssub.s32 $0x2, s7  }
0x8: {  	s7 =	sshrl.u32 s29, $0x1;
	s10 =	sshrl.u32 s10, $0x2;
	s5 =	sadd.s32 s8, s5  }
0x9: {  	s26 =	sadd.s32 s9, s6;
	s12 =	ssub.s32 s29, s7;
	s13 =	sadd.s32 s10, s2  }
0xa: {  	s28 =	sshrl.u32 s5, $0x3;
	s5 =	sadd.s32 $0x1AE00, s6;
	s31 =	sadd.s32 s11, s26  }
0xb: {  	s8 =	smax.u32 s12, $0x1;
	s11 =	sshrl.u32 s13, $0x3;
	s12 =	simm.s32 $0x2  }
0xc: {  	s13 =	simm.s32 $0x80;
	s9 =	sadd.s32 s28, s6;
	s6 =	sor.u32 $0x1C02, s30  }
0xd: {  	s10 =	sadd.s32 $0x7200, s31;
	s7 =	sadd.s32 $0x6BA00, s9;
	s9 =	sadd.s32 $0x11000, s31  }
.LBB2_1:
0xe: {  	[spmem:s11], [sflag:s6] =	dma.local [hbm:s5], $0x2800  }
0xf: {  	_ =	swait.ge [sflag:s12], $0x2800  }
0x10: {  	[sflag:s12] =	ssyncset.done $0x0  }
0x11: {  	[sflag:s12] =	ssyncadd.s32 $0xFFFFD800  }
0x12: {  	s17 =	sadd.s32 $0x0, s10;
	[bflag:$0x0] =	sbarrier.arrive $0xFFFF  }
0x13: {  	[tilespmem:s3], [sflag:$0x2] =	stream.linear.gather [hbm4b:s17+s3], $0x80, $0x38;
	[tilespmem:$0x18100] =	vst v63  }
0x14: {  	_ =	swait.ge [sflag:s12], $0x80  }
0x15: {  	[sflag:s12] =	ssyncset.done $0x0  }
0x16: {  	s31 =	sadd.s32 $0x0, s9;
	[sflag:s12] =	ssyncadd.s32 $0xFFFFFF80  }
0x17: {  	[tilespmem:s13], [sflag:$0x2] =	stream.linear.gather [hbm4b:s31+s3], $0x80, $0x38;
	[tilespmem:$0x18100] =	vst v63  }
0x18: {  	_ =	swait.ge [sflag:s12], $0x80  }
0x19: {  	[sflag:s12] =	ssyncset.done $0x0  }
0x1a: {  	[sflag:s12] =	ssyncadd.s32 $0xFFFFFF80  }
0x1b: {  	[tilespmem:s14], [sflag:$0x1] =	stream.indirect.gather [hbm4b:s4+s13], $0x80, s3, s13, $0xb8;
	[tilespmem:$0x18100] =	vst v63  }
0x1c: {  	_ =	swait.ge [sflag:s15], $0x4000  }
0x1d: {  	[sflag:s15] =	ssyncset.done $0x0  }
0x1e: {  	[sflag:s15] =	ssyncadd.s32 $0xFFFFC000  }
0x1f: {  	[spmem:s2] =	stream.indirect.scatter.add.f32 [tilespmem:s14], [sflag:$0x2], $0x80, s13, s13, $0xb8;
	[tilespmem:$0x18100] =	vst v63  }
0x20: {  	_ =	swait.ge [sflag:s12], $0x4000  }
0x21: {  	s18 =	simm.s32 $0x20;
	s17 =	simm.s32 $0x10;
	[sflag:s12] =	ssyncset.done $0x0  }
.LBB2_2:
0x22: {  	s19 =	sadd.s32 s17, s10  }
0x23: {  	[sflag:s12] =	ssyncadd.s32 $0xFFFFC000;
	s20 =	smov.u32 s18;
	s21 =	sadd.s32 $0x10, s18  }
0x24: {  	[tilespmem:s3], [sflag:$0x2] =	stream.linear.gather [hbm4b:s19+s3], $0x80, $0x38;
	[tilespmem:$0x18100] =	vst v63  }
0x25: {  	p0 =	sne.s32 s18, $0x4E0;
	_ =	swait.ge [sflag:s12], $0x80  }
0x26: {  	[sflag:s12] =	ssyncset.done $0x0  }
0x27: {  	s18 =	sadd.s32 s17, s9;
	s17 =	smov.u32 s20;
	[sflag:s12] =	ssyncadd.s32 $0xFFFFFF80  }
0x28: {  	[tilespmem:s13], [sflag:$0x2] =	stream.linear.gather [hbm4b:s18+s3], $0x80, $0x38;
	[tilespmem:$0x18100] =	vst v63  }
0x29: {  	_ =	swait.ge [sflag:s12], $0x80  }
0x2a: {  	[sflag:s12] =	ssyncset.done $0x0  }
0x2b: {  	[sflag:s12] =	ssyncadd.s32 $0xFFFFFF80  }
0x2c: {  	[tilespmem:s14], [sflag:$0x1] =	stream.indirect.gather [hbm4b:s4+s13], $0x80, s3, s13, $0xb8;
	[tilespmem:$0x18100] =	vst v63  }
0x2d: {  	_ =	swait.ge [sflag:s15], $0x4000  }
.Ltmp0:
0x2e: {  	[sflag:s15] =	ssyncset.done $0x0;
	(pc) =	sbr.rel @p0 .LBB2_2-.Ltmp0, $4  }
0x2f: {  	[sflag:s15] =	ssyncadd.s32 $0xFFFFC000  }
0x30: {  	[spmem:s2] =	stream.indirect.scatter.add.f32 [tilespmem:s14], [sflag:$0x2], $0x80, s13, s13, $0xb8;
	[tilespmem:$0x18100] =	vst v63  }
0x31: {  	_ =	swait.ge [sflag:s12], $0x4000  }
0x32: {  	s18 =	smov.u32 s21;
	[sflag:s12] =	ssyncset.done $0x0  }
0x33: {  	s18 =	sadd.s32 s17, s10;
	[sflag:s12] =	ssyncadd.s32 $0xFFFFC000  }
0x34: {  	[tilespmem:s3], [sflag:$0x2] =	stream.linear.gather [hbm4b:s18+s3], $0x80, $0x38;
	[tilespmem:$0x18100] =	vst v63  }
0x35: {  	_ =	swait.ge [sflag:s12], $0x80  }
0x36: {  	[sflag:s12] =	ssyncset.done $0x0  }
0x37: {  	s31 =	sadd.s32 s17, s9;
	[sflag:s12] =	ssyncadd.s32 $0xFFFFFF80  }
0x38: {  	[tilespmem:s13], [sflag:$0x2] =	stream.linear.gather [hbm4b:s31+s3], $0x80, $0x38;
	[tilespmem:$0x18100] =	vst v63  }
0x39: {  	_ =	swait.ge [sflag:s12], $0x80  }
0x3a: {  	[sflag:s12] =	ssyncset.done $0x0  }
0x3b: {  	[sflag:s12] =	ssyncadd.s32 $0xFFFFFF80  }
0x3c: {  	[tilespmem:s14], [sflag:$0x1] =	stream.indirect.gather [hbm4b:s4+s13], $0x80, s3, s13, $0xb8;
	[tilespmem:$0x18100] =	vst v63  }
0x3d: {  	_ =	swait.ge [sflag:s15], $0x4000  }
0x3e: {  	[sflag:s15] =	ssyncset.done $0x0  }
0x3f: {  	[sflag:s15] =	ssyncadd.s32 $0xFFFFC000  }
0x40: {  	[spmem:s2] =	stream.indirect.scatter.add.f32 [tilespmem:s14], [sflag:$0x2], $0x80, s13, s13, $0xb8;
	[tilespmem:$0x18100] =	vst v63  }
0x41: {  	_ =	swait.ge [sflag:s12], $0x4000  }
0x42: {  	s16 =	sadd.s32 $0x1, s16;
	[sflag:s12] =	ssyncset.done $0x0  }
0x43: {  	p0 =	sne.s32 s16, s8;
	[sflag:s12] =	ssyncadd.s32 $0xFFFFC000  }
.Ltmp1:
0x44: {  	[bflag:$0x0] =	sbarrier.arrive $0xFFFF;
	(pc) =	sbr.rel @p0 .LBB2_1-.Ltmp1, $4  }
0x45: {  	[hbm:s7], [sflag:s6] =	dma.local [spmem:s11], $0x2800  }
0x46: {  	_ =	swait.ge [sflag:s12], $0x2800  }
0x47: {  	[sflag:s12] =	ssyncset.done $0x0  }
0x48: {  	[sflag:s12] =	ssyncadd.s32 $0xFFFFD800  }
0x49: {  	_ =	sfence.sel $0x180000  }
0x4a: {  	[bflag:$0x0] =	sbarrier.arrive $0xFFFF  }
0x4b: {  	p0 =	sne.s32 s1, $0x0;
	_ =	strace $0x90000059  }
0x4c: {  	s0 =	sadd.s32 @!p0 $0x100000, s0;
	[bflag:$0x2] =	sbarrier.arrive $0xFFFF  }
0x4d: {  	[sflag:s0] =	ssyncadd.tile.s32 @!p0 $0x1;
	_ =	shalt  }
.Lfunc_end2:
_tile_overlayer_lowered:
.L_overlay_start_2:
0x4e: {  	(tag) =	ssettag $0x2  }
0x4f: {  	s0 =	rddreg [dreg:$0x0];
	s2 =	stileid.u32  }
0x50: {  	s1 =	rddreg [dreg:$0x1];
	p0 =	sne.s32 s2, $0x0  }
0x51: {  	s3 =	rddreg [dreg:$0x2];
	[bflag:$0x3] =	sbarrier.arrive $0xFFFF;
	s2 =	simm.s32 @!p0 $0x1C02  }
0x52: {  	[timem:s3], [sflag:s2] =	dma.local @!p0 [hbm:s0], s1  }
0x53: {  	s0 =	simm.s32 @!p0 $0x2  }
0x54: {  	_ =	swait.ge @!p0 [sflag:s0], s1  }
0x55: {  	s1 =	ssub.s32 @!p0 $0x0, s1;
	[sflag:s0] =	ssyncset.done @!p0 $0x0  }
0x56: {  	[sflag:s0] =	ssyncadd.s32 @!p0 s1  }
0x57: {  	[bflag:$0x3] =	sbarrier.arrive $0xFFFF  }
0x58: {  	_ =	shalt  }

// kernel: kernel.41.cloned.1.call-start
scs
__scs_entry_jumppad:
0x0: {  	(pc) =	sbr.rel $0x88, $3  }
0x1: {  	(tag) =	ssettag $0x0;
	lr =	simm.s32 $0x1  }
0x2: {  	[smem:$0x3F94] =	sst lr;
	_ =	strace $0xD0000000  }
0x3: {  	_ = 	snop  }
0x4: {  	_ = 	snop  }
0x5: {  	_ = 	snop  }
0x6: {  	_ = 	snop  }
0x7: {  	_ = 	snop  }
__scs_overlays_trampoline_lowered:
0x8: {  	[smem:$0x3FA3] =	sst s0  }
0x9: {  	[smem:$0x3FA4] =	sst s1  }
0xa: {  	[smem:$0x3FA5] =	sst s2  }
0xb: {  	[smem:$0x3FA6] =	sst s3  }
0xc: {  	[smem:$0x3FA7] =	sst s4  }
0xd: {  	[smem:$0x3FA8] =	sst s5  }
0xe: {  	[smem:$0x3FA9] =	sst s6  }
0xf: {  	[smem:$0x3FAA] =	sst s7  }
0x10: {  	[smem:$0x3FAB] =	sst s8  }
0x11: {  	[smem:$0x3FAC] =	sst s9;
	s0 =	simm.s32 @!p0 $0x0  }
0x12: {  	s1 =	sld [smem:$0x3F92];
	s0 =	simm.s32 @p0 $0x1  }
0x13: {  	[smem:$0x3FAD] =	sst s0;
	s0 =	simm.s32 @!p1 $0x0  }
0x14: {  	s2 =	sld [smem:$0x3F91];
	s0 =	simm.s32 @p1 $0x1  }
0x15: {  	[smem:$0x3FAE] =	sst s0;
	s0 =	simm.s32 @!p2 $0x0  }
0x16: {  	s3 =	sld [smem:$0x3FDB];
	s0 =	simm.s32 @p2 $0x1  }
0x17: {  	s4 =	simm.s32 $0x1BF5;
	[smem:$0x3FB0] =	sst s0  }
0x18: {  	s0 =	sld [smem:$0x3F93];
	_ =	swait.ge [sflag:s4], $0x0  }
0x19: {  	s7 =	sld [smem:$0x3F94]  }
0x1a: {  	s8 =	sadd.s32 $0xFFFFE003, lr  }
0x1b: {  	s9 =	sadd.s32 $0xFFFFFEF7, lr;
	s5 =	simm.s32 $0xFFFFFFFF;
	p2 =	slt.u32 s8, $0xFFFFF086  }
0x1c: {  	p1 =	slt.u32 s9, $0xF7A;
	s5 =	simm.s32 @!p2 $0x0  }
0x1d: {  	s5 =	simm.s32 @p1 $0x1;
	p0 =	seq.s32 s7, s2  }
0x1e: {  	s7 =	smul.u32 @!p0 $0xF7A, s2;
	p2 =	seq.s32 @!p0 s5, $0x0  }
0x1f: {  	s9 =	smul.u32 $0xF7A, s1;
	s8 =	simm.s32 @!p0 $0x1BF5;
	p2 =	por !p2, p0  }
0x20: {  	[sflag:s8] =	ssyncset.s32 @!p0 $0xFFFFF086;
	s6 =	sadd.s32 @!p0 s3, s7;
	s7 =	simm.s32 @!p0 $0x108  }
0x21: {  	s3 =	sadd.s32 s3, s9;
	s6 =	sadd.s32 @!p0 $0x88, s6;
	s7 =	simm.s32 @p2 $0x1082  }
0x22: {  	[simem:s7], [sflag:s8] =	dma.local @!p0 [hbm:s6], $0xF7A  }
0x23: {  	s9 =	sor.u32 $0xD0000000, s2;
	s6 =	simm.s32 $0x108;
	_ =	swait.ge @!p0 [sflag:s8], $0x0  }
0x24: {  	s3 =	sadd.s32 $0x88, s3;
	s6 =	simm.s32 @!p1 $0x1082;
	[sflag:s4] =	ssyncset.s32 $0xFFFFF086  }
0x25: {  	[simem:s6], [sflag:s4] =	dma.local [hbm:s3], $0xF7A  }
0x26: {  	[smem:$0x3F94] =	sst s1;
	(tag) =	ssettag s2;
	_ =	strace s9  }
0x27: {  	s1 =	sld [smem:$0x3FA4]  }
0x28: {  	s2 =	sld [smem:$0x3FA5]  }
0x29: {  	s4 =	sld [smem:$0x3FA7]  }
0x2a: {  	p0 =	seq.s32 s5, $0x0;
	s5 =	sld [smem:$0x3FA8]  }
0x2b: {  	s6 =	sld [smem:$0x3FA9]  }
0x2c: {  	s7 =	sld [smem:$0x3FAA]  }
0x2d: {  	s3 =	simm.s32 $0x108;
	s8 =	sld [smem:$0x3FAB]  }
0x2e: {  	s3 =	simm.s32 @!p0 $0x1082;
	s9 =	sld [smem:$0x3FAC]  }
0x2f: {  	lr =	sadd.s32 s0, s3;
	s0 =	sld [smem:$0x3FA3]  }
0x30: {  	s3 =	sld [smem:$0x3FA6]  }
0x31: {  	[smem:$0x3FAF] =	sst s10  }
0x32: {  	s10 =	sld [smem:$0x3FAD];
	_ =	sdelay $0x3  }
0x33: {  	p0 =	seq.s32 s10, $0x1;
	s10 =	sld [smem:$0x3FAF];
	_ =	sdelay $0x3  }
0x34: {  	[smem:$0x3FAF] =	sst s10  }
0x35: {  	s10 =	sld [smem:$0x3FAE];
	_ =	sdelay $0x3  }
0x36: {  	p1 =	seq.s32 s10, $0x1;
	s10 =	sld [smem:$0x3FAF];
	_ =	sdelay $0x3  }
0x37: {  	[smem:$0x3FAF] =	sst s10  }
0x38: {  	s10 =	sld [smem:$0x3FB0]  }
0x39: {  	_ = 	snop;
	(pc) =	sbr.ind lr, $3  }
0x3a: {  	_ = 	snop  }
0x3b: {  	_ = 	snop  }
0x3c: {  	p2 =	seq.s32 s10, $0x1;
	s10 =	sld [smem:$0x3FAF]  }
0x3d: {  	_ =	shalt  }
0x3e: {  	_ =	shalt  }
0x3f: {  	_ =	shalt  }
0x40: {  	_ =	shalt  }
0x41: {  	_ =	shalt  }
0x42: {  	_ =	shalt  }
0x43: {  	_ =	shalt  }
0x44: {  	_ =	shalt  }
0x45: {  	_ =	shalt  }
0x46: {  	_ =	shalt  }
0x47: {  	_ =	shalt  }
0x48: {  	_ =	shalt  }
0x49: {  	_ =	shalt  }
0x4a: {  	_ =	shalt  }
0x4b: {  	_ =	shalt  }
0x4c: {  	_ =	shalt  }
0x4d: {  	_ =	shalt  }
0x4e: {  	_ =	shalt  }
0x4f: {  	_ =	shalt  }
0x50: {  	_ =	shalt  }
0x51: {  	_ =	shalt  }
0x52: {  	_ =	shalt  }
0x53: {  	_ =	shalt  }
0x54: {  	_ =	shalt  }
0x55: {  	_ =	shalt  }
0x56: {  	_ =	shalt  }
0x57: {  	_ =	shalt  }
0x58: {  	_ =	shalt  }
0x59: {  	_ =	shalt  }
0x5a: {  	_ =	shalt  }
0x5b: {  	_ =	shalt  }
0x5c: {  	_ =	shalt  }
0x5d: {  	_ =	shalt  }
0x5e: {  	_ =	shalt  }
0x5f: {  	_ =	shalt  }
0x60: {  	_ =	shalt  }
0x61: {  	_ =	shalt  }
0x62: {  	_ =	shalt  }
0x63: {  	_ =	shalt  }
0x64: {  	_ =	shalt  }
0x65: {  	_ =	shalt  }
0x66: {  	_ =	shalt  }
0x67: {  	_ =	shalt  }
0x68: {  	_ =	shalt  }
0x69: {  	_ =	shalt  }
0x6a: {  	_ =	shalt  }
0x6b: {  	_ =	shalt  }
0x6c: {  	_ =	shalt  }
0x6d: {  	_ =	shalt  }
0x6e: {  	_ =	shalt  }
0x6f: {  	_ =	shalt  }
0x70: {  	_ =	shalt  }
0x71: {  	_ =	shalt  }
0x72: {  	_ =	shalt  }
0x73: {  	_ =	shalt  }
0x74: {  	_ =	shalt  }
0x75: {  	_ =	shalt  }
0x76: {  	_ =	shalt  }
0x77: {  	_ =	shalt  }
0x78: {  	_ =	shalt  }
0x79: {  	_ =	shalt  }
0x7a: {  	_ =	shalt  }
0x7b: {  	_ =	shalt  }
0x7c: {  	_ =	shalt  }
0x7d: {  	_ =	shalt  }
0x7e: {  	_ =	shalt  }
0x7f: {  	_ =	shalt  }
0x80: {  	_ =	shalt  }
0x81: {  	_ =	shalt  }
0x82: {  	_ =	shalt  }
0x83: {  	_ =	shalt  }
0x84: {  	_ =	shalt  }
0x85: {  	_ =	shalt  }
0x86: {  	_ =	shalt  }
0x87: {  	_ =	shalt  }
.Lfunc_end0:
.L_simem_size_0:
called_computation.7_lowered:
.L_overlay_start_0:
0x88: {  	s2 =	sld [smem:$0x3FD9]  }
0x89: {  	s3 =	sld [smem:$0x3FFE];
	_ =	sdelay $0x1  }
0x8a: {  	s1 =	srdreg.scid  }
0x8b: {  	s0 =	sand.u32 $0x1, s1  }
0x8c: {  	s16 =	sshll.u32 s0, $0xA;
	s2 =	sadd.s32 s3, s2  }
0x8d: {  	s2 =	sadd.s32 s2, s16  }
0x8e: {  	[smem:$0x3FBB] =	sst s2  }
0x8f: {  	_ = 	snop  }
0x90: {  	(tm) =	ssettm $0x1  }
0x91: {  	s17 =	sld [smem:$0x3FFB];
	_ =	sdelay $0x3  }
0x92: {  	_ =	strace s17  }
0x93: {  	s2 =	sld [smem:$0x3FFC];
	_ =	sdelay $0x3  }
0x94: {  	_ =	strace s2  }
0x95: {  	s2 =	sld [smem:$0x3FFD];
	_ =	sdelay $0x3  }
0x96: {  	_ =	strace s2  }
0x97: {  	_ =	strace $0x8FFFFFFF  }
0x98: {  	s18 =	sld [smem:$0x3FDB];
	_ =	sdelay $0x1  }
0x99: {  	s19 =	simm.s32 $_scs_section_size  }
0x9a: {  	s4 =	simm.s32 $_size__tile_overlayer_lowered;
	s5 =	simm.s32 $_tile_overlayer_lowered  }
0x9b: {  	s22 =	simm.s32 $0x1BFF;
	s21 =	sshll.u32 s5, $0x1;
	s2 =	sadd.s32 s19, s18  }
0x9c: {  	s6 =	simm.s32 $0x0;
	s20 =	sshll.u32 s4, $0x1;
	s4 =	sadd.s32 s21, s2  }
0x9d: {  	[timem:s6], [sflag:s22] =	dma.local [hbm:s4], s20  }
0x9e: {  	_ =	swait.ge [sflag:s22], s20  }
0x9f: {  	s3 =	ssub.s32 $0x0, s20;
	[sflag:s22] =	ssyncset.done $0x0  }
0xa0: {  	[sflag:s22] =	ssyncadd.s32 s3;
	_ =	sdelay $0x1  }
0xa1: {  	s23 =	simm.s32 $0x1B8B  }
0xa2: {  	_ =	swait.ge [sflag:s23], $0x1  }
0xa3: {  	[sflag:s23] =	ssyncset.done $0x0  }
0xa4: {  	s25 =	simm.s32 $0x1B8E;
	s24 =	sld [smem:$0x3FFE];
	[sflag:s23] =	ssyncadd.s32 $0xFFFFFFFF  }
0xa5: {  	s26 =	simm.s32 $execute0_lowered;
	[smem:$0x3FD2] =	sst s25  }
0xa6: {  	s4 =	sshll.u32 s26, $0x1;
	_ =	strace $0x8000005B;
	[dreg:$0x1] =	wrdreg $0xFFFFFFFF  }
0xa7: {  	s28 =	simm.s32 $_size_execute0_lowered;
	s2 =	sadd.s32 s2, s4;
	[dreg:$0x0] =	wrdreg $0x0  }
0xa8: {  	s4 =	sshll.u32 s28, $0x1;
	[dreg:$0x2] =	wrdreg s2  }
0xa9: {  	[dreg:$0x3] =	wrdreg s4  }
0xaa: {  	[dreg:$0x4] =	wrdreg $0xC0  }
0xab: {  	_ =	task [dreg:s6], $0x5FFFF  }
0xac: {  	[dreg:$0x1] =	wrdreg $0xFFFFFFFF  }
0xad: {  	[dreg:$0x0] =	wrdreg $0x60  }
0xae: {  	[dreg:$0x2] =	wrdreg s24  }
0xaf: {  	[dreg:$0x3] =	wrdreg $0x41000  }
0xb0: {  	[dreg:$0x4] =	wrdreg $0x9  }
0xb1: {  	_ =	task.clear_ibuf [dreg:s6], $0x5FFFF;
	_ =	strace $0x9000005B  }
0xb2: {  	s29 =	simm.s32 $0x9;
	_ =	strace $0x8000005D  }
0xb3: {  	_ =	swait.ge [sflag:s29], $0x1  }
0xb4: {  	[sflag:s29] =	ssyncadd.s32 $0xFFFFFFFF  }
0xb5: {  	_ =	strace $0x9000005D  }
0xb6: {  	_ =	sfence  }
0xb7: {  	s30 =	sld [smem:$0x0];
	_ =	sdelay $0x2  }
0xb8: {  	s31 =	sshll.u32 s1, $0xD;
	s1 =	sshrl.u32 s1, $0x2  }
0xb9: {  	s3 =	sand.u32 $0x4000, s31;
	s1 =	sadd.s32 s1, s30  }
0xba: {  	s0 =	sor.u32 s3, s0;
	s1 =	sshll.u32 s1, $0x11  }
0xbb: {  	s0 =	sor.u32 s1, s0  }
0xbc: {  	s0 =	sadd.s32 $0x8F2B, s0  }
0xbd: {  	[sflag:s0] =	ssyncadd.remote.s32 $0x1  }
0xbe: {  	_ =	sfence.sel $0xFFFF  }
0xbf: {  	[dreg:$0x0] =	wrdreg $0xFFFFFFFF;
	(pc) =	sbr.abs _section_cstart, $3  }
0xc0: {  	[dreg:$0x1] =	wrdreg $0xFFFFFFFF  }
0xc1: {  	_ =	task.clear_ibuf [dreg:s6], $0x2FFFF;
	_ =	strace $0x9FFFFFFF  }
0xc2: {  	(tm) =	ssettm $0x7FFFFFFF  }
0xc3: {  	_ =	shalt  }
tec
execute0_lowered:
.L_overlay_start_1:
0x0: {  	(tag) =	ssettag $0x1  }
0x1: {  	s6 =	rddreg [dreg:$0x0];
	s0 =	srdreg.scid  }
0x2: {  	s2 =	rddreg [dreg:$0x1];
	s1 =	stileid.u32;
	s3 =	simm.s32 $0x0  }
0x3: {  	s14 =	simm.s32 $0x100;
	s15 =	simm.s32 $0x1;
	s8 =	smul.u32 $0x14000, s1  }
0x4: {  	s7 =	sand.u32 $0x1, s0;
	s0 =	rddreg [dreg:$0x2];
	s10 =	smul.u32 $0x50000, s1  }
0x5: {  	s16 =	simm.s32 $0x0;
	[smem:$0x7FF] =	sst s3;
	s11 =	smul.u32 $0x4F0, s1  }
0x6: {  	s4 =	sadd.s32 $0x1D600, s6;
	s30 =	sshll.u32 s1, $0x6;
	s5 =	smul.u32 $0x140000, s7  }
0x7: {  	s9 =	smul.u32 $0x4F00, s7;
	_ =	strace $0x8000005C;
	s29 =	ssub.s32 $0x2, s7  }
0x8: {  	s7 =	sshrl.u32 s29, $0x1;
	s10 =	sshrl.u32 s10, $0x2;
	s5 =	sadd.s32 s8, s5  }
0x9: {  	s26 =	sadd.s32 s9, s6;
	s12 =	ssub.s32 s29, s7;
	s13 =	sadd.s32 s10, s2  }
0xa: {  	s28 =	sshrl.u32 s5, $0x3;
	s5 =	sadd.s32 $0x1AE00, s6;
	s31 =	sadd.s32 s11, s26  }
0xb: {  	s8 =	smax.u32 s12, $0x1;
	s11 =	sshrl.u32 s13, $0x3;
	s12 =	simm.s32 $0x2  }
0xc: {  	s13 =	simm.s32 $0x80;
	s9 =	sadd.s32 s28, s6;
	s6 =	sor.u32 $0x1C02, s30  }
0xd: {  	s10 =	sadd.s32 $0x7200, s31;
	s7 =	sadd.s32 $0x44800, s9;
	s9 =	sadd.s32 $0x11000, s31  }
.LBB2_1:
0xe: {  	[spmem:s11], [sflag:s6] =	dma.local [hbm:s5], $0x2800  }
0xf: {  	_ =	swait.ge [sflag:s12], $0x2800  }
0x10: {  	[sflag:s12] =	ssyncset.done $0x0  }
0x11: {  	[sflag:s12] =	ssyncadd.s32 $0xFFFFD800  }
0x12: {  	s17 =	sadd.s32 $0x0, s10;
	[bflag:$0x0] =	sbarrier.arrive $0xFFFF  }
0x13: {  	[tilespmem:s3], [sflag:$0x2] =	stream.linear.gather [hbm4b:s17+s3], $0x80, $0x38;
	[tilespmem:$0x18100] =	vst v63  }
0x14: {  	_ =	swait.ge [sflag:s12], $0x80  }
0x15: {  	[sflag:s12] =	ssyncset.done $0x0  }
0x16: {  	s31 =	sadd.s32 $0x0, s9;
	[sflag:s12] =	ssyncadd.s32 $0xFFFFFF80  }
0x17: {  	[tilespmem:s13], [sflag:$0x2] =	stream.linear.gather [hbm4b:s31+s3], $0x80, $0x38;
	[tilespmem:$0x18100] =	vst v63  }
0x18: {  	_ =	swait.ge [sflag:s12], $0x80  }
0x19: {  	[sflag:s12] =	ssyncset.done $0x0  }
0x1a: {  	[sflag:s12] =	ssyncadd.s32 $0xFFFFFF80  }
0x1b: {  	[tilespmem:s14], [sflag:$0x1] =	stream.indirect.gather [hbm4b:s4+s13], $0x80, s3, s13, $0xb8;
	[tilespmem:$0x18100] =	vst v63  }
0x1c: {  	_ =	swait.ge [sflag:s15], $0x4000  }
0x1d: {  	[sflag:s15] =	ssyncset.done $0x0  }
0x1e: {  	[sflag:s15] =	ssyncadd.s32 $0xFFFFC000  }
0x1f: {  	[spmem:s2] =	stream.indirect.scatter.add.f32 [tilespmem:s14], [sflag:$0x2], $0x80, s13, s13, $0xb8;
	[tilespmem:$0x18100] =	vst v63  }
0x20: {  	_ =	swait.ge [sflag:s12], $0x4000  }
0x21: {  	s18 =	simm.s32 $0x20;
	s17 =	simm.s32 $0x10;
	[sflag:s12] =	ssyncset.done $0x0  }
.LBB2_2:
0x22: {  	s19 =	sadd.s32 s17, s10  }
0x23: {  	[sflag:s12] =	ssyncadd.s32 $0xFFFFC000;
	s20 =	smov.u32 s18;
	s21 =	sadd.s32 $0x10, s18  }
0x24: {  	[tilespmem:s3], [sflag:$0x2] =	stream.linear.gather [hbm4b:s19+s3], $0x80, $0x38;
	[tilespmem:$0x18100] =	vst v63  }
0x25: {  	p0 =	sne.s32 s18, $0x4E0;
	_ =	swait.ge [sflag:s12], $0x80  }
0x26: {  	[sflag:s12] =	ssyncset.done $0x0  }
0x27: {  	s18 =	sadd.s32 s17, s9;
	s17 =	smov.u32 s20;
	[sflag:s12] =	ssyncadd.s32 $0xFFFFFF80  }
0x28: {  	[tilespmem:s13], [sflag:$0x2] =	stream.linear.gather [hbm4b:s18+s3], $0x80, $0x38;
	[tilespmem:$0x18100] =	vst v63  }
0x29: {  	_ =	swait.ge [sflag:s12], $0x80  }
0x2a: {  	[sflag:s12] =	ssyncset.done $0x0  }
0x2b: {  	[sflag:s12] =	ssyncadd.s32 $0xFFFFFF80  }
0x2c: {  	[tilespmem:s14], [sflag:$0x1] =	stream.indirect.gather [hbm4b:s4+s13], $0x80, s3, s13, $0xb8;
	[tilespmem:$0x18100] =	vst v63  }
0x2d: {  	_ =	swait.ge [sflag:s15], $0x4000  }
.Ltmp0:
0x2e: {  	[sflag:s15] =	ssyncset.done $0x0;
	(pc) =	sbr.rel @p0 .LBB2_2-.Ltmp0, $4  }
0x2f: {  	[sflag:s15] =	ssyncadd.s32 $0xFFFFC000  }
0x30: {  	[spmem:s2] =	stream.indirect.scatter.add.f32 [tilespmem:s14], [sflag:$0x2], $0x80, s13, s13, $0xb8;
	[tilespmem:$0x18100] =	vst v63  }
0x31: {  	_ =	swait.ge [sflag:s12], $0x4000  }
0x32: {  	s18 =	smov.u32 s21;
	[sflag:s12] =	ssyncset.done $0x0  }
0x33: {  	s18 =	sadd.s32 s17, s10;
	[sflag:s12] =	ssyncadd.s32 $0xFFFFC000  }
0x34: {  	[tilespmem:s3], [sflag:$0x2] =	stream.linear.gather [hbm4b:s18+s3], $0x80, $0x38;
	[tilespmem:$0x18100] =	vst v63  }
0x35: {  	_ =	swait.ge [sflag:s12], $0x80  }
0x36: {  	[sflag:s12] =	ssyncset.done $0x0  }
0x37: {  	s31 =	sadd.s32 s17, s9;
	[sflag:s12] =	ssyncadd.s32 $0xFFFFFF80  }
0x38: {  	[tilespmem:s13], [sflag:$0x2] =	stream.linear.gather [hbm4b:s31+s3], $0x80, $0x38;
	[tilespmem:$0x18100] =	vst v63  }
0x39: {  	_ =	swait.ge [sflag:s12], $0x80  }
0x3a: {  	[sflag:s12] =	ssyncset.done $0x0  }
0x3b: {  	[sflag:s12] =	ssyncadd.s32 $0xFFFFFF80  }
0x3c: {  	[tilespmem:s14], [sflag:$0x1] =	stream.indirect.gather [hbm4b:s4+s13], $0x80, s3, s13, $0xb8;
	[tilespmem:$0x18100] =	vst v63  }
0x3d: {  	_ =	swait.ge [sflag:s15], $0x4000  }
0x3e: {  	[sflag:s15] =	ssyncset.done $0x0  }
0x3f: {  	[sflag:s15] =	ssyncadd.s32 $0xFFFFC000  }
0x40: {  	[spmem:s2] =	stream.indirect.scatter.add.f32 [tilespmem:s14], [sflag:$0x2], $0x80, s13, s13, $0xb8;
	[tilespmem:$0x18100] =	vst v63  }
0x41: {  	_ =	swait.ge [sflag:s12], $0x4000  }
0x42: {  	s16 =	sadd.s32 $0x1, s16;
	[sflag:s12] =	ssyncset.done $0x0  }
0x43: {  	p0 =	sne.s32 s16, s8;
	[sflag:s12] =	ssyncadd.s32 $0xFFFFC000  }
.Ltmp1:
0x44: {  	[bflag:$0x0] =	sbarrier.arrive $0xFFFF;
	(pc) =	sbr.rel @p0 .LBB2_1-.Ltmp1, $4  }
0x45: {  	[hbm:s7], [sflag:s6] =	dma.local [spmem:s11], $0x2800  }
0x46: {  	_ =	swait.ge [sflag:s12], $0x2800  }
0x47: {  	[sflag:s12] =	ssyncset.done $0x0  }
0x48: {  	[sflag:s12] =	ssyncadd.s32 $0xFFFFD800  }
0x49: {  	_ =	sfence.sel $0x180000  }
0x4a: {  	[bflag:$0x0] =	sbarrier.arrive $0xFFFF  }
0x4b: {  	p0 =	sne.s32 s1, $0x0;
	_ =	strace $0x9000005C  }
0x4c: {  	s0 =	sadd.s32 @!p0 $0x100000, s0;
	[bflag:$0x2] =	sbarrier.arrive $0xFFFF  }
0x4d: {  	[sflag:s0] =	ssyncadd.tile.s32 @!p0 $0x1;
	_ =	shalt  }
.Lfunc_end2:
_tile_overlayer_lowered:
.L_overlay_start_2:
0x4e: {  	(tag) =	ssettag $0x2  }
0x4f: {  	s0 =	rddreg [dreg:$0x0];
	s2 =	stileid.u32  }
0x50: {  	s1 =	rddreg [dreg:$0x1];
	p0 =	sne.s32 s2, $0x0  }
0x51: {  	s3 =	rddreg [dreg:$0x2];
	[bflag:$0x3] =	sbarrier.arrive $0xFFFF;
	s2 =	simm.s32 @!p0 $0x1C02  }
0x52: {  	[timem:s3], [sflag:s2] =	dma.local @!p0 [hbm:s0], s1  }
0x53: {  	s0 =	simm.s32 @!p0 $0x2  }
0x54: {  	_ =	swait.ge @!p0 [sflag:s0], s1  }
0x55: {  	s1 =	ssub.s32 @!p0 $0x0, s1;
	[sflag:s0] =	ssyncset.done @!p0 $0x0  }
0x56: {  	[sflag:s0] =	ssyncadd.s32 @!p0 s1  }
0x57: {  	[bflag:$0x3] =	sbarrier.arrive $0xFFFF  }
0x58: {  	_ =	shalt  }

// kernel: kernel.44.cloned.1.call-start
scs
__scs_entry_jumppad:
0x0: {  	(pc) =	sbr.rel $0x88, $3  }
0x1: {  	(tag) =	ssettag $0x0;
	lr =	simm.s32 $0x1  }
0x2: {  	[smem:$0x3F94] =	sst lr;
	_ =	strace $0xD0000000  }
0x3: {  	_ = 	snop  }
0x4: {  	_ = 	snop  }
0x5: {  	_ = 	snop  }
0x6: {  	_ = 	snop  }
0x7: {  	_ = 	snop  }
__scs_overlays_trampoline_lowered:
0x8: {  	[smem:$0x3FA3] =	sst s0  }
0x9: {  	[smem:$0x3FA4] =	sst s1  }
0xa: {  	[smem:$0x3FA5] =	sst s2  }
0xb: {  	[smem:$0x3FA6] =	sst s3  }
0xc: {  	[smem:$0x3FA7] =	sst s4  }
0xd: {  	[smem:$0x3FA8] =	sst s5  }
0xe: {  	[smem:$0x3FA9] =	sst s6  }
0xf: {  	[smem:$0x3FAA] =	sst s7  }
0x10: {  	[smem:$0x3FAB] =	sst s8  }
0x11: {  	[smem:$0x3FAC] =	sst s9;
	s0 =	simm.s32 @!p0 $0x0  }
0x12: {  	s1 =	sld [smem:$0x3F92];
	s0 =	simm.s32 @p0 $0x1  }
0x13: {  	[smem:$0x3FAD] =	sst s0;
	s0 =	simm.s32 @!p1 $0x0  }
0x14: {  	s2 =	sld [smem:$0x3F91];
	s0 =	simm.s32 @p1 $0x1  }
0x15: {  	[smem:$0x3FAE] =	sst s0;
	s0 =	simm.s32 @!p2 $0x0  }
0x16: {  	s3 =	sld [smem:$0x3FDB];
	s0 =	simm.s32 @p2 $0x1  }
0x17: {  	s4 =	simm.s32 $0x1BF5;
	[smem:$0x3FB0] =	sst s0  }
0x18: {  	s0 =	sld [smem:$0x3F93];
	_ =	swait.ge [sflag:s4], $0x0  }
0x19: {  	s7 =	sld [smem:$0x3F94]  }
0x1a: {  	s8 =	sadd.s32 $0xFFFFE003, lr  }
0x1b: {  	s9 =	sadd.s32 $0xFFFFFEF7, lr;
	s5 =	simm.s32 $0xFFFFFFFF;
	p2 =	slt.u32 s8, $0xFFFFF086  }
0x1c: {  	p1 =	slt.u32 s9, $0xF7A;
	s5 =	simm.s32 @!p2 $0x0  }
0x1d: {  	s5 =	simm.s32 @p1 $0x1;
	p0 =	seq.s32 s7, s2  }
0x1e: {  	s7 =	smul.u32 @!p0 $0xF7A, s2;
	p2 =	seq.s32 @!p0 s5, $0x0  }
0x1f: {  	s9 =	smul.u32 $0xF7A, s1;
	s8 =	simm.s32 @!p0 $0x1BF5;
	p2 =	por !p2, p0  }
0x20: {  	[sflag:s8] =	ssyncset.s32 @!p0 $0xFFFFF086;
	s6 =	sadd.s32 @!p0 s3, s7;
	s7 =	simm.s32 @!p0 $0x108  }
0x21: {  	s3 =	sadd.s32 s3, s9;
	s6 =	sadd.s32 @!p0 $0x88, s6;
	s7 =	simm.s32 @p2 $0x1082  }
0x22: {  	[simem:s7], [sflag:s8] =	dma.local @!p0 [hbm:s6], $0xF7A  }
0x23: {  	s9 =	sor.u32 $0xD0000000, s2;
	s6 =	simm.s32 $0x108;
	_ =	swait.ge @!p0 [sflag:s8], $0x0  }
0x24: {  	s3 =	sadd.s32 $0x88, s3;
	s6 =	simm.s32 @!p1 $0x1082;
	[sflag:s4] =	ssyncset.s32 $0xFFFFF086  }
0x25: {  	[simem:s6], [sflag:s4] =	dma.local [hbm:s3], $0xF7A  }
0x26: {  	[smem:$0x3F94] =	sst s1;
	(tag) =	ssettag s2;
	_ =	strace s9  }
0x27: {  	s1 =	sld [smem:$0x3FA4]  }
0x28: {  	s2 =	sld [smem:$0x3FA5]  }
0x29: {  	s4 =	sld [smem:$0x3FA7]  }
0x2a: {  	p0 =	seq.s32 s5, $0x0;
	s5 =	sld [smem:$0x3FA8]  }
0x2b: {  	s6 =	sld [smem:$0x3FA9]  }
0x2c: {  	s7 =	sld [smem:$0x3FAA]  }
0x2d: {  	s3 =	simm.s32 $0x108;
	s8 =	sld [smem:$0x3FAB]  }
0x2e: {  	s3 =	simm.s32 @!p0 $0x1082;
	s9 =	sld [smem:$0x3FAC]  }
0x2f: {  	lr =	sadd.s32 s0, s3;
	s0 =	sld [smem:$0x3FA3]  }
0x30: {  	s3 =	sld [smem:$0x3FA6]  }
0x31: {  	[smem:$0x3FAF] =	sst s10  }
0x32: {  	s10 =	sld [smem:$0x3FAD];
	_ =	sdelay $0x3  }
0x33: {  	p0 =	seq.s32 s10, $0x1;
	s10 =	sld [smem:$0x3FAF];
	_ =	sdelay $0x3  }
0x34: {  	[smem:$0x3FAF] =	sst s10  }
0x35: {  	s10 =	sld [smem:$0x3FAE];
	_ =	sdelay $0x3  }
0x36: {  	p1 =	seq.s32 s10, $0x1;
	s10 =	sld [smem:$0x3FAF];
	_ =	sdelay $0x3  }
0x37: {  	[smem:$0x3FAF] =	sst s10  }
0x38: {  	s10 =	sld [smem:$0x3FB0]  }
0x39: {  	_ = 	snop;
	(pc) =	sbr.ind lr, $3  }
0x3a: {  	_ = 	snop  }
0x3b: {  	_ = 	snop  }
0x3c: {  	p2 =	seq.s32 s10, $0x1;
	s10 =	sld [smem:$0x3FAF]  }
0x3d: {  	_ =	shalt  }
0x3e: {  	_ =	shalt  }
0x3f: {  	_ =	shalt  }
0x40: {  	_ =	shalt  }
0x41: {  	_ =	shalt  }
0x42: {  	_ =	shalt  }
0x43: {  	_ =	shalt  }
0x44: {  	_ =	shalt  }
0x45: {  	_ =	shalt  }
0x46: {  	_ =	shalt  }
0x47: {  	_ =	shalt  }
0x48: {  	_ =	shalt  }
0x49: {  	_ =	shalt  }
0x4a: {  	_ =	shalt  }
0x4b: {  	_ =	shalt  }
0x4c: {  	_ =	shalt  }
0x4d: {  	_ =	shalt  }
0x4e: {  	_ =	shalt  }
0x4f: {  	_ =	shalt  }
0x50: {  	_ =	shalt  }
0x51: {  	_ =	shalt  }
0x52: {  	_ =	shalt  }
0x53: {  	_ =	shalt  }
0x54: {  	_ =	shalt  }
0x55: {  	_ =	shalt  }
0x56: {  	_ =	shalt  }
0x57: {  	_ =	shalt  }
0x58: {  	_ =	shalt  }
0x59: {  	_ =	shalt  }
0x5a: {  	_ =	shalt  }
0x5b: {  	_ =	shalt  }
0x5c: {  	_ =	shalt  }
0x5d: {  	_ =	shalt  }
0x5e: {  	_ =	shalt  }
0x5f: {  	_ =	shalt  }
0x60: {  	_ =	shalt  }
0x61: {  	_ =	shalt  }
0x62: {  	_ =	shalt  }
0x63: {  	_ =	shalt  }
0x64: {  	_ =	shalt  }
0x65: {  	_ =	shalt  }
0x66: {  	_ =	shalt  }
0x67: {  	_ =	shalt  }
0x68: {  	_ =	shalt  }
0x69: {  	_ =	shalt  }
0x6a: {  	_ =	shalt  }
0x6b: {  	_ =	shalt  }
0x6c: {  	_ =	shalt  }
0x6d: {  	_ =	shalt  }
0x6e: {  	_ =	shalt  }
0x6f: {  	_ =	shalt  }
0x70: {  	_ =	shalt  }
0x71: {  	_ =	shalt  }
0x72: {  	_ =	shalt  }
0x73: {  	_ =	shalt  }
0x74: {  	_ =	shalt  }
0x75: {  	_ =	shalt  }
0x76: {  	_ =	shalt  }
0x77: {  	_ =	shalt  }
0x78: {  	_ =	shalt  }
0x79: {  	_ =	shalt  }
0x7a: {  	_ =	shalt  }
0x7b: {  	_ =	shalt  }
0x7c: {  	_ =	shalt  }
0x7d: {  	_ =	shalt  }
0x7e: {  	_ =	shalt  }
0x7f: {  	_ =	shalt  }
0x80: {  	_ =	shalt  }
0x81: {  	_ =	shalt  }
0x82: {  	_ =	shalt  }
0x83: {  	_ =	shalt  }
0x84: {  	_ =	shalt  }
0x85: {  	_ =	shalt  }
0x86: {  	_ =	shalt  }
0x87: {  	_ =	shalt  }
.Lfunc_end0:
.L_simem_size_0:
called_computation.8_lowered:
.L_overlay_start_0:
0x88: {  	s2 =	sld [smem:$0x3FD9]  }
0x89: {  	s3 =	sld [smem:$0x3FFE];
	_ =	sdelay $0x1  }
0x8a: {  	s1 =	srdreg.scid  }
0x8b: {  	s0 =	sand.u32 $0x1, s1  }
0x8c: {  	s16 =	sshll.u32 s0, $0xA;
	s2 =	sadd.s32 s3, s2  }
0x8d: {  	s2 =	sadd.s32 s2, s16  }
0x8e: {  	[smem:$0x3FBB] =	sst s2  }
0x8f: {  	_ = 	snop  }
0x90: {  	(tm) =	ssettm $0x1  }
0x91: {  	s17 =	sld [smem:$0x3FFB];
	_ =	sdelay $0x3  }
0x92: {  	_ =	strace s17  }
0x93: {  	s2 =	sld [smem:$0x3FFC];
	_ =	sdelay $0x3  }
0x94: {  	_ =	strace s2  }
0x95: {  	s2 =	sld [smem:$0x3FFD];
	_ =	sdelay $0x3  }
0x96: {  	_ =	strace s2  }
0x97: {  	_ =	strace $0x8FFFFFFF  }
0x98: {  	s18 =	sld [smem:$0x3FDB];
	_ =	sdelay $0x1  }
0x99: {  	s19 =	simm.s32 $_scs_section_size  }
0x9a: {  	s4 =	simm.s32 $_size__tile_overlayer_lowered;
	s5 =	simm.s32 $_tile_overlayer_lowered  }
0x9b: {  	s22 =	simm.s32 $0x1BFF;
	s21 =	sshll.u32 s5, $0x1;
	s2 =	sadd.s32 s19, s18  }
0x9c: {  	s6 =	simm.s32 $0x0;
	s20 =	sshll.u32 s4, $0x1;
	s4 =	sadd.s32 s21, s2  }
0x9d: {  	[timem:s6], [sflag:s22] =	dma.local [hbm:s4], s20  }
0x9e: {  	_ =	swait.ge [sflag:s22], s20  }
0x9f: {  	s3 =	ssub.s32 $0x0, s20;
	[sflag:s22] =	ssyncset.done $0x0  }
0xa0: {  	[sflag:s22] =	ssyncadd.s32 s3;
	_ =	sdelay $0x1  }
0xa1: {  	s23 =	simm.s32 $0x1B8B  }
0xa2: {  	_ =	swait.ge [sflag:s23], $0x1  }
0xa3: {  	[sflag:s23] =	ssyncset.done $0x0  }
0xa4: {  	s25 =	simm.s32 $0x1B8E;
	s24 =	sld [smem:$0x3FFE];
	[sflag:s23] =	ssyncadd.s32 $0xFFFFFFFF  }
0xa5: {  	s26 =	simm.s32 $execute0_lowered;
	[smem:$0x3FD2] =	sst s25  }
0xa6: {  	s4 =	sshll.u32 s26, $0x1;
	_ =	strace $0x8000005E;
	[dreg:$0x1] =	wrdreg $0xFFFFFFFF  }
0xa7: {  	s28 =	simm.s32 $_size_execute0_lowered;
	s2 =	sadd.s32 s2, s4;
	[dreg:$0x0] =	wrdreg $0x0  }
0xa8: {  	s4 =	sshll.u32 s28, $0x1;
	[dreg:$0x2] =	wrdreg s2  }
0xa9: {  	[dreg:$0x3] =	wrdreg s4  }
0xaa: {  	[dreg:$0x4] =	wrdreg $0xC0  }
0xab: {  	_ =	task [dreg:s6], $0x5FFFF  }
0xac: {  	[dreg:$0x1] =	wrdreg $0xFFFFFFFF  }
0xad: {  	[dreg:$0x0] =	wrdreg $0x60  }
0xae: {  	[dreg:$0x2] =	wrdreg s24  }
0xaf: {  	[dreg:$0x3] =	wrdreg $0x41000  }
0xb0: {  	[dreg:$0x4] =	wrdreg $0x9  }
0xb1: {  	_ =	task.clear_ibuf [dreg:s6], $0x5FFFF;
	_ =	strace $0x9000005E  }
0xb2: {  	s29 =	simm.s32 $0x9;
	_ =	strace $0x80000060  }
0xb3: {  	_ =	swait.ge [sflag:s29], $0x1  }
0xb4: {  	[sflag:s29] =	ssyncadd.s32 $0xFFFFFFFF  }
0xb5: {  	_ =	strace $0x90000060  }
0xb6: {  	_ =	sfence  }
0xb7: {  	s30 =	sld [smem:$0x0];
	_ =	sdelay $0x2  }
0xb8: {  	s31 =	sshll.u32 s1, $0xD;
	s1 =	sshrl.u32 s1, $0x2  }
0xb9: {  	s3 =	sand.u32 $0x4000, s31;
	s1 =	sadd.s32 s1, s30  }
0xba: {  	s0 =	sor.u32 s3, s0;
	s1 =	sshll.u32 s1, $0x11  }
0xbb: {  	s0 =	sor.u32 s1, s0  }
0xbc: {  	s0 =	sadd.s32 $0x8F2B, s0  }
0xbd: {  	[sflag:s0] =	ssyncadd.remote.s32 $0x1  }
0xbe: {  	_ =	sfence.sel $0xFFFF  }
0xbf: {  	[dreg:$0x0] =	wrdreg $0xFFFFFFFF;
	(pc) =	sbr.abs _section_cstart, $3  }
0xc0: {  	[dreg:$0x1] =	wrdreg $0xFFFFFFFF  }
0xc1: {  	_ =	task.clear_ibuf [dreg:s6], $0x2FFFF;
	_ =	strace $0x9FFFFFFF  }
0xc2: {  	(tm) =	ssettm $0x7FFFFFFF  }
0xc3: {  	_ =	shalt  }
tec
execute0_lowered:
.L_overlay_start_1:
0x0: {  	(tag) =	ssettag $0x1  }
0x1: {  	s6 =	rddreg [dreg:$0x0];
	s0 =	srdreg.scid  }
0x2: {  	s2 =	rddreg [dreg:$0x1];
	s1 =	stileid.u32;
	s3 =	simm.s32 $0x0  }
0x3: {  	s14 =	simm.s32 $0x100;
	s15 =	simm.s32 $0x1;
	s8 =	smul.u32 $0x14000, s1  }
0x4: {  	s7 =	sand.u32 $0x1, s0;
	s0 =	rddreg [dreg:$0x2];
	s10 =	smul.u32 $0x50000, s1  }
0x5: {  	s16 =	simm.s32 $0x0;
	[smem:$0x7FF] =	sst s3;
	s11 =	smul.u32 $0x4F0, s1  }
0x6: {  	s4 =	sadd.s32 $0x1D600, s6;
	s30 =	sshll.u32 s1, $0x6;
	s5 =	smul.u32 $0x140000, s7  }
0x7: {  	s9 =	smul.u32 $0x4F00, s7;
	_ =	strace $0x8000005F;
	s29 =	ssub.s32 $0x2, s7  }
0x8: {  	s7 =	sshrl.u32 s29, $0x1;
	s10 =	sshrl.u32 s10, $0x2;
	s5 =	sadd.s32 s8, s5  }
0x9: {  	s26 =	sadd.s32 s9, s6;
	s12 =	ssub.s32 s29, s7;
	s13 =	sadd.s32 s10, s2  }
0xa: {  	s28 =	sshrl.u32 s5, $0x3;
	s5 =	sadd.s32 $0x1AE00, s6;
	s31 =	sadd.s32 s11, s26  }
0xb: {  	s8 =	smax.u32 s12, $0x1;
	s11 =	sshrl.u32 s13, $0x3;
	s12 =	simm.s32 $0x2  }
0xc: {  	s13 =	simm.s32 $0x80;
	s9 =	sadd.s32 s28, s6;
	s6 =	sor.u32 $0x1C02, s30  }
0xd: {  	s10 =	sadd.s32 $0x7200, s31;
	s7 =	sadd.s32 $0x44800, s9;
	s9 =	sadd.s32 $0x11000, s31  }
.LBB2_1:
0xe: {  	[spmem:s11], [sflag:s6] =	dma.local [hbm:s5], $0x2800  }
0xf: {  	_ =	swait.ge [sflag:s12], $0x2800  }
0x10: {  	[sflag:s12] =	ssyncset.done $0x0  }
0x11: {  	[sflag:s12] =	ssyncadd.s32 $0xFFFFD800  }
0x12: {  	s17 =	sadd.s32 $0x0, s10;
	[bflag:$0x0] =	sbarrier.arrive $0xFFFF  }
0x13: {  	[tilespmem:s3], [sflag:$0x2] =	stream.linear.gather [hbm4b:s17+s3], $0x80, $0x38;
	[tilespmem:$0x18100] =	vst v63  }
0x14: {  	_ =	swait.ge [sflag:s12], $0x80  }
0x15: {  	[sflag:s12] =	ssyncset.done $0x0  }
0x16: {  	s31 =	sadd.s32 $0x0, s9;
	[sflag:s12] =	ssyncadd.s32 $0xFFFFFF80  }
0x17: {  	[tilespmem:s13], [sflag:$0x2] =	stream.linear.gather [hbm4b:s31+s3], $0x80, $0x38;
	[tilespmem:$0x18100] =	vst v63  }
0x18: {  	_ =	swait.ge [sflag:s12], $0x80  }
0x19: {  	[sflag:s12] =	ssyncset.done $0x0  }
0x1a: {  	[sflag:s12] =	ssyncadd.s32 $0xFFFFFF80  }
0x1b: {  	[tilespmem:s14], [sflag:$0x1] =	stream.indirect.gather [hbm4b:s4+s13], $0x80, s3, s13, $0xb8;
	[tilespmem:$0x18100] =	vst v63  }
0x1c: {  	_ =	swait.ge [sflag:s15], $0x4000  }
0x1d: {  	[sflag:s15] =	ssyncset.done $0x0  }
0x1e: {  	[sflag:s15] =	ssyncadd.s32 $0xFFFFC000  }
0x1f: {  	[spmem:s2] =	stream.indirect.scatter.add.f32 [tilespmem:s14], [sflag:$0x2], $0x80, s13, s13, $0xb8;
	[tilespmem:$0x18100] =	vst v63  }
0x20: {  	_ =	swait.ge [sflag:s12], $0x4000  }
0x21: {  	s18 =	simm.s32 $0x20;
	s17 =	simm.s32 $0x10;
	[sflag:s12] =	ssyncset.done $0x0  }
.LBB2_2:
0x22: {  	s19 =	sadd.s32 s17, s10  }
0x23: {  	[sflag:s12] =	ssyncadd.s32 $0xFFFFC000;
	s20 =	smov.u32 s18;
	s21 =	sadd.s32 $0x10, s18  }
0x24: {  	[tilespmem:s3], [sflag:$0x2] =	stream.linear.gather [hbm4b:s19+s3], $0x80, $0x38;
	[tilespmem:$0x18100] =	vst v63  }
0x25: {  	p0 =	sne.s32 s18, $0x4E0;
	_ =	swait.ge [sflag:s12], $0x80  }
0x26: {  	[sflag:s12] =	ssyncset.done $0x0  }
0x27: {  	s18 =	sadd.s32 s17, s9;
	s17 =	smov.u32 s20;
	[sflag:s12] =	ssyncadd.s32 $0xFFFFFF80  }
0x28: {  	[tilespmem:s13], [sflag:$0x2] =	stream.linear.gather [hbm4b:s18+s3], $0x80, $0x38;
	[tilespmem:$0x18100] =	vst v63  }
0x29: {  	_ =	swait.ge [sflag:s12], $0x80  }
0x2a: {  	[sflag:s12] =	ssyncset.done $0x0  }
0x2b: {  	[sflag:s12] =	ssyncadd.s32 $0xFFFFFF80  }
0x2c: {  	[tilespmem:s14], [sflag:$0x1] =	stream.indirect.gather [hbm4b:s4+s13], $0x80, s3, s13, $0xb8;
	[tilespmem:$0x18100] =	vst v63  }
0x2d: {  	_ =	swait.ge [sflag:s15], $0x4000  }
.Ltmp0:
0x2e: {  	[sflag:s15] =	ssyncset.done $0x0;
	(pc) =	sbr.rel @p0 .LBB2_2-.Ltmp0, $4  }
0x2f: {  	[sflag:s15] =	ssyncadd.s32 $0xFFFFC000  }
0x30: {  	[spmem:s2] =	stream.indirect.scatter.add.f32 [tilespmem:s14], [sflag:$0x2], $0x80, s13, s13, $0xb8;
	[tilespmem:$0x18100] =	vst v63  }
0x31: {  	_ =	swait.ge [sflag:s12], $0x4000  }
0x32: {  	s18 =	smov.u32 s21;
	[sflag:s12] =	ssyncset.done $0x0  }
0x33: {  	s18 =	sadd.s32 s17, s10;
	[sflag:s12] =	ssyncadd.s32 $0xFFFFC000  }
0x34: {  	[tilespmem:s3], [sflag:$0x2] =	stream.linear.gather [hbm4b:s18+s3], $0x80, $0x38;
	[tilespmem:$0x18100] =	vst v63  }
0x35: {  	_ =	swait.ge [sflag:s12], $0x80  }
0x36: {  	[sflag:s12] =	ssyncset.done $0x0  }
0x37: {  	s31 =	sadd.s32 s17, s9;
	[sflag:s12] =	ssyncadd.s32 $0xFFFFFF80  }
0x38: {  	[tilespmem:s13], [sflag:$0x2] =	stream.linear.gather [hbm4b:s31+s3], $0x80, $0x38;
	[tilespmem:$0x18100] =	vst v63  }
0x39: {  	_ =	swait.ge [sflag:s12], $0x80  }
0x3a: {  	[sflag:s12] =	ssyncset.done $0x0  }
0x3b: {  	[sflag:s12] =	ssyncadd.s32 $0xFFFFFF80  }
0x3c: {  	[tilespmem:s14], [sflag:$0x1] =	stream.indirect.gather [hbm4b:s4+s13], $0x80, s3, s13, $0xb8;
	[tilespmem:$0x18100] =	vst v63  }
0x3d: {  	_ =	swait.ge [sflag:s15], $0x4000  }
0x3e: {  	[sflag:s15] =	ssyncset.done $0x0  }
0x3f: {  	[sflag:s15] =	ssyncadd.s32 $0xFFFFC000  }
0x40: {  	[spmem:s2] =	stream.indirect.scatter.add.f32 [tilespmem:s14], [sflag:$0x2], $0x80, s13, s13, $0xb8;
	[tilespmem:$0x18100] =	vst v63  }
0x41: {  	_ =	swait.ge [sflag:s12], $0x4000  }
0x42: {  	s16 =	sadd.s32 $0x1, s16;
	[sflag:s12] =	ssyncset.done $0x0  }
0x43: {  	p0 =	sne.s32 s16, s8;
	[sflag:s12] =	ssyncadd.s32 $0xFFFFC000  }
.Ltmp1:
0x44: {  	[bflag:$0x0] =	sbarrier.arrive $0xFFFF;
	(pc) =	sbr.rel @p0 .LBB2_1-.Ltmp1, $4  }
0x45: {  	[hbm:s7], [sflag:s6] =	dma.local [spmem:s11], $0x2800  }
0x46: {  	_ =	swait.ge [sflag:s12], $0x2800  }
0x47: {  	[sflag:s12] =	ssyncset.done $0x0  }
0x48: {  	[sflag:s12] =	ssyncadd.s32 $0xFFFFD800  }
0x49: {  	_ =	sfence.sel $0x180000  }
0x4a: {  	[bflag:$0x0] =	sbarrier.arrive $0xFFFF  }
0x4b: {  	p0 =	sne.s32 s1, $0x0;
	_ =	strace $0x9000005F  }
0x4c: {  	s0 =	sadd.s32 @!p0 $0x100000, s0;
	[bflag:$0x2] =	sbarrier.arrive $0xFFFF  }
0x4d: {  	[sflag:s0] =	ssyncadd.tile.s32 @!p0 $0x1;
	_ =	shalt  }
.Lfunc_end2:
_tile_overlayer_lowered:
.L_overlay_start_2:
0x4e: {  	(tag) =	ssettag $0x2  }
0x4f: {  	s0 =	rddreg [dreg:$0x0];
	s2 =	stileid.u32  }
0x50: {  	s1 =	rddreg [dreg:$0x1];
	p0 =	sne.s32 s2, $0x0  }
0x51: {  	s3 =	rddreg [dreg:$0x2];
	[bflag:$0x3] =	sbarrier.arrive $0xFFFF;
	s2 =	simm.s32 @!p0 $0x1C02  }
0x52: {  	[timem:s3], [sflag:s2] =	dma.local @!p0 [hbm:s0], s1  }
0x53: {  	s0 =	simm.s32 @!p0 $0x2  }
0x54: {  	_ =	swait.ge @!p0 [sflag:s0], s1  }
0x55: {  	s1 =	ssub.s32 @!p0 $0x0, s1;
	[sflag:s0] =	ssyncset.done @!p0 $0x0  }
0x56: {  	[sflag:s0] =	ssyncadd.s32 @!p0 s1  }
0x57: {  	[bflag:$0x3] =	sbarrier.arrive $0xFFFF  }
0x58: {  	_ =	shalt  }

</sc_bundles>
